<compile_context>
chip_gen: v7x
topology: tpu7x:2x2x1
jax: 0.10.2.dev20260603
libtpu: 0.0.44.dev20260713+nightly
codegen_flags: <defaults>
</compile_context>

<pallas_src>
import functools

import numpy as np
import jax
import jax.numpy as jnp
from jax import lax
from jax.experimental import pallas as pl
from jax.experimental.pallas import tpu as pltpu
from jax.experimental.pallas import tpu_sc as plsc

N_NODES = 10000
N_EDGES = 320000
D_MODEL = 128
N_HEAD = 8
DIM_HEAD = 16

L = 16
NC = 2
NS = 16
NW = NC * NS
EDGES_PER_W = N_EDGES // NW
CHUNK = 40
NCHUNK = EDGES_PER_W // CHUNK
N_PAD = 10112
ROWS_PER_TILE = N_PAD // NS
ACC_W = 136
C_OFF = float(np.exp(5.0)) / 2.0

BLK = 1000


def _folded_colmap() -> np.ndarray:
    m = np.zeros(D_MODEL, dtype=np.int32)
    for f in range(D_MODEL):
        j, p = f // L, f % L
        if p < N_HEAD:
            h, d = p, 2 * j
        else:
            h, d = 15 - p, 2 * j + 1
        m[f] = h * DIM_HEAD + d
    return m


_COLMAP = _folded_colmap()


def _num_selector() -> np.ndarray:
    s = np.zeros((ACC_W, D_MODEL), dtype=np.float32)
    for c in range(D_MODEL):
        s[c, c] = 1.0
    return s


def _den_selector() -> np.ndarray:
    s = np.zeros((ACC_W, D_MODEL), dtype=np.float32)
    for k in range(N_HEAD):
        h = 7 - k
        for d in range(DIM_HEAD):
            s[D_MODEL + k, h * DIM_HEAD + d] = 1.0
    return s


_S_NUM = _num_selector()
_S_DEN = _den_selector()


def _proj_body(h_ref, wq_ref, wk_ref, wv_ref, qf_ref, kf_ref, v_ref):
    hb = h_ref[...]
    qf_ref[...] = jnp.dot(hb, wq_ref[...], preferred_element_type=jnp.float32)
    kf_ref[...] = jnp.dot(hb, wk_ref[...], preferred_element_type=jnp.float32)
    v_ref[...] = jnp.dot(hb, wv_ref[...], preferred_element_type=jnp.float32)


_proj = pl.pallas_call(
    _proj_body,
    grid=(N_NODES // BLK,),
    in_specs=[
        pl.BlockSpec((BLK, D_MODEL), lambda i: (i, 0)),
        pl.BlockSpec((D_MODEL, D_MODEL), lambda i: (0, 0)),
        pl.BlockSpec((D_MODEL, D_MODEL), lambda i: (0, 0)),
        pl.BlockSpec((D_MODEL, D_MODEL), lambda i: (0, 0)),
    ],
    out_specs=[
        pl.BlockSpec((BLK, D_MODEL), lambda i: (i, 0)),
        pl.BlockSpec((BLK, D_MODEL), lambda i: (i, 0)),
        pl.BlockSpec((BLK, D_MODEL), lambda i: (i, 0)),
    ],
    out_shape=[jax.ShapeDtypeStruct((N_NODES, D_MODEL), jnp.float32)] * 3,
)


@functools.cache
def _build_edge_kernel():
  mesh = plsc.VectorSubcoreMesh(
      core_axis_name="c", subcore_axis_name="s", num_cores=NC, num_subcores=NS
  )

  @functools.partial(
    pl.kernel,
    out_type=jax.ShapeDtypeStruct((NC, N_PAD, ACC_W), jnp.float32),
    mesh=mesh,
    compiler_params=pltpu.CompilerParams(use_tc_tiling_on_sc=False),
    scratch_types=[
        pltpu.VMEM_SHARED((N_PAD, ACC_W), jnp.float32),
        pltpu.VMEM((2, CHUNK), jnp.int32),
        pltpu.VMEM((2, CHUNK), jnp.int32),
        pltpu.VMEM((CHUNK, D_MODEL), jnp.float32),
        pltpu.VMEM((CHUNK, D_MODEL), jnp.float32),
        pltpu.VMEM((CHUNK, D_MODEL), jnp.float32),
        pltpu.VMEM((CHUNK, D_MODEL), jnp.float32),
        pltpu.VMEM((CHUNK, D_MODEL), jnp.float32),
        pltpu.VMEM((CHUNK, D_MODEL), jnp.float32),
        pltpu.VMEM((CHUNK, ACC_W), jnp.float32),
        pltpu.VMEM((CHUNK, ACC_W), jnp.float32),
        pltpu.VMEM((CHUNK,), jnp.int32),
        pltpu.VMEM((CHUNK,), jnp.int32),
        pltpu.SemaphoreType.DMA,
        pltpu.SemaphoreType.DMA,
        pltpu.SemaphoreType.DMA,
        pltpu.SemaphoreType.DMA,
        pltpu.SemaphoreType.DMA,
        pltpu.SemaphoreType.DMA,
    ],
  )
  def _edge_kernel(kf_hbm, qf_hbm, v_hbm, ei_hbm, out_hbm,
                   acc, idx_a, idx_b, k_a, k_b, q_a, q_b, v_a, v_b,
                   wv_a, wv_b, didx_a, didx_b,
                   semi_a, semi_b, semr_a, semr_b, sems_a, sems_b):
    cid = lax.axis_index("c")
    sid = lax.axis_index("s")
    r0 = sid * ROWS_PER_TILE
    zvec = jnp.zeros((L,), dtype=jnp.float32)

    @plsc.parallel_loop(0, CHUNK, step=1, unroll=8)
    def _zero_row(zi):
        for j in range(D_MODEL // L):
            wv_a[zi, pl.ds(j * L, L)] = zvec
        wv_a[zi, pl.ds(ACC_W - L, L)] = zvec

    for rep in range(ROWS_PER_TILE // CHUNK):
        pltpu.sync_copy(wv_a, acc.at[pl.ds(r0 + rep * CHUNK, CHUNK)])
    _TAIL = ROWS_PER_TILE - (ROWS_PER_TILE // CHUNK) * CHUNK
    pltpu.sync_copy(
        wv_a.at[pl.ds(0, _TAIL)],
        acc.at[pl.ds(r0 + ROWS_PER_TILE - _TAIL, _TAIL)])
    plsc.subcore_barrier()

    base = (cid * NS + sid) * EDGES_PER_W

    sets = (
        (idx_a, k_a, q_a, v_a, wv_a, didx_a, semi_a, semr_a, sems_a),
        (idx_b, k_b, q_b, v_b, wv_b, didx_b, semi_b, semr_b, sems_b),
    )

    def fire_idx(c, st):
        idx, _, _, _, _, _, semi, _, _ = st
        pltpu.async_copy(ei_hbm.at[:, pl.ds(base + c * CHUNK, CHUNK)], idx,
                         semi)

    def wait_idx(c, st):
        idx, _, _, _, _, _, semi, _, _ = st
        pltpu.make_async_copy(ei_hbm.at[:, pl.ds(base + c * CHUNK, CHUNK)],
                              idx, semi).wait()

    def fire_rows(st):
        idx, kb, qb, vb, _, _, _, semr, _ = st
        pltpu.async_copy(kf_hbm.at[idx.at[0]], kb, semr)
        pltpu.async_copy(qf_hbm.at[idx.at[1]], qb, semr)
        pltpu.async_copy(v_hbm.at[idx.at[0]], vb, semr)

    def wait_rows(st):
        idx, kb, qb, vb, _, _, _, semr, _ = st
        pltpu.make_async_copy(kf_hbm.at[idx.at[0]], kb, semr).wait()
        pltpu.make_async_copy(qf_hbm.at[idx.at[1]], qb, semr).wait()
        pltpu.make_async_copy(v_hbm.at[idx.at[0]], vb, semr).wait()

    def copy_didx(st):
        idx, _, _, _, _, didx, _, _, _ = st
        didx[pl.ds(0, L)] = idx[1, pl.ds(0, L)]
        didx[pl.ds(L, L)] = idx[1, pl.ds(L, L)]
        didx[pl.ds(CHUNK - L, L)] = idx[1, pl.ds(CHUNK - L, L)]

    def compute(st):
        _, kb, qb, vb, wvb, _, _, _, _ = st

        @plsc.parallel_loop(0, CHUNK, step=1, unroll=10)
        def body(e):
            prods = [kb[e, pl.ds(j * L, L)] * qb[e, pl.ds(j * L, L)]
                     for j in range(D_MODEL // L)]
            while len(prods) > 1:
                prods = [a + b for a, b in zip(prods[::2], prods[1::2])]
            t = prods[0]
            score = t + lax.rev(t, (0,))
            u = jnp.clip(score * 0.25, -5.0, 5.0)
            wvec = jnp.exp(jnp.exp(u) - C_OFF)
            wvb[e, pl.ds(120, L)] = wvec
            for hh in range(N_HEAD):
                wvb[e, pl.ds(hh * L, L)] = wvec[hh] * vb[e, pl.ds(hh * L, L)]

    def fire_scatter(st):
        _, _, _, _, wvb, didx, _, _, sems = st
        pltpu.make_async_copy(wvb, acc.at[didx], sems).start(add=True)

    def wait_scatter(st):
        _, _, _, _, wvb, didx, _, _, sems = st
        pltpu.make_async_copy(wvb, acc.at[didx], sems).wait()

    fire_idx(0, sets[0])
    wait_idx(0, sets[0])
    fire_rows(sets[0])
    fire_idx(1, sets[1])
    wait_idx(1, sets[1])
    fire_rows(sets[1])

    NPAIR = NCHUNK // 2

    def half(i, c_next, st):
        @pl.when(i > 0)
        def _():
            wait_scatter(st)

        wait_rows(st)
        copy_didx(st)

        @pl.when(i < NPAIR - 1)
        def _():
            fire_idx(c_next, st)

        compute(st)
        fire_scatter(st)

        @pl.when(i < NPAIR - 1)
        def _():
            wait_idx(c_next, st)
            fire_rows(st)

    def pair_body(i, carry):
        c = 2 * i
        half(i, c + 2, sets[0])
        half(i, c + 3, sets[1])
        return carry

    lax.fori_loop(0, NPAIR, pair_body, 0)
    wait_scatter(sets[0])
    wait_scatter(sets[1])
    plsc.subcore_barrier()
    pltpu.sync_copy(acc.at[pl.ds(r0, ROWS_PER_TILE)],
                    out_hbm.at[cid, pl.ds(r0, ROWS_PER_TILE)])

  return _edge_kernel


def _combine_body(p_ref, v_ref, sn_ref, sd_ref, o_ref):
    p = p_ref[0] + p_ref[1]
    num = jnp.dot(p, sn_ref[...], preferred_element_type=jnp.float32)
    den = jnp.dot(p, sd_ref[...], preferred_element_type=jnp.float32)
    o_ref[...] = jnp.where(den > 0.0, num / den, v_ref[...])


_combine = pl.pallas_call(
    _combine_body,
    grid=(N_NODES // BLK,),
    in_specs=[
        pl.BlockSpec((NC, BLK, ACC_W), lambda i: (0, i, 0)),
        pl.BlockSpec((BLK, D_MODEL), lambda i: (i, 0)),
        pl.BlockSpec((ACC_W, D_MODEL), lambda i: (0, 0)),
        pl.BlockSpec((ACC_W, D_MODEL), lambda i: (0, 0)),
    ],
    out_specs=pl.BlockSpec((BLK, D_MODEL), lambda i: (i, 0)),
    out_shape=jax.ShapeDtypeStruct((N_NODES, D_MODEL), jnp.float32),
)


def kernel(h, edge_index, Wq, Wk, Wv):
    colmap = jnp.asarray(_COLMAP)
    qf, kf, v = _proj(h, Wq[:, colmap], Wk[:, colmap], Wv)
    ei = edge_index.astype(jnp.int32)
    partials = _build_edge_kernel()(kf, qf, v, ei)
    out = _combine(partials, v, jnp.asarray(_S_NUM), jnp.asarray(_S_DEN))
    return out.reshape(N_NODES, N_HEAD, DIM_HEAD)

# --- scband reference (transcript-rebuilt; emitter-appended) ---
"""Pipeline reference for scband-multi-head-attention-19636590477892 (READ-ONLY COPY).

The authoritative reference and input builder live on the scoring server;
editing this copy changes nothing except your own understanding.
"""

import jax, jax.numpy as jnp
import numpy as np

N_NODES = 10000
N_EDGES = 320000
D_MODEL = 128
N_HEAD = 8
DIM_HEAD = D_MODEL // N_HEAD


def setup_inputs(seed: int = 0) -> dict:
    key = jax.random.key(seed)
    k1, k2, k3, k4, k5 = jax.random.split(key, 5)
    h = jax.random.normal(k1, (N_NODES, D_MODEL), dtype=jnp.float32)
    edge_index = jax.random.randint(k2, (2, N_EDGES), 0, N_NODES, dtype=jnp.int64)
    scale = 1.0 / np.sqrt(D_MODEL)
    Wq = jax.random.normal(k3, (D_MODEL, D_MODEL), dtype=jnp.float32) * scale
    Wk = jax.random.normal(k4, (D_MODEL, D_MODEL), dtype=jnp.float32) * scale
    Wv = jax.random.normal(k5, (D_MODEL, D_MODEL), dtype=jnp.float32) * scale
    return {"h": h, "edge_index": edge_index, "Wq": Wq, "Wk": Wk, "Wv": Wv}


def reference(h, edge_index, Wq, Wk, Wv):
    N = h.shape[0]
    # Linear projections (no bias), reshape to heads
    Q_h = (h @ Wq).reshape(N, N_HEAD, DIM_HEAD)
    K_h = (h @ Wk).reshape(N, N_HEAD, DIM_HEAD)
    V_h = (h @ Wv).reshape(N, N_HEAD, DIM_HEAD)
    src = edge_index[0]
    dst = edge_index[1]
    # apply_edges src_dot_dst('K_h','Q_h','score'): per-edge dot over dim_head
    score = jnp.sum(K_h[src] * Q_h[dst], axis=-1, keepdims=True)  # [E, H, 1]
    # scaled_exp: exp(clamp(score/sqrt(dim_head), -5, 5))
    s = jnp.exp(jnp.clip(score / np.sqrt(DIM_HEAD), -5.0, 5.0))
    # reduce_func: softmax over incoming edges of the (already exp'd) scores
    smax = jax.ops.segment_max(s, dst, num_segments=N)  # [N, H, 1]
    s_exp = jnp.exp(s - smax[dst])
    denom = jax.ops.segment_sum(s_exp, dst, num_segments=N)
    alpha = s_exp / denom[dst]
    out = jax.ops.segment_sum(alpha * V_h[src], dst, num_segments=N)  # [N, H, dh]
    # DGL update_all: nodes with zero in-degree keep their existing V_h
    deg = jax.ops.segment_sum(jnp.ones((dst.shape[0],), dtype=jnp.float32), dst, num_segments=N)
    head_out = jnp.where(deg[:, None, None] > 0, out, V_h)
    return head_out

if __name__ == "__main__":
    import jax
    _d = setup_inputs()
    print(jax.jit(kernel)(*tuple(_d.values())))

</pallas_src>

<mosaic_0001>
#map = affine_map<(d0, d1) -> (0, 0)>
#map1 = affine_map<(d0, d1) -> (0, 0, 0)>
module attributes {stable_mosaic.version = 14 : i64} {
  func.func @_edge_kernel(%arg0: i32, %arg1: i32, %arg2: memref<10000x128xf32, #tpu.memory_space<hbm>>, %arg3: memref<10000x128xf32, #tpu.memory_space<hbm>>, %arg4: memref<10000x128xf32, #tpu.memory_space<hbm>>, %arg5: memref<2x320000xi32, #tpu.memory_space<hbm>>, %arg6: memref<2x10112x136xf32, #tpu.memory_space<hbm>>, %arg7: memref<10112x136xf32, #tpu.memory_space<vmem_shared>>, %arg8: memref<2x40xi32, #tpu.memory_space<vmem>>, %arg9: memref<2x40xi32, #tpu.memory_space<vmem>>, %arg10: memref<40x128xf32, #tpu.memory_space<vmem>>, %arg11: memref<40x128xf32, #tpu.memory_space<vmem>>, %arg12: memref<40x128xf32, #tpu.memory_space<vmem>>, %arg13: memref<40x128xf32, #tpu.memory_space<vmem>>, %arg14: memref<40x128xf32, #tpu.memory_space<vmem>>, %arg15: memref<40x128xf32, #tpu.memory_space<vmem>>, %arg16: memref<40x136xf32, #tpu.memory_space<vmem>>, %arg17: memref<40x136xf32, #tpu.memory_space<vmem>>, %arg18: memref<40xi32, #tpu.memory_space<vmem>>, %arg19: memref<40xi32, #tpu.memory_space<vmem>>, %arg20: memref<!tpu.dma_semaphore, #tpu.memory_space<semaphore_mem>>, %arg21: memref<!tpu.dma_semaphore, #tpu.memory_space<semaphore_mem>>, %arg22: memref<!tpu.dma_semaphore, #tpu.memory_space<semaphore_mem>>, %arg23: memref<!tpu.dma_semaphore, #tpu.memory_space<semaphore_mem>>, %arg24: memref<!tpu.dma_semaphore, #tpu.memory_space<semaphore_mem>>, %arg25: memref<!tpu.dma_semaphore, #tpu.memory_space<semaphore_mem>>) attributes {dimension_semantics = [#tpu.dimension_semantics<core_parallel>, #tpu.dimension_semantics<subcore_parallel>], iteration_bounds = array<i64: 2, 16>, scalar_prefetch = 0 : i64, scratch_operands = 19 : i64, tpu.core_type = #tpu.core_type<sc_vector_subcore>, window_params = [{transform_indices = #map}, {transform_indices = #map}, {transform_indices = #map}, {transform_indices = #map}, {transform_indices = #map1}]} {
    %mul3A = arith.constant 632 : i32
    %mul3A_0 = arith.muli %arg1, %mul3A : i32
    %broadcast_in_dim3A = arith.constant 0.000000e+00 : f32
    %broadcast_in_dim3A_1 = vector.broadcast %broadcast_in_dim3A : f32 to vector<16xf32>
    %parallel_loop3A = arith.constant 0 : i32
    %parallel_loop3A_2 = arith.constant 40 : i32
    %parallel_loop3A_3 = arith.constant 1 : i32
    scf.for %parallel_loop3A_117 = %parallel_loop3A to %parallel_loop3A_2 step %parallel_loop3A_3  : i32 {
      %parallel_loop3A_118 = arith.index_cast %parallel_loop3A_117 : i32 to index
      %parallel_loop3A_119 = arith.constant 0 : index
      %parallel_loop3A_120 = tpu.vector_load %arg16[%parallel_loop3A_118, %parallel_loop3A_119] {strides = array<i32>} : memref<40x136xf32, #tpu.memory_space<vmem>>, vector<1x16xf32>,
      %parallel_loop3A_121 = vector.shape_cast %parallel_loop3A_120 : vector<1x16xf32> to vector<16xf32>
      %parallel_loop3A_122 = vector.shape_cast %broadcast_in_dim3A_1 : vector<16xf32> to vector<1x16xf32>
      tpu.vector_store %arg16[%parallel_loop3A_118, %parallel_loop3A_119], %parallel_loop3A_122 {strides = array<i32>} : memref<40x136xf32, #tpu.memory_space<vmem>>, vector<1x16xf32>,
      %parallel_loop3A_123 = arith.index_cast %parallel_loop3A_117 : i32 to index
      %parallel_loop3A_124 = arith.constant 16 : index
      %parallel_loop3A_125 = tpu.vector_load %arg16[%parallel_loop3A_123, %parallel_loop3A_124] {strides = array<i32>} : memref<40x136xf32, #tpu.memory_space<vmem>>, vector<1x16xf32>,
      %parallel_loop3A_126 = vector.shape_cast %parallel_loop3A_125 : vector<1x16xf32> to vector<16xf32>
      %parallel_loop3A_127 = vector.shape_cast %broadcast_in_dim3A_1 : vector<16xf32> to vector<1x16xf32>
      tpu.vector_store %arg16[%parallel_loop3A_123, %parallel_loop3A_124], %parallel_loop3A_127 {strides = array<i32>} : memref<40x136xf32, #tpu.memory_space<vmem>>, vector<1x16xf32>,
      %parallel_loop3A_128 = arith.index_cast %parallel_loop3A_117 : i32 to index
      %parallel_loop3A_129 = arith.constant 32 : index
      %parallel_loop3A_130 = tpu.vector_load %arg16[%parallel_loop3A_128, %parallel_loop3A_129] {strides = array<i32>} : memref<40x136xf32, #tpu.memory_space<vmem>>, vector<1x16xf32>,
      %parallel_loop3A_131 = vector.shape_cast %parallel_loop3A_130 : vector<1x16xf32> to vector<16xf32>
      %parallel_loop3A_132 = vector.shape_cast %broadcast_in_dim3A_1 : vector<16xf32> to vector<1x16xf32>
      tpu.vector_store %arg16[%parallel_loop3A_128, %parallel_loop3A_129], %parallel_loop3A_132 {strides = array<i32>} : memref<40x136xf32, #tpu.memory_space<vmem>>, vector<1x16xf32>,
      %parallel_loop3A_133 = arith.index_cast %parallel_loop3A_117 : i32 to index
      %parallel_loop3A_134 = arith.constant 48 : index
      %parallel_loop3A_135 = tpu.vector_load %arg16[%parallel_loop3A_133, %parallel_loop3A_134] {strides = array<i32>} : memref<40x136xf32, #tpu.memory_space<vmem>>, vector<1x16xf32>,
      %parallel_loop3A_136 = vector.shape_cast %parallel_loop3A_135 : vector<1x16xf32> to vector<16xf32>
      %parallel_loop3A_137 = vector.shape_cast %broadcast_in_dim3A_1 : vector<16xf32> to vector<1x16xf32>
      tpu.vector_store %arg16[%parallel_loop3A_133, %parallel_loop3A_134], %parallel_loop3A_137 {strides = array<i32>} : memref<40x136xf32, #tpu.memory_space<vmem>>, vector<1x16xf32>,
      %parallel_loop3A_138 = arith.index_cast %parallel_loop3A_117 : i32 to index
      %parallel_loop3A_139 = arith.constant 64 : index
      %parallel_loop3A_140 = tpu.vector_load %arg16[%parallel_loop3A_138, %parallel_loop3A_139] {strides = array<i32>} : memref<40x136xf32, #tpu.memory_space<vmem>>, vector<1x16xf32>,
      %parallel_loop3A_141 = vector.shape_cast %parallel_loop3A_140 : vector<1x16xf32> to vector<16xf32>
      %parallel_loop3A_142 = vector.shape_cast %broadcast_in_dim3A_1 : vector<16xf32> to vector<1x16xf32>
      tpu.vector_store %arg16[%parallel_loop3A_138, %parallel_loop3A_139], %parallel_loop3A_142 {strides = array<i32>} : memref<40x136xf32, #tpu.memory_space<vmem>>, vector<1x16xf32>,
      %parallel_loop3A_143 = arith.index_cast %parallel_loop3A_117 : i32 to index
      %parallel_loop3A_144 = arith.constant 80 : index
      %parallel_loop3A_145 = tpu.vector_load %arg16[%parallel_loop3A_143, %parallel_loop3A_144] {strides = array<i32>} : memref<40x136xf32, #tpu.memory_space<vmem>>, vector<1x16xf32>,
      %parallel_loop3A_146 = vector.shape_cast %parallel_loop3A_145 : vector<1x16xf32> to vector<16xf32>
      %parallel_loop3A_147 = vector.shape_cast %broadcast_in_dim3A_1 : vector<16xf32> to vector<1x16xf32>
      tpu.vector_store %arg16[%parallel_loop3A_143, %parallel_loop3A_144], %parallel_loop3A_147 {strides = array<i32>} : memref<40x136xf32, #tpu.memory_space<vmem>>, vector<1x16xf32>,
      %parallel_loop3A_148 = arith.index_cast %parallel_loop3A_117 : i32 to index
      %parallel_loop3A_149 = arith.constant 96 : index
      %parallel_loop3A_150 = tpu.vector_load %arg16[%parallel_loop3A_148, %parallel_loop3A_149] {strides = array<i32>} : memref<40x136xf32, #tpu.memory_space<vmem>>, vector<1x16xf32>,
      %parallel_loop3A_151 = vector.shape_cast %parallel_loop3A_150 : vector<1x16xf32> to vector<16xf32>
      %parallel_loop3A_152 = vector.shape_cast %broadcast_in_dim3A_1 : vector<16xf32> to vector<1x16xf32>
      tpu.vector_store %arg16[%parallel_loop3A_148, %parallel_loop3A_149], %parallel_loop3A_152 {strides = array<i32>} : memref<40x136xf32, #tpu.memory_space<vmem>>, vector<1x16xf32>,
      %parallel_loop3A_153 = arith.index_cast %parallel_loop3A_117 : i32 to index
      %parallel_loop3A_154 = arith.constant 112 : index
      %parallel_loop3A_155 = tpu.vector_load %arg16[%parallel_loop3A_153, %parallel_loop3A_154] {strides = array<i32>} : memref<40x136xf32, #tpu.memory_space<vmem>>, vector<1x16xf32>,
      %parallel_loop3A_156 = vector.shape_cast %parallel_loop3A_155 : vector<1x16xf32> to vector<16xf32>
      %parallel_loop3A_157 = vector.shape_cast %broadcast_in_dim3A_1 : vector<16xf32> to vector<1x16xf32>
      tpu.vector_store %arg16[%parallel_loop3A_153, %parallel_loop3A_154], %parallel_loop3A_157 {strides = array<i32>} : memref<40x136xf32, #tpu.memory_space<vmem>>, vector<1x16xf32>,
      %parallel_loop3A_158 = arith.index_cast %parallel_loop3A_117 : i32 to index
      %parallel_loop3A_159 = arith.constant 120 : index
      %parallel_loop3A_160 = tpu.vector_load %arg16[%parallel_loop3A_158, %parallel_loop3A_159] {strides = array<i32>} : memref<40x136xf32, #tpu.memory_space<vmem>>, vector<1x16xf32>,
      %parallel_loop3A_161 = vector.shape_cast %parallel_loop3A_160 : vector<1x16xf32> to vector<16xf32>
      %parallel_loop3A_162 = vector.shape_cast %broadcast_in_dim3A_1 : vector<16xf32> to vector<1x16xf32>
      tpu.vector_store %arg16[%parallel_loop3A_158, %parallel_loop3A_159], %parallel_loop3A_162 {strides = array<i32>} : memref<40x136xf32, #tpu.memory_space<vmem>>, vector<1x16xf32>,
    } {sc.loop_unroll_factor = 8 : i64, sc.parallel_access}
    %add3A = arith.constant 0 : i32
    %add3A_4 = arith.addi %mul3A_0, %add3A : i32
    "tpu.region"() ({
      %run_scoped3A = tpu.sem_alloc : memref<!tpu.dma_semaphore, #tpu.memory_space<semaphore_mem>>
      %dma_start3A_117 = arith.constant 0 : i32
      %dma_start3A_118 = tpu.memref_slice %arg7[%add3A_4, %dma_start3A_117] : memref<10112x136xf32, #tpu.memory_space<vmem_shared>> -> memref<40x136xf32, #tpu.memory_space<vmem_shared>>
      %dma_start3A_119 = arith.constant 0 : i32
      %dma_start3A_120 = tpu.memref_slice %arg7[%add3A_4, %dma_start3A_119] : memref<10112x136xf32, #tpu.memory_space<vmem_shared>> -> memref<40x136xf32, #tpu.memory_space<vmem_shared>>
      tpu.enqueue_dma source(%arg16 : memref<40x136xf32, #tpu.memory_space<vmem>>) target(%dma_start3A_120 : memref<40x136xf32, #tpu.memory_space<vmem_shared>>) target_semaphore(%run_scoped3A : memref<!tpu.dma_semaphore, #tpu.memory_space<semaphore_mem>>)
      %dma_wait3A_121 = arith.constant 0 : i32
      %dma_wait3A_122 = tpu.memref_slice %arg7[%add3A_4, %dma_wait3A_121] : memref<10112x136xf32, #tpu.memory_space<vmem_shared>> -> memref<40x136xf32, #tpu.memory_space<vmem_shared>>
      %dma_wait3A_123 = arith.constant 0 : i32
      %dma_wait3A_124 = tpu.memref_slice %arg7[%add3A_4, %dma_wait3A_123] : memref<10112x136xf32, #tpu.memory_space<vmem_shared>> -> memref<40x136xf32, #tpu.memory_space<vmem_shared>>
      tpu.wait_dma2 semaphore(%run_scoped3A : memref<!tpu.dma_semaphore, #tpu.memory_space<semaphore_mem>>) src(%arg16 : memref<40x136xf32, #tpu.memory_space<vmem>>) dst(%dma_wait3A_124 : memref<40x136xf32, #tpu.memory_space<vmem_shared>>)
      tpu.yield
    }) : () -> ()
    %add3A_5 = arith.constant 40 : i32
    %add3A_6 = arith.addi %mul3A_0, %add3A_5 : i32
    "tpu.region"() ({
      %run_scoped3A = tpu.sem_alloc : memref<!tpu.dma_semaphore, #tpu.memory_space<semaphore_mem>>
      %dma_start3A_117 = arith.constant 0 : i32
      %dma_start3A_118 = tpu.memref_slice %arg7[%add3A_6, %dma_start3A_117] : memref<10112x136xf32, #tpu.memory_space<vmem_shared>> -> memref<40x136xf32, #tpu.memory_space<vmem_shared>>
      %dma_start3A_119 = arith.constant 0 : i32
      %dma_start3A_120 = tpu.memref_slice %arg7[%add3A_6, %dma_start3A_119] : memref<10112x136xf32, #tpu.memory_space<vmem_shared>> -> memref<40x136xf32, #tpu.memory_space<vmem_shared>>
      tpu.enqueue_dma source(%arg16 : memref<40x136xf32, #tpu.memory_space<vmem>>) target(%dma_start3A_120 : memref<40x136xf32, #tpu.memory_space<vmem_shared>>) target_semaphore(%run_scoped3A : memref<!tpu.dma_semaphore, #tpu.memory_space<semaphore_mem>>)
      %dma_wait3A_121 = arith.constant 0 : i32
      %dma_wait3A_122 = tpu.memref_slice %arg7[%add3A_6, %dma_wait3A_121] : memref<10112x136xf32, #tpu.memory_space<vmem_shared>> -> memref<40x136xf32, #tpu.memory_space<vmem_shared>>
      %dma_wait3A_123 = arith.constant 0 : i32
      %dma_wait3A_124 = tpu.memref_slice %arg7[%add3A_6, %dma_wait3A_123] : memref<10112x136xf32, #tpu.memory_space<vmem_shared>> -> memref<40x136xf32, #tpu.memory_space<vmem_shared>>
      tpu.wait_dma2 semaphore(%run_scoped3A : memref<!tpu.dma_semaphore, #tpu.memory_space<semaphore_mem>>) src(%arg16 : memref<40x136xf32, #tpu.memory_space<vmem>>) dst(%dma_wait3A_124 : memref<40x136xf32, #tpu.memory_space<vmem_shared>>)
      tpu.yield
    }) : () -> ()
    %add3A_7 = arith.constant 80 : i32
    %add3A_8 = arith.addi %mul3A_0, %add3A_7 : i32
    "tpu.region"() ({
      %run_scoped3A = tpu.sem_alloc : memref<!tpu.dma_semaphore, #tpu.memory_space<semaphore_mem>>
      %dma_start3A_117 = arith.constant 0 : i32
      %dma_start3A_118 = tpu.memref_slice %arg7[%add3A_8, %dma_start3A_117] : memref<10112x136xf32, #tpu.memory_space<vmem_shared>> -> memref<40x136xf32, #tpu.memory_space<vmem_shared>>
      %dma_start3A_119 = arith.constant 0 : i32
      %dma_start3A_120 = tpu.memref_slice %arg7[%add3A_8, %dma_start3A_119] : memref<10112x136xf32, #tpu.memory_space<vmem_shared>> -> memref<40x136xf32, #tpu.memory_space<vmem_shared>>
      tpu.enqueue_dma source(%arg16 : memref<40x136xf32, #tpu.memory_space<vmem>>) target(%dma_start3A_120 : memref<40x136xf32, #tpu.memory_space<vmem_shared>>) target_semaphore(%run_scoped3A : memref<!tpu.dma_semaphore, #tpu.memory_space<semaphore_mem>>)
      %dma_wait3A_121 = arith.constant 0 : i32
      %dma_wait3A_122 = tpu.memref_slice %arg7[%add3A_8, %dma_wait3A_121] : memref<10112x136xf32, #tpu.memory_space<vmem_shared>> -> memref<40x136xf32, #tpu.memory_space<vmem_shared>>
      %dma_wait3A_123 = arith.constant 0 : i32
      %dma_wait3A_124 = tpu.memref_slice %arg7[%add3A_8, %dma_wait3A_123] : memref<10112x136xf32, #tpu.memory_space<vmem_shared>> -> memref<40x136xf32, #tpu.memory_space<vmem_shared>>
      tpu.wait_dma2 semaphore(%run_scoped3A : memref<!tpu.dma_semaphore, #tpu.memory_space<semaphore_mem>>) src(%arg16 : memref<40x136xf32, #tpu.memory_space<vmem>>) dst(%dma_wait3A_124 : memref<40x136xf32, #tpu.memory_space<vmem_shared>>)
      tpu.yield
    }) : () -> ()
    %add3A_9 = arith.constant 120 : i32
    %add3A_10 = arith.addi %mul3A_0, %add3A_9 : i32
    "tpu.region"() ({
      %run_scoped3A = tpu.sem_alloc : memref<!tpu.dma_semaphore, #tpu.memory_space<semaphore_mem>>
      %dma_start3A_117 = arith.constant 0 : i32
      %dma_start3A_118 = tpu.memref_slice %arg7[%add3A_10, %dma_start3A_117] : memref<10112x136xf32, #tpu.memory_space<vmem_shared>> -> memref<40x136xf32, #tpu.memory_space<vmem_shared>>
      %dma_start3A_119 = arith.constant 0 : i32
      %dma_start3A_120 = tpu.memref_slice %arg7[%add3A_10, %dma_start3A_119] : memref<10112x136xf32, #tpu.memory_space<vmem_shared>> -> memref<40x136xf32, #tpu.memory_space<vmem_shared>>
      tpu.enqueue_dma source(%arg16 : memref<40x136xf32, #tpu.memory_space<vmem>>) target(%dma_start3A_120 : memref<40x136xf32, #tpu.memory_space<vmem_shared>>) target_semaphore(%run_scoped3A : memref<!tpu.dma_semaphore, #tpu.memory_space<semaphore_mem>>)
      %dma_wait3A_121 = arith.constant 0 : i32
      %dma_wait3A_122 = tpu.memref_slice %arg7[%add3A_10, %dma_wait3A_121] : memref<10112x136xf32, #tpu.memory_space<vmem_shared>> -> memref<40x136xf32, #tpu.memory_space<vmem_shared>>
      %dma_wait3A_123 = arith.constant 0 : i32
      %dma_wait3A_124 = tpu.memref_slice %arg7[%add3A_10, %dma_wait3A_123] : memref<10112x136xf32, #tpu.memory_space<vmem_shared>> -> memref<40x136xf32, #tpu.memory_space<vmem_shared>>
      tpu.wait_dma2 semaphore(%run_scoped3A : memref<!tpu.dma_semaphore, #tpu.memory_space<semaphore_mem>>) src(%arg16 : memref<40x136xf32, #tpu.memory_space<vmem>>) dst(%dma_wait3A_124 : memref<40x136xf32, #tpu.memory_space<vmem_shared>>)
      tpu.yield
    }) : () -> ()
    %add3A_11 = arith.constant 160 : i32
    %add3A_12 = arith.addi %mul3A_0, %add3A_11 : i32
    "tpu.region"() ({
      %run_scoped3A = tpu.sem_alloc : memref<!tpu.dma_semaphore, #tpu.memory_space<semaphore_mem>>
      %dma_start3A_117 = arith.constant 0 : i32
      %dma_start3A_118 = tpu.memref_slice %arg7[%add3A_12, %dma_start3A_117] : memref<10112x136xf32, #tpu.memory_space<vmem_shared>> -> memref<40x136xf32, #tpu.memory_space<vmem_shared>>
      %dma_start3A_119 = arith.constant 0 : i32
      %dma_start3A_120 = tpu.memref_slice %arg7[%add3A_12, %dma_start3A_119] : memref<10112x136xf32, #tpu.memory_space<vmem_shared>> -> memref<40x136xf32, #tpu.memory_space<vmem_shared>>
      tpu.enqueue_dma source(%arg16 : memref<40x136xf32, #tpu.memory_space<vmem>>) target(%dma_start3A_120 : memref<40x136xf32, #tpu.memory_space<vmem_shared>>) target_semaphore(%run_scoped3A : memref<!tpu.dma_semaphore, #tpu.memory_space<semaphore_mem>>)
      %dma_wait3A_121 = arith.constant 0 : i32
      %dma_wait3A_122 = tpu.memref_slice %arg7[%add3A_12, %dma_wait3A_121] : memref<10112x136xf32, #tpu.memory_space<vmem_shared>> -> memref<40x136xf32, #tpu.memory_space<vmem_shared>>
      %dma_wait3A_123 = arith.constant 0 : i32
      %dma_wait3A_124 = tpu.memref_slice %arg7[%add3A_12, %dma_wait3A_123] : memref<10112x136xf32, #tpu.memory_space<vmem_shared>> -> memref<40x136xf32, #tpu.memory_space<vmem_shared>>
      tpu.wait_dma2 semaphore(%run_scoped3A : memref<!tpu.dma_semaphore, #tpu.memory_space<semaphore_mem>>) src(%arg16 : memref<40x136xf32, #tpu.memory_space<vmem>>) dst(%dma_wait3A_124 : memref<40x136xf32, #tpu.memory_space<vmem_shared>>)
      tpu.yield
    }) : () -> ()
    %add3A_13 = arith.constant 200 : i32
    %add3A_14 = arith.addi %mul3A_0, %add3A_13 : i32
    "tpu.region"() ({
      %run_scoped3A = tpu.sem_alloc : memref<!tpu.dma_semaphore, #tpu.memory_space<semaphore_mem>>
      %dma_start3A_117 = arith.constant 0 : i32
      %dma_start3A_118 = tpu.memref_slice %arg7[%add3A_14, %dma_start3A_117] : memref<10112x136xf32, #tpu.memory_space<vmem_shared>> -> memref<40x136xf32, #tpu.memory_space<vmem_shared>>
      %dma_start3A_119 = arith.constant 0 : i32
      %dma_start3A_120 = tpu.memref_slice %arg7[%add3A_14, %dma_start3A_119] : memref<10112x136xf32, #tpu.memory_space<vmem_shared>> -> memref<40x136xf32, #tpu.memory_space<vmem_shared>>
      tpu.enqueue_dma source(%arg16 : memref<40x136xf32, #tpu.memory_space<vmem>>) target(%dma_start3A_120 : memref<40x136xf32, #tpu.memory_space<vmem_shared>>) target_semaphore(%run_scoped3A : memref<!tpu.dma_semaphore, #tpu.memory_space<semaphore_mem>>)
      %dma_wait3A_121 = arith.constant 0 : i32
      %dma_wait3A_122 = tpu.memref_slice %arg7[%add3A_14, %dma_wait3A_121] : memref<10112x136xf32, #tpu.memory_space<vmem_shared>> -> memref<40x136xf32, #tpu.memory_space<vmem_shared>>
      %dma_wait3A_123 = arith.constant 0 : i32
      %dma_wait3A_124 = tpu.memref_slice %arg7[%add3A_14, %dma_wait3A_123] : memref<10112x136xf32, #tpu.memory_space<vmem_shared>> -> memref<40x136xf32, #tpu.memory_space<vmem_shared>>
      tpu.wait_dma2 semaphore(%run_scoped3A : memref<!tpu.dma_semaphore, #tpu.memory_space<semaphore_mem>>) src(%arg16 : memref<40x136xf32, #tpu.memory_space<vmem>>) dst(%dma_wait3A_124 : memref<40x136xf32, #tpu.memory_space<vmem_shared>>)
      tpu.yield
    }) : () -> ()
    %add3A_15 = arith.constant 240 : i32
    %add3A_16 = arith.addi %mul3A_0, %add3A_15 : i32
    "tpu.region"() ({
      %run_scoped3A = tpu.sem_alloc : memref<!tpu.dma_semaphore, #tpu.memory_space<semaphore_mem>>
      %dma_start3A_117 = arith.constant 0 : i32
      %dma_start3A_118 = tpu.memref_slice %arg7[%add3A_16, %dma_start3A_117] : memref<10112x136xf32, #tpu.memory_space<vmem_shared>> -> memref<40x136xf32, #tpu.memory_space<vmem_shared>>
      %dma_start3A_119 = arith.constant 0 : i32
      %dma_start3A_120 = tpu.memref_slice %arg7[%add3A_16, %dma_start3A_119] : memref<10112x136xf32, #tpu.memory_space<vmem_shared>> -> memref<40x136xf32, #tpu.memory_space<vmem_shared>>
      tpu.enqueue_dma source(%arg16 : memref<40x136xf32, #tpu.memory_space<vmem>>) target(%dma_start3A_120 : memref<40x136xf32, #tpu.memory_space<vmem_shared>>) target_semaphore(%run_scoped3A : memref<!tpu.dma_semaphore, #tpu.memory_space<semaphore_mem>>)
      %dma_wait3A_121 = arith.constant 0 : i32
      %dma_wait3A_122 = tpu.memref_slice %arg7[%add3A_16, %dma_wait3A_121] : memref<10112x136xf32, #tpu.memory_space<vmem_shared>> -> memref<40x136xf32, #tpu.memory_space<vmem_shared>>
      %dma_wait3A_123 = arith.constant 0 : i32
      %dma_wait3A_124 = tpu.memref_slice %arg7[%add3A_16, %dma_wait3A_123] : memref<10112x136xf32, #tpu.memory_space<vmem_shared>> -> memref<40x136xf32, #tpu.memory_space<vmem_shared>>
      tpu.wait_dma2 semaphore(%run_scoped3A : memref<!tpu.dma_semaphore, #tpu.memory_space<semaphore_mem>>) src(%arg16 : memref<40x136xf32, #tpu.memory_space<vmem>>) dst(%dma_wait3A_124 : memref<40x136xf32, #tpu.memory_space<vmem_shared>>)
      tpu.yield
    }) : () -> ()
    %add3A_17 = arith.constant 280 : i32
    %add3A_18 = arith.addi %mul3A_0, %add3A_17 : i32
    "tpu.region"() ({
      %run_scoped3A = tpu.sem_alloc : memref<!tpu.dma_semaphore, #tpu.memory_space<semaphore_mem>>
      %dma_start3A_117 = arith.constant 0 : i32
      %dma_start3A_118 = tpu.memref_slice %arg7[%add3A_18, %dma_start3A_117] : memref<10112x136xf32, #tpu.memory_space<vmem_shared>> -> memref<40x136xf32, #tpu.memory_space<vmem_shared>>
      %dma_start3A_119 = arith.constant 0 : i32
      %dma_start3A_120 = tpu.memref_slice %arg7[%add3A_18, %dma_start3A_119] : memref<10112x136xf32, #tpu.memory_space<vmem_shared>> -> memref<40x136xf32, #tpu.memory_space<vmem_shared>>
      tpu.enqueue_dma source(%arg16 : memref<40x136xf32, #tpu.memory_space<vmem>>) target(%dma_start3A_120 : memref<40x136xf32, #tpu.memory_space<vmem_shared>>) target_semaphore(%run_scoped3A : memref<!tpu.dma_semaphore, #tpu.memory_space<semaphore_mem>>)
      %dma_wait3A_121 = arith.constant 0 : i32
      %dma_wait3A_122 = tpu.memref_slice %arg7[%add3A_18, %dma_wait3A_121] : memref<10112x136xf32, #tpu.memory_space<vmem_shared>> -> memref<40x136xf32, #tpu.memory_space<vmem_shared>>
      %dma_wait3A_123 = arith.constant 0 : i32
      %dma_wait3A_124 = tpu.memref_slice %arg7[%add3A_18, %dma_wait3A_123] : memref<10112x136xf32, #tpu.memory_space<vmem_shared>> -> memref<40x136xf32, #tpu.memory_space<vmem_shared>>
      tpu.wait_dma2 semaphore(%run_scoped3A : memref<!tpu.dma_semaphore, #tpu.memory_space<semaphore_mem>>) src(%arg16 : memref<40x136xf32, #tpu.memory_space<vmem>>) dst(%dma_wait3A_124 : memref<40x136xf32, #tpu.memory_space<vmem_shared>>)
      tpu.yield
    }) : () -> ()
    %add3A_19 = arith.constant 320 : i32
    %add3A_20 = arith.addi %mul3A_0, %add3A_19 : i32
    "tpu.region"() ({
      %run_scoped3A = tpu.sem_alloc : memref<!tpu.dma_semaphore, #tpu.memory_space<semaphore_mem>>
      %dma_start3A_117 = arith.constant 0 : i32
      %dma_start3A_118 = tpu.memref_slice %arg7[%add3A_20, %dma_start3A_117] : memref<10112x136xf32, #tpu.memory_space<vmem_shared>> -> memref<40x136xf32, #tpu.memory_space<vmem_shared>>
      %dma_start3A_119 = arith.constant 0 : i32
      %dma_start3A_120 = tpu.memref_slice %arg7[%add3A_20, %dma_start3A_119] : memref<10112x136xf32, #tpu.memory_space<vmem_shared>> -> memref<40x136xf32, #tpu.memory_space<vmem_shared>>
      tpu.enqueue_dma source(%arg16 : memref<40x136xf32, #tpu.memory_space<vmem>>) target(%dma_start3A_120 : memref<40x136xf32, #tpu.memory_space<vmem_shared>>) target_semaphore(%run_scoped3A : memref<!tpu.dma_semaphore, #tpu.memory_space<semaphore_mem>>)
      %dma_wait3A_121 = arith.constant 0 : i32
      %dma_wait3A_122 = tpu.memref_slice %arg7[%add3A_20, %dma_wait3A_121] : memref<10112x136xf32, #tpu.memory_space<vmem_shared>> -> memref<40x136xf32, #tpu.memory_space<vmem_shared>>
      %dma_wait3A_123 = arith.constant 0 : i32
      %dma_wait3A_124 = tpu.memref_slice %arg7[%add3A_20, %dma_wait3A_123] : memref<10112x136xf32, #tpu.memory_space<vmem_shared>> -> memref<40x136xf32, #tpu.memory_space<vmem_shared>>
      tpu.wait_dma2 semaphore(%run_scoped3A : memref<!tpu.dma_semaphore, #tpu.memory_space<semaphore_mem>>) src(%arg16 : memref<40x136xf32, #tpu.memory_space<vmem>>) dst(%dma_wait3A_124 : memref<40x136xf32, #tpu.memory_space<vmem_shared>>)
      tpu.yield
    }) : () -> ()
    %add3A_21 = arith.constant 360 : i32
    %add3A_22 = arith.addi %mul3A_0, %add3A_21 : i32
    "tpu.region"() ({
      %run_scoped3A = tpu.sem_alloc : memref<!tpu.dma_semaphore, #tpu.memory_space<semaphore_mem>>
      %dma_start3A_117 = arith.constant 0 : i32
      %dma_start3A_118 = tpu.memref_slice %arg7[%add3A_22, %dma_start3A_117] : memref<10112x136xf32, #tpu.memory_space<vmem_shared>> -> memref<40x136xf32, #tpu.memory_space<vmem_shared>>
      %dma_start3A_119 = arith.constant 0 : i32
      %dma_start3A_120 = tpu.memref_slice %arg7[%add3A_22, %dma_start3A_119] : memref<10112x136xf32, #tpu.memory_space<vmem_shared>> -> memref<40x136xf32, #tpu.memory_space<vmem_shared>>
      tpu.enqueue_dma source(%arg16 : memref<40x136xf32, #tpu.memory_space<vmem>>) target(%dma_start3A_120 : memref<40x136xf32, #tpu.memory_space<vmem_shared>>) target_semaphore(%run_scoped3A : memref<!tpu.dma_semaphore, #tpu.memory_space<semaphore_mem>>)
      %dma_wait3A_121 = arith.constant 0 : i32
      %dma_wait3A_122 = tpu.memref_slice %arg7[%add3A_22, %dma_wait3A_121] : memref<10112x136xf32, #tpu.memory_space<vmem_shared>> -> memref<40x136xf32, #tpu.memory_space<vmem_shared>>
      %dma_wait3A_123 = arith.constant 0 : i32
      %dma_wait3A_124 = tpu.memref_slice %arg7[%add3A_22, %dma_wait3A_123] : memref<10112x136xf32, #tpu.memory_space<vmem_shared>> -> memref<40x136xf32, #tpu.memory_space<vmem_shared>>
      tpu.wait_dma2 semaphore(%run_scoped3A : memref<!tpu.dma_semaphore, #tpu.memory_space<semaphore_mem>>) src(%arg16 : memref<40x136xf32, #tpu.memory_space<vmem>>) dst(%dma_wait3A_124 : memref<40x136xf32, #tpu.memory_space<vmem_shared>>)
      tpu.yield
    }) : () -> ()
    %add3A_23 = arith.constant 400 : i32
    %add3A_24 = arith.addi %mul3A_0, %add3A_23 : i32
    "tpu.region"() ({
      %run_scoped3A = tpu.sem_alloc : memref<!tpu.dma_semaphore, #tpu.memory_space<semaphore_mem>>
      %dma_start3A_117 = arith.constant 0 : i32
      %dma_start3A_118 = tpu.memref_slice %arg7[%add3A_24, %dma_start3A_117] : memref<10112x136xf32, #tpu.memory_space<vmem_shared>> -> memref<40x136xf32, #tpu.memory_space<vmem_shared>>
      %dma_start3A_119 = arith.constant 0 : i32
      %dma_start3A_120 = tpu.memref_slice %arg7[%add3A_24, %dma_start3A_119] : memref<10112x136xf32, #tpu.memory_space<vmem_shared>> -> memref<40x136xf32, #tpu.memory_space<vmem_shared>>
      tpu.enqueue_dma source(%arg16 : memref<40x136xf32, #tpu.memory_space<vmem>>) target(%dma_start3A_120 : memref<40x136xf32, #tpu.memory_space<vmem_shared>>) target_semaphore(%run_scoped3A : memref<!tpu.dma_semaphore, #tpu.memory_space<semaphore_mem>>)
      %dma_wait3A_121 = arith.constant 0 : i32
      %dma_wait3A_122 = tpu.memref_slice %arg7[%add3A_24, %dma_wait3A_121] : memref<10112x136xf32, #tpu.memory_space<vmem_shared>> -> memref<40x136xf32, #tpu.memory_space<vmem_shared>>
      %dma_wait3A_123 = arith.constant 0 : i32
      %dma_wait3A_124 = tpu.memref_slice %arg7[%add3A_24, %dma_wait3A_123] : memref<10112x136xf32, #tpu.memory_space<vmem_shared>> -> memref<40x136xf32, #tpu.memory_space<vmem_shared>>
      tpu.wait_dma2 semaphore(%run_scoped3A : memref<!tpu.dma_semaphore, #tpu.memory_space<semaphore_mem>>) src(%arg16 : memref<40x136xf32, #tpu.memory_space<vmem>>) dst(%dma_wait3A_124 : memref<40x136xf32, #tpu.memory_space<vmem_shared>>)
      tpu.yield
    }) : () -> ()
    %add3A_25 = arith.constant 440 : i32
    %add3A_26 = arith.addi %mul3A_0, %add3A_25 : i32
    "tpu.region"() ({
      %run_scoped3A = tpu.sem_alloc : memref<!tpu.dma_semaphore, #tpu.memory_space<semaphore_mem>>
      %dma_start3A_117 = arith.constant 0 : i32
      %dma_start3A_118 = tpu.memref_slice %arg7[%add3A_26, %dma_start3A_117] : memref<10112x136xf32, #tpu.memory_space<vmem_shared>> -> memref<40x136xf32, #tpu.memory_space<vmem_shared>>
      %dma_start3A_119 = arith.constant 0 : i32
      %dma_start3A_120 = tpu.memref_slice %arg7[%add3A_26, %dma_start3A_119] : memref<10112x136xf32, #tpu.memory_space<vmem_shared>> -> memref<40x136xf32, #tpu.memory_space<vmem_shared>>
      tpu.enqueue_dma source(%arg16 : memref<40x136xf32, #tpu.memory_space<vmem>>) target(%dma_start3A_120 : memref<40x136xf32, #tpu.memory_space<vmem_shared>>) target_semaphore(%run_scoped3A : memref<!tpu.dma_semaphore, #tpu.memory_space<semaphore_mem>>)
      %dma_wait3A_121 = arith.constant 0 : i32
      %dma_wait3A_122 = tpu.memref_slice %arg7[%add3A_26, %dma_wait3A_121] : memref<10112x136xf32, #tpu.memory_space<vmem_shared>> -> memref<40x136xf32, #tpu.memory_space<vmem_shared>>
      %dma_wait3A_123 = arith.constant 0 : i32
      %dma_wait3A_124 = tpu.memref_slice %arg7[%add3A_26, %dma_wait3A_123] : memref<10112x136xf32, #tpu.memory_space<vmem_shared>> -> memref<40x136xf32, #tpu.memory_space<vmem_shared>>
      tpu.wait_dma2 semaphore(%run_scoped3A : memref<!tpu.dma_semaphore, #tpu.memory_space<semaphore_mem>>) src(%arg16 : memref<40x136xf32, #tpu.memory_space<vmem>>) dst(%dma_wait3A_124 : memref<40x136xf32, #tpu.memory_space<vmem_shared>>)
      tpu.yield
    }) : () -> ()
    %add3A_27 = arith.constant 480 : i32
    %add3A_28 = arith.addi %mul3A_0, %add3A_27 : i32
    "tpu.region"() ({
      %run_scoped3A = tpu.sem_alloc : memref<!tpu.dma_semaphore, #tpu.memory_space<semaphore_mem>>
      %dma_start3A_117 = arith.constant 0 : i32
      %dma_start3A_118 = tpu.memref_slice %arg7[%add3A_28, %dma_start3A_117] : memref<10112x136xf32, #tpu.memory_space<vmem_shared>> -> memref<40x136xf32, #tpu.memory_space<vmem_shared>>
      %dma_start3A_119 = arith.constant 0 : i32
      %dma_start3A_120 = tpu.memref_slice %arg7[%add3A_28, %dma_start3A_119] : memref<10112x136xf32, #tpu.memory_space<vmem_shared>> -> memref<40x136xf32, #tpu.memory_space<vmem_shared>>
      tpu.enqueue_dma source(%arg16 : memref<40x136xf32, #tpu.memory_space<vmem>>) target(%dma_start3A_120 : memref<40x136xf32, #tpu.memory_space<vmem_shared>>) target_semaphore(%run_scoped3A : memref<!tpu.dma_semaphore, #tpu.memory_space<semaphore_mem>>)
      %dma_wait3A_121 = arith.constant 0 : i32
      %dma_wait3A_122 = tpu.memref_slice %arg7[%add3A_28, %dma_wait3A_121] : memref<10112x136xf32, #tpu.memory_space<vmem_shared>> -> memref<40x136xf32, #tpu.memory_space<vmem_shared>>
      %dma_wait3A_123 = arith.constant 0 : i32
      %dma_wait3A_124 = tpu.memref_slice %arg7[%add3A_28, %dma_wait3A_123] : memref<10112x136xf32, #tpu.memory_space<vmem_shared>> -> memref<40x136xf32, #tpu.memory_space<vmem_shared>>
      tpu.wait_dma2 semaphore(%run_scoped3A : memref<!tpu.dma_semaphore, #tpu.memory_space<semaphore_mem>>) src(%arg16 : memref<40x136xf32, #tpu.memory_space<vmem>>) dst(%dma_wait3A_124 : memref<40x136xf32, #tpu.memory_space<vmem_shared>>)
      tpu.yield
    }) : () -> ()
    %add3A_29 = arith.constant 520 : i32
    %add3A_30 = arith.addi %mul3A_0, %add3A_29 : i32
    "tpu.region"() ({
      %run_scoped3A = tpu.sem_alloc : memref<!tpu.dma_semaphore, #tpu.memory_space<semaphore_mem>>
      %dma_start3A_117 = arith.constant 0 : i32
      %dma_start3A_118 = tpu.memref_slice %arg7[%add3A_30, %dma_start3A_117] : memref<10112x136xf32, #tpu.memory_space<vmem_shared>> -> memref<40x136xf32, #tpu.memory_space<vmem_shared>>
      %dma_start3A_119 = arith.constant 0 : i32
      %dma_start3A_120 = tpu.memref_slice %arg7[%add3A_30, %dma_start3A_119] : memref<10112x136xf32, #tpu.memory_space<vmem_shared>> -> memref<40x136xf32, #tpu.memory_space<vmem_shared>>
      tpu.enqueue_dma source(%arg16 : memref<40x136xf32, #tpu.memory_space<vmem>>) target(%dma_start3A_120 : memref<40x136xf32, #tpu.memory_space<vmem_shared>>) target_semaphore(%run_scoped3A : memref<!tpu.dma_semaphore, #tpu.memory_space<semaphore_mem>>)
      %dma_wait3A_121 = arith.constant 0 : i32
      %dma_wait3A_122 = tpu.memref_slice %arg7[%add3A_30, %dma_wait3A_121] : memref<10112x136xf32, #tpu.memory_space<vmem_shared>> -> memref<40x136xf32, #tpu.memory_space<vmem_shared>>
      %dma_wait3A_123 = arith.constant 0 : i32
      %dma_wait3A_124 = tpu.memref_slice %arg7[%add3A_30, %dma_wait3A_123] : memref<10112x136xf32, #tpu.memory_space<vmem_shared>> -> memref<40x136xf32, #tpu.memory_space<vmem_shared>>
      tpu.wait_dma2 semaphore(%run_scoped3A : memref<!tpu.dma_semaphore, #tpu.memory_space<semaphore_mem>>) src(%arg16 : memref<40x136xf32, #tpu.memory_space<vmem>>) dst(%dma_wait3A_124 : memref<40x136xf32, #tpu.memory_space<vmem_shared>>)
      tpu.yield
    }) : () -> ()
    %add3A_31 = arith.constant 560 : i32
    %add3A_32 = arith.addi %mul3A_0, %add3A_31 : i32
    "tpu.region"() ({
      %run_scoped3A = tpu.sem_alloc : memref<!tpu.dma_semaphore, #tpu.memory_space<semaphore_mem>>
      %dma_start3A_117 = arith.constant 0 : i32
      %dma_start3A_118 = tpu.memref_slice %arg7[%add3A_32, %dma_start3A_117] : memref<10112x136xf32, #tpu.memory_space<vmem_shared>> -> memref<40x136xf32, #tpu.memory_space<vmem_shared>>
      %dma_start3A_119 = arith.constant 0 : i32
      %dma_start3A_120 = tpu.memref_slice %arg7[%add3A_32, %dma_start3A_119] : memref<10112x136xf32, #tpu.memory_space<vmem_shared>> -> memref<40x136xf32, #tpu.memory_space<vmem_shared>>
      tpu.enqueue_dma source(%arg16 : memref<40x136xf32, #tpu.memory_space<vmem>>) target(%dma_start3A_120 : memref<40x136xf32, #tpu.memory_space<vmem_shared>>) target_semaphore(%run_scoped3A : memref<!tpu.dma_semaphore, #tpu.memory_space<semaphore_mem>>)
      %dma_wait3A_121 = arith.constant 0 : i32
      %dma_wait3A_122 = tpu.memref_slice %arg7[%add3A_32, %dma_wait3A_121] : memref<10112x136xf32, #tpu.memory_space<vmem_shared>> -> memref<40x136xf32, #tpu.memory_space<vmem_shared>>
      %dma_wait3A_123 = arith.constant 0 : i32
      %dma_wait3A_124 = tpu.memref_slice %arg7[%add3A_32, %dma_wait3A_123] : memref<10112x136xf32, #tpu.memory_space<vmem_shared>> -> memref<40x136xf32, #tpu.memory_space<vmem_shared>>
      tpu.wait_dma2 semaphore(%run_scoped3A : memref<!tpu.dma_semaphore, #tpu.memory_space<semaphore_mem>>) src(%arg16 : memref<40x136xf32, #tpu.memory_space<vmem>>) dst(%dma_wait3A_124 : memref<40x136xf32, #tpu.memory_space<vmem_shared>>)
      tpu.yield
    }) : () -> ()
    %add3A_33 = arith.constant 632 : i32
    %add3A_34 = arith.addi %mul3A_0, %add3A_33 : i32
    %sub3A = arith.constant 32 : i32
    %sub3A_35 = arith.subi %add3A_34, %sub3A : i32
    "tpu.region"() ({
      %run_scoped3A = tpu.sem_alloc : memref<!tpu.dma_semaphore, #tpu.memory_space<semaphore_mem>>
      %dma_start3A_117 = arith.constant 0 : i32
      %dma_start3A_118 = arith.constant 0 : i32
      %dma_start3A_119 = tpu.memref_slice %arg16[%dma_start3A_117, %dma_start3A_118] : memref<40x136xf32, #tpu.memory_space<vmem>> -> memref<32x136xf32, #tpu.memory_space<vmem>>
      %dma_start3A_120 = arith.constant 0 : i32
      %dma_start3A_121 = tpu.memref_slice %arg7[%sub3A_35, %dma_start3A_120] : memref<10112x136xf32, #tpu.memory_space<vmem_shared>> -> memref<32x136xf32, #tpu.memory_space<vmem_shared>>
      %dma_start3A_122 = arith.constant 0 : i32
      %dma_start3A_123 = tpu.memref_slice %arg7[%sub3A_35, %dma_start3A_122] : memref<10112x136xf32, #tpu.memory_space<vmem_shared>> -> memref<32x136xf32, #tpu.memory_space<vmem_shared>>
      %dma_start3A_124 = arith.constant 0 : i32
      %dma_start3A_125 = arith.constant 0 : i32
      %dma_start3A_126 = tpu.memref_slice %arg16[%dma_start3A_124, %dma_start3A_125] : memref<40x136xf32, #tpu.memory_space<vmem>> -> memref<32x136xf32, #tpu.memory_space<vmem>>
      tpu.enqueue_dma source(%dma_start3A_126 : memref<32x136xf32, #tpu.memory_space<vmem>>) target(%dma_start3A_123 : memref<32x136xf32, #tpu.memory_space<vmem_shared>>) target_semaphore(%run_scoped3A : memref<!tpu.dma_semaphore, #tpu.memory_space<semaphore_mem>>)
      %dma_wait3A_127 = arith.constant 0 : i32
      %dma_wait3A_128 = arith.constant 0 : i32
      %dma_wait3A_129 = tpu.memref_slice %arg16[%dma_wait3A_127, %dma_wait3A_128] : memref<40x136xf32, #tpu.memory_space<vmem>> -> memref<32x136xf32, #tpu.memory_space<vmem>>
      %dma_wait3A_130 = arith.constant 0 : i32
      %dma_wait3A_131 = tpu.memref_slice %arg7[%sub3A_35, %dma_wait3A_130] : memref<10112x136xf32, #tpu.memory_space<vmem_shared>> -> memref<32x136xf32, #tpu.memory_space<vmem_shared>>
      %dma_wait3A_132 = arith.constant 0 : i32
      %dma_wait3A_133 = tpu.memref_slice %arg7[%sub3A_35, %dma_wait3A_132] : memref<10112x136xf32, #tpu.memory_space<vmem_shared>> -> memref<32x136xf32, #tpu.memory_space<vmem_shared>>
      %dma_wait3A_134 = arith.constant 0 : i32
      %dma_wait3A_135 = arith.constant 0 : i32
      %dma_wait3A_136 = tpu.memref_slice %arg16[%dma_wait3A_134, %dma_wait3A_135] : memref<40x136xf32, #tpu.memory_space<vmem>> -> memref<32x136xf32, #tpu.memory_space<vmem>>
      tpu.wait_dma2 semaphore(%run_scoped3A : memref<!tpu.dma_semaphore, #tpu.memory_space<semaphore_mem>>) src(%dma_wait3A_136 : memref<32x136xf32, #tpu.memory_space<vmem>>) dst(%dma_wait3A_133 : memref<32x136xf32, #tpu.memory_space<vmem_shared>>)
      tpu.yield
    }) : () -> ()
    %barrier3A = arith.constant 0 : index
    tpu.barrier barrier_id(%barrier3A)
    %mul3A_36 = arith.constant 16 : i32
    %mul3A_37 = arith.muli %arg0, %mul3A_36 : i32
    %add3A_38 = arith.addi %mul3A_37, %arg1 : i32
    %mul3A_39 = arith.constant 10000 : i32
    %mul3A_40 = arith.muli %add3A_38, %mul3A_39 : i32
    %add3A_41 = arith.constant 0 : i32
    %add3A_42 = arith.addi %mul3A_40, %add3A_41 : i32
    %dma_start3A = arith.constant 0 : i32
    %dma_start3A_43 = tpu.memref_slice %arg5[%dma_start3A, %add3A_42] : memref<2x320000xi32, #tpu.memory_space<hbm>> -> memref<2x40xi32, #tpu.memory_space<hbm>>
    %dma_start3A_44 = arith.constant 0 : i32
    %dma_start3A_45 = tpu.memref_slice %arg5[%dma_start3A_44, %add3A_42] : memref<2x320000xi32, #tpu.memory_space<hbm>> -> memref<2x40xi32, #tpu.memory_space<hbm>>
    tpu.enqueue_dma source(%dma_start3A_45 : memref<2x40xi32, #tpu.memory_space<hbm>>) target(%arg8 : memref<2x40xi32, #tpu.memory_space<vmem>>) target_semaphore(%arg20 : memref<!tpu.dma_semaphore, #tpu.memory_space<semaphore_mem>>)
    %add3A_46 = arith.constant 0 : i32
    %add3A_47 = arith.addi %mul3A_40, %add3A_46 : i32
    %dma_wait3A = arith.constant 0 : i32
    %dma_wait3A_48 = tpu.memref_slice %arg5[%dma_wait3A, %add3A_47] : memref<2x320000xi32, #tpu.memory_space<hbm>> -> memref<2x40xi32, #tpu.memory_space<hbm>>
    %dma_wait3A_49 = arith.constant 0 : i32
    %dma_wait3A_50 = tpu.memref_slice %arg5[%dma_wait3A_49, %add3A_47] : memref<2x320000xi32, #tpu.memory_space<hbm>> -> memref<2x40xi32, #tpu.memory_space<hbm>>
    tpu.wait_dma2 semaphore(%arg20 : memref<!tpu.dma_semaphore, #tpu.memory_space<semaphore_mem>>) src(%dma_wait3A_50 : memref<2x40xi32, #tpu.memory_space<hbm>>) dst(%arg8 : memref<2x40xi32, #tpu.memory_space<vmem>>)
    %dma_start3A_51 = arith.constant 0 : i32
    %dma_start3A_52 = arith.constant 0 : i32
    %dma_start3A_53 = tpu.memref_slice %arg8[%dma_start3A_51, %dma_start3A_52] : memref<2x40xi32, #tpu.memory_space<vmem>> -> memref<1x40xi32, #tpu.memory_space<vmem>>
    %dma_start3A_54 = tpu.memref_squeeze %dma_start3A_53 : memref<1x40xi32, #tpu.memory_space<vmem>> -> memref<40xi32, #tpu.memory_space<vmem>>
    %dma_start3A_55 = arith.constant 0 : i32
    %dma_start3A_56 = arith.constant 0 : i32
    %dma_start3A_57 = tpu.memref_slice %arg2[%dma_start3A_55, %dma_start3A_56] : memref<10000x128xf32, #tpu.memory_space<hbm>> -> memref<10000x128xf32, #tpu.memory_space<hbm>>
    tpu.enqueue_indirect_dma source(%dma_start3A_57 : memref<10000x128xf32, #tpu.memory_space<hbm>>) target(%arg10 : memref<40x128xf32, #tpu.memory_space<vmem>>) offsets(%dma_start3A_54 : memref<40xi32, #tpu.memory_space<vmem>>) semaphore(%arg22 : memref<!tpu.dma_semaphore, #tpu.memory_space<semaphore_mem>>)
    %dma_start3A_58 = arith.constant 1 : i32
    %dma_start3A_59 = arith.constant 0 : i32
    %dma_start3A_60 = tpu.memref_slice %arg8[%dma_start3A_58, %dma_start3A_59] : memref<2x40xi32, #tpu.memory_space<vmem>> -> memref<1x40xi32, #tpu.memory_space<vmem>>
    %dma_start3A_61 = tpu.memref_squeeze %dma_start3A_60 : memref<1x40xi32, #tpu.memory_space<vmem>> -> memref<40xi32, #tpu.memory_space<vmem>>
    %dma_start3A_62 = arith.constant 0 : i32
    %dma_start3A_63 = arith.constant 0 : i32
    %dma_start3A_64 = tpu.memref_slice %arg3[%dma_start3A_62, %dma_start3A_63] : memref<10000x128xf32, #tpu.memory_space<hbm>> -> memref<10000x128xf32, #tpu.memory_space<hbm>>
    tpu.enqueue_indirect_dma source(%dma_start3A_64 : memref<10000x128xf32, #tpu.memory_space<hbm>>) target(%arg12 : memref<40x128xf32, #tpu.memory_space<vmem>>) offsets(%dma_start3A_61 : memref<40xi32, #tpu.memory_space<vmem>>) semaphore(%arg22 : memref<!tpu.dma_semaphore, #tpu.memory_space<semaphore_mem>>)
    %dma_start3A_65 = arith.constant 0 : i32
    %dma_start3A_66 = arith.constant 0 : i32
    %dma_start3A_67 = tpu.memref_slice %arg8[%dma_start3A_65, %dma_start3A_66] : memref<2x40xi32, #tpu.memory_space<vmem>> -> memref<1x40xi32, #tpu.memory_space<vmem>>
    %dma_start3A_68 = tpu.memref_squeeze %dma_start3A_67 : memref<1x40xi32, #tpu.memory_space<vmem>> -> memref<40xi32, #tpu.memory_space<vmem>>
    %dma_start3A_69 = arith.constant 0 : i32
    %dma_start3A_70 = arith.constant 0 : i32
    %dma_start3A_71 = tpu.memref_slice %arg4[%dma_start3A_69, %dma_start3A_70] : memref<10000x128xf32, #tpu.memory_space<hbm>> -> memref<10000x128xf32, #tpu.memory_space<hbm>>
    tpu.enqueue_indirect_dma source(%dma_start3A_71 : memref<10000x128xf32, #tpu.memory_space<hbm>>) target(%arg14 : memref<40x128xf32, #tpu.memory_space<vmem>>) offsets(%dma_start3A_68 : memref<40xi32, #tpu.memory_space<vmem>>) semaphore(%arg22 : memref<!tpu.dma_semaphore, #tpu.memory_space<semaphore_mem>>)
    %add3A_72 = arith.constant 40 : i32
    %add3A_73 = arith.addi %mul3A_40, %add3A_72 : i32
    %dma_start3A_74 = arith.constant 0 : i32
    %dma_start3A_75 = tpu.memref_slice %arg5[%dma_start3A_74, %add3A_73] : memref<2x320000xi32, #tpu.memory_space<hbm>> -> memref<2x40xi32, #tpu.memory_space<hbm>>
    %dma_start3A_76 = arith.constant 0 : i32
    %dma_start3A_77 = tpu.memref_slice %arg5[%dma_start3A_76, %add3A_73] : memref<2x320000xi32, #tpu.memory_space<hbm>> -> memref<2x40xi32, #tpu.memory_space<hbm>>
    tpu.enqueue_dma source(%dma_start3A_77 : memref<2x40xi32, #tpu.memory_space<hbm>>) target(%arg9 : memref<2x40xi32, #tpu.memory_space<vmem>>) target_semaphore(%arg21 : memref<!tpu.dma_semaphore, #tpu.memory_space<semaphore_mem>>)
    %add3A_78 = arith.constant 40 : i32
    %add3A_79 = arith.addi %mul3A_40, %add3A_78 : i32
    %dma_wait3A_80 = arith.constant 0 : i32
    %dma_wait3A_81 = tpu.memref_slice %arg5[%dma_wait3A_80, %add3A_79] : memref<2x320000xi32, #tpu.memory_space<hbm>> -> memref<2x40xi32, #tpu.memory_space<hbm>>
    %dma_wait3A_82 = arith.constant 0 : i32
    %dma_wait3A_83 = tpu.memref_slice %arg5[%dma_wait3A_82, %add3A_79] : memref<2x320000xi32, #tpu.memory_space<hbm>> -> memref<2x40xi32, #tpu.memory_space<hbm>>
    tpu.wait_dma2 semaphore(%arg21 : memref<!tpu.dma_semaphore, #tpu.memory_space<semaphore_mem>>) src(%dma_wait3A_83 : memref<2x40xi32, #tpu.memory_space<hbm>>) dst(%arg9 : memref<2x40xi32, #tpu.memory_space<vmem>>)
    %dma_start3A_84 = arith.constant 0 : i32
    %dma_start3A_85 = arith.constant 0 : i32
    %dma_start3A_86 = tpu.memref_slice %arg9[%dma_start3A_84, %dma_start3A_85] : memref<2x40xi32, #tpu.memory_space<vmem>> -> memref<1x40xi32, #tpu.memory_space<vmem>>
    %dma_start3A_87 = tpu.memref_squeeze %dma_start3A_86 : memref<1x40xi32, #tpu.memory_space<vmem>> -> memref<40xi32, #tpu.memory_space<vmem>>
    %dma_start3A_88 = arith.constant 0 : i32
    %dma_start3A_89 = arith.constant 0 : i32
    %dma_start3A_90 = tpu.memref_slice %arg2[%dma_start3A_88, %dma_start3A_89] : memref<10000x128xf32, #tpu.memory_space<hbm>> -> memref<10000x128xf32, #tpu.memory_space<hbm>>
    tpu.enqueue_indirect_dma source(%dma_start3A_90 : memref<10000x128xf32, #tpu.memory_space<hbm>>) target(%arg11 : memref<40x128xf32, #tpu.memory_space<vmem>>) offsets(%dma_start3A_87 : memref<40xi32, #tpu.memory_space<vmem>>) semaphore(%arg23 : memref<!tpu.dma_semaphore, #tpu.memory_space<semaphore_mem>>)
    %dma_start3A_91 = arith.constant 1 : i32
    %dma_start3A_92 = arith.constant 0 : i32
    %dma_start3A_93 = tpu.memref_slice %arg9[%dma_start3A_91, %dma_start3A_92] : memref<2x40xi32, #tpu.memory_space<vmem>> -> memref<1x40xi32, #tpu.memory_space<vmem>>
    %dma_start3A_94 = tpu.memref_squeeze %dma_start3A_93 : memref<1x40xi32, #tpu.memory_space<vmem>> -> memref<40xi32, #tpu.memory_space<vmem>>
    %dma_start3A_95 = arith.constant 0 : i32
    %dma_start3A_96 = arith.constant 0 : i32
    %dma_start3A_97 = tpu.memref_slice %arg3[%dma_start3A_95, %dma_start3A_96] : memref<10000x128xf32, #tpu.memory_space<hbm>> -> memref<10000x128xf32, #tpu.memory_space<hbm>>
    tpu.enqueue_indirect_dma source(%dma_start3A_97 : memref<10000x128xf32, #tpu.memory_space<hbm>>) target(%arg13 : memref<40x128xf32, #tpu.memory_space<vmem>>) offsets(%dma_start3A_94 : memref<40xi32, #tpu.memory_space<vmem>>) semaphore(%arg23 : memref<!tpu.dma_semaphore, #tpu.memory_space<semaphore_mem>>)
    %dma_start3A_98 = arith.constant 0 : i32
    %dma_start3A_99 = arith.constant 0 : i32
    %dma_start3A_100 = tpu.memref_slice %arg9[%dma_start3A_98, %dma_start3A_99] : memref<2x40xi32, #tpu.memory_space<vmem>> -> memref<1x40xi32, #tpu.memory_space<vmem>>
    %dma_start3A_101 = tpu.memref_squeeze %dma_start3A_100 : memref<1x40xi32, #tpu.memory_space<vmem>> -> memref<40xi32, #tpu.memory_space<vmem>>
    %dma_start3A_102 = arith.constant 0 : i32
    %dma_start3A_103 = arith.constant 0 : i32
    %dma_start3A_104 = tpu.memref_slice %arg4[%dma_start3A_102, %dma_start3A_103] : memref<10000x128xf32, #tpu.memory_space<hbm>> -> memref<10000x128xf32, #tpu.memory_space<hbm>>
    tpu.enqueue_indirect_dma source(%dma_start3A_104 : memref<10000x128xf32, #tpu.memory_space<hbm>>) target(%arg15 : memref<40x128xf32, #tpu.memory_space<vmem>>) offsets(%dma_start3A_101 : memref<40xi32, #tpu.memory_space<vmem>>) semaphore(%arg23 : memref<!tpu.dma_semaphore, #tpu.memory_space<semaphore_mem>>)
    %scan3A = arith.constant 0 : i32
    %scan3A_105 = arith.constant 0 : i32
    %scan3A_106 = arith.constant 125 : i32
    %scan3A_107 = arith.addi %scan3A_105, %scan3A_106 : i32
    %scan3A_108 = arith.constant 1 : i32
    scf.for %scan3A_117 = %scan3A_105 to %scan3A_107 step %scan3A_108  : i32 {
      %mul3A_118 = arith.constant 2 : i32
      %mul3A_119 = arith.muli %mul3A_118, %scan3A_117 : i32
      %add3A_120 = arith.constant 2 : i32
      %add3A_121 = arith.addi %mul3A_119, %add3A_120 : i32
      %gt3A = arith.constant 0 : i32
      %gt3A_122 = arith.cmpi sgt, %scan3A_117, %gt3A : i32
      %convert_element_type3A = arith.extui %gt3A_122 : i1 to i32
      %cond3A = arith.constant 0 : i32
      %cond3A_123 = arith.cmpi ne, %convert_element_type3A, %cond3A : i32
      scf.if %cond3A_123 {
        %dma_wait3A_256 = arith.constant 0 : i32
        %dma_wait3A_257 = arith.constant 0 : i32
        %dma_wait3A_258 = tpu.memref_slice %arg7[%dma_wait3A_256, %dma_wait3A_257] : memref<10112x136xf32, #tpu.memory_space<vmem_shared>> -> memref<10112x136xf32, #tpu.memory_space<vmem_shared>>
        tpu.wait_indirect_dma semaphore(%arg24 : memref<!tpu.dma_semaphore, #tpu.memory_space<semaphore_mem>>) src(%arg16 : memref<40x136xf32, #tpu.memory_space<vmem>>) dst(%dma_wait3A_258 : memref<10112x136xf32, #tpu.memory_space<vmem_shared>>)
      } else {
      }
      %dma_wait3A_124 = arith.constant 0 : i32
      %dma_wait3A_125 = arith.constant 0 : i32
      %dma_wait3A_126 = tpu.memref_slice %arg8[%dma_wait3A_124, %dma_wait3A_125] : memref<2x40xi32, #tpu.memory_space<vmem>> -> memref<1x40xi32, #tpu.memory_space<vmem>>
      %dma_wait3A_127 = tpu.memref_squeeze %dma_wait3A_126 : memref<1x40xi32, #tpu.memory_space<vmem>> -> memref<40xi32, #tpu.memory_space<vmem>>
      %dma_wait3A_128 = arith.constant 0 : i32
      %dma_wait3A_129 = arith.constant 0 : i32
      %dma_wait3A_130 = tpu.memref_slice %arg2[%dma_wait3A_128, %dma_wait3A_129] : memref<10000x128xf32, #tpu.memory_space<hbm>> -> memref<10000x128xf32, #tpu.memory_space<hbm>>
      tpu.wait_indirect_dma semaphore(%arg22 : memref<!tpu.dma_semaphore, #tpu.memory_space<semaphore_mem>>) src(%dma_wait3A_130 : memref<10000x128xf32, #tpu.memory_space<hbm>>) dst(%arg10 : memref<40x128xf32, #tpu.memory_space<vmem>>)
      %dma_wait3A_131 = arith.constant 1 : i32
      %dma_wait3A_132 = arith.constant 0 : i32
      %dma_wait3A_133 = tpu.memref_slice %arg8[%dma_wait3A_131, %dma_wait3A_132] : memref<2x40xi32, #tpu.memory_space<vmem>> -> memref<1x40xi32, #tpu.memory_space<vmem>>
      %dma_wait3A_134 = tpu.memref_squeeze %dma_wait3A_133 : memref<1x40xi32, #tpu.memory_space<vmem>> -> memref<40xi32, #tpu.memory_space<vmem>>
      %dma_wait3A_135 = arith.constant 0 : i32
      %dma_wait3A_136 = arith.constant 0 : i32
      %dma_wait3A_137 = tpu.memref_slice %arg3[%dma_wait3A_135, %dma_wait3A_136] : memref<10000x128xf32, #tpu.memory_space<hbm>> -> memref<10000x128xf32, #tpu.memory_space<hbm>>
      tpu.wait_indirect_dma semaphore(%arg22 : memref<!tpu.dma_semaphore, #tpu.memory_space<semaphore_mem>>) src(%dma_wait3A_137 : memref<10000x128xf32, #tpu.memory_space<hbm>>) dst(%arg12 : memref<40x128xf32, #tpu.memory_space<vmem>>)
      %dma_wait3A_138 = arith.constant 0 : i32
      %dma_wait3A_139 = arith.constant 0 : i32
      %dma_wait3A_140 = tpu.memref_slice %arg8[%dma_wait3A_138, %dma_wait3A_139] : memref<2x40xi32, #tpu.memory_space<vmem>> -> memref<1x40xi32, #tpu.memory_space<vmem>>
      %dma_wait3A_141 = tpu.memref_squeeze %dma_wait3A_140 : memref<1x40xi32, #tpu.memory_space<vmem>> -> memref<40xi32, #tpu.memory_space<vmem>>
      %dma_wait3A_142 = arith.constant 0 : i32
      %dma_wait3A_143 = arith.constant 0 : i32
      %dma_wait3A_144 = tpu.memref_slice %arg4[%dma_wait3A_142, %dma_wait3A_143] : memref<10000x128xf32, #tpu.memory_space<hbm>> -> memref<10000x128xf32, #tpu.memory_space<hbm>>
      tpu.wait_indirect_dma semaphore(%arg22 : memref<!tpu.dma_semaphore, #tpu.memory_space<semaphore_mem>>) src(%dma_wait3A_144 : memref<10000x128xf32, #tpu.memory_space<hbm>>) dst(%arg14 : memref<40x128xf32, #tpu.memory_space<vmem>>)
      %get3A = arith.constant 1 : i32
      %get3A_145 = arith.index_cast %get3A : i32 to index
      %get3A_146 = arith.constant 0 : index
      %get3A_147 = tpu.vector_load %arg8[%get3A_145, %get3A_146] {strides = array<i32>} : memref<2x40xi32, #tpu.memory_space<vmem>>, vector<1x16xi32>,
      %get3A_148 = vector.shape_cast %get3A_147 : vector<1x16xi32> to vector<16xi32>
      %swap3A = arith.constant 0 : index
      %swap3A_149 = tpu.vector_load %arg18[%swap3A] {strides = array<i32>} : memref<40xi32, #tpu.memory_space<vmem>>, vector<16xi32>,
      %swap3A_150 = vector.shape_cast %swap3A_149 : vector<16xi32> to vector<16xi32>
      %swap3A_151 = vector.shape_cast %get3A_148 : vector<16xi32> to vector<16xi32>
      tpu.vector_store %arg18[%swap3A], %swap3A_151 {strides = array<i32>} : memref<40xi32, #tpu.memory_space<vmem>>, vector<16xi32>,
      %get3A_152 = arith.constant 1 : i32
      %get3A_153 = arith.index_cast %get3A_152 : i32 to index
      %get3A_154 = arith.constant 16 : index
      %get3A_155 = tpu.vector_load %arg8[%get3A_153, %get3A_154] {strides = array<i32>} : memref<2x40xi32, #tpu.memory_space<vmem>>, vector<1x16xi32>,
      %get3A_156 = vector.shape_cast %get3A_155 : vector<1x16xi32> to vector<16xi32>
      %swap3A_157 = arith.constant 16 : index
      %swap3A_158 = tpu.vector_load %arg18[%swap3A_157] {strides = array<i32>} : memref<40xi32, #tpu.memory_space<vmem>>, vector<16xi32>,
      %swap3A_159 = vector.shape_cast %swap3A_158 : vector<16xi32> to vector<16xi32>
      %swap3A_160 = vector.shape_cast %get3A_156 : vector<16xi32> to vector<16xi32>
      tpu.vector_store %arg18[%swap3A_157], %swap3A_160 {strides = array<i32>} : memref<40xi32, #tpu.memory_space<vmem>>, vector<16xi32>,
      %get3A_161 = arith.constant 1 : i32
      %get3A_162 = arith.index_cast %get3A_161 : i32 to index
      %get3A_163 = arith.constant 24 : index
      %get3A_164 = tpu.vector_load %arg8[%get3A_162, %get3A_163] {strides = array<i32>} : memref<2x40xi32, #tpu.memory_space<vmem>>, vector<1x16xi32>,
      %get3A_165 = vector.shape_cast %get3A_164 : vector<1x16xi32> to vector<16xi32>
      %swap3A_166 = arith.constant 24 : index
      %swap3A_167 = tpu.vector_load %arg18[%swap3A_166] {strides = array<i32>} : memref<40xi32, #tpu.memory_space<vmem>>, vector<16xi32>,
      %swap3A_168 = vector.shape_cast %swap3A_167 : vector<16xi32> to vector<16xi32>
      %swap3A_169 = vector.shape_cast %get3A_165 : vector<16xi32> to vector<16xi32>
      tpu.vector_store %arg18[%swap3A_166], %swap3A_169 {strides = array<i32>} : memref<40xi32, #tpu.memory_space<vmem>>, vector<16xi32>,
      %lt3A = arith.constant 124 : i32
      %lt3A_170 = arith.cmpi slt, %scan3A_117, %lt3A : i32
      %convert_element_type3A_171 = arith.extui %lt3A_170 : i1 to i32
      %cond3A_172 = arith.constant 0 : i32
      %cond3A_173 = arith.cmpi ne, %convert_element_type3A_171, %cond3A_172 : i32
      scf.if %cond3A_173 {
        %mul3A_256 = arith.constant 40 : i32
        %mul3A_257 = arith.muli %add3A_121, %mul3A_256 : i32
        %add3A_258 = arith.addi %mul3A_40, %mul3A_257 : i32
        %dma_start3A_259 = arith.constant 0 : i32
        %dma_start3A_260 = tpu.memref_slice %arg5[%dma_start3A_259, %add3A_258] : memref<2x320000xi32, #tpu.memory_space<hbm>> -> memref<2x40xi32, #tpu.memory_space<hbm>>
        %dma_start3A_261 = arith.constant 0 : i32
        %dma_start3A_262 = tpu.memref_slice %arg5[%dma_start3A_261, %add3A_258] : memref<2x320000xi32, #tpu.memory_space<hbm>> -> memref<2x40xi32, #tpu.memory_space<hbm>>
        tpu.enqueue_dma source(%dma_start3A_262 : memref<2x40xi32, #tpu.memory_space<hbm>>) target(%arg8 : memref<2x40xi32, #tpu.memory_space<vmem>>) target_semaphore(%arg20 : memref<!tpu.dma_semaphore, #tpu.memory_space<semaphore_mem>>)
      } else {
      }
      %parallel_loop3A_174 = arith.constant 0 : i32
      %parallel_loop3A_175 = arith.constant 40 : i32
      %parallel_loop3A_176 = arith.constant 1 : i32
      scf.for %parallel_loop3A_256 = %parallel_loop3A_174 to %parallel_loop3A_175 step %parallel_loop3A_176  : i32 {
        %parallel_loop3A_257 = arith.index_cast %parallel_loop3A_256 : i32 to index
        %parallel_loop3A_258 = arith.constant 0 : index
        %parallel_loop3A_259 = tpu.vector_load %arg10[%parallel_loop3A_257, %parallel_loop3A_258] {strides = array<i32>} : memref<40x128xf32, #tpu.memory_space<vmem>>, vector<1x16xf32>,
        %parallel_loop3A_260 = vector.shape_cast %parallel_loop3A_259 : vector<1x16xf32> to vector<16xf32>
        %parallel_loop3A_261 = arith.index_cast %parallel_loop3A_256 : i32 to index
        %parallel_loop3A_262 = arith.constant 0 : index
        %parallel_loop3A_263 = tpu.vector_load %arg12[%parallel_loop3A_261, %parallel_loop3A_262] {strides = array<i32>} : memref<40x128xf32, #tpu.memory_space<vmem>>, vector<1x16xf32>,
        %parallel_loop3A_264 = vector.shape_cast %parallel_loop3A_263 : vector<1x16xf32> to vector<16xf32>
        %parallel_loop3A_265 = arith.mulf %parallel_loop3A_260, %parallel_loop3A_264 : vector<16xf32>
        %parallel_loop3A_266 = arith.index_cast %parallel_loop3A_256 : i32 to index
        %parallel_loop3A_267 = arith.constant 16 : index
        %parallel_loop3A_268 = tpu.vector_load %arg10[%parallel_loop3A_266, %parallel_loop3A_267] {strides = array<i32>} : memref<40x128xf32, #tpu.memory_space<vmem>>, vector<1x16xf32>,
        %parallel_loop3A_269 = vector.shape_cast %parallel_loop3A_268 : vector<1x16xf32> to vector<16xf32>
        %parallel_loop3A_270 = arith.index_cast %parallel_loop3A_256 : i32 to index
        %parallel_loop3A_271 = arith.constant 16 : index
        %parallel_loop3A_272 = tpu.vector_load %arg12[%parallel_loop3A_270, %parallel_loop3A_271] {strides = array<i32>} : memref<40x128xf32, #tpu.memory_space<vmem>>, vector<1x16xf32>,
        %parallel_loop3A_273 = vector.shape_cast %parallel_loop3A_272 : vector<1x16xf32> to vector<16xf32>
        %parallel_loop3A_274 = arith.mulf %parallel_loop3A_269, %parallel_loop3A_273 : vector<16xf32>
        %parallel_loop3A_275 = arith.index_cast %parallel_loop3A_256 : i32 to index
        %parallel_loop3A_276 = arith.constant 32 : index
        %parallel_loop3A_277 = tpu.vector_load %arg10[%parallel_loop3A_275, %parallel_loop3A_276] {strides = array<i32>} : memref<40x128xf32, #tpu.memory_space<vmem>>, vector<1x16xf32>,
        %parallel_loop3A_278 = vector.shape_cast %parallel_loop3A_277 : vector<1x16xf32> to vector<16xf32>
        %parallel_loop3A_279 = arith.index_cast %parallel_loop3A_256 : i32 to index
        %parallel_loop3A_280 = arith.constant 32 : index
        %parallel_loop3A_281 = tpu.vector_load %arg12[%parallel_loop3A_279, %parallel_loop3A_280] {strides = array<i32>} : memref<40x128xf32, #tpu.memory_space<vmem>>, vector<1x16xf32>,
        %parallel_loop3A_282 = vector.shape_cast %parallel_loop3A_281 : vector<1x16xf32> to vector<16xf32>
        %parallel_loop3A_283 = arith.mulf %parallel_loop3A_278, %parallel_loop3A_282 : vector<16xf32>
        %parallel_loop3A_284 = arith.index_cast %parallel_loop3A_256 : i32 to index
        %parallel_loop3A_285 = arith.constant 48 : index
        %parallel_loop3A_286 = tpu.vector_load %arg10[%parallel_loop3A_284, %parallel_loop3A_285] {strides = array<i32>} : memref<40x128xf32, #tpu.memory_space<vmem>>, vector<1x16xf32>,
        %parallel_loop3A_287 = vector.shape_cast %parallel_loop3A_286 : vector<1x16xf32> to vector<16xf32>
        %parallel_loop3A_288 = arith.index_cast %parallel_loop3A_256 : i32 to index
        %parallel_loop3A_289 = arith.constant 48 : index
        %parallel_loop3A_290 = tpu.vector_load %arg12[%parallel_loop3A_288, %parallel_loop3A_289] {strides = array<i32>} : memref<40x128xf32, #tpu.memory_space<vmem>>, vector<1x16xf32>,
        %parallel_loop3A_291 = vector.shape_cast %parallel_loop3A_290 : vector<1x16xf32> to vector<16xf32>
        %parallel_loop3A_292 = arith.mulf %parallel_loop3A_287, %parallel_loop3A_291 : vector<16xf32>
        %parallel_loop3A_293 = arith.index_cast %parallel_loop3A_256 : i32 to index
        %parallel_loop3A_294 = arith.constant 64 : index
        %parallel_loop3A_295 = tpu.vector_load %arg10[%parallel_loop3A_293, %parallel_loop3A_294] {strides = array<i32>} : memref<40x128xf32, #tpu.memory_space<vmem>>, vector<1x16xf32>,
        %parallel_loop3A_296 = vector.shape_cast %parallel_loop3A_295 : vector<1x16xf32> to vector<16xf32>
        %parallel_loop3A_297 = arith.index_cast %parallel_loop3A_256 : i32 to index
        %parallel_loop3A_298 = arith.constant 64 : index
        %parallel_loop3A_299 = tpu.vector_load %arg12[%parallel_loop3A_297, %parallel_loop3A_298] {strides = array<i32>} : memref<40x128xf32, #tpu.memory_space<vmem>>, vector<1x16xf32>,
        %parallel_loop3A_300 = vector.shape_cast %parallel_loop3A_299 : vector<1x16xf32> to vector<16xf32>
        %parallel_loop3A_301 = arith.mulf %parallel_loop3A_296, %parallel_loop3A_300 : vector<16xf32>
        %parallel_loop3A_302 = arith.index_cast %parallel_loop3A_256 : i32 to index
        %parallel_loop3A_303 = arith.constant 80 : index
        %parallel_loop3A_304 = tpu.vector_load %arg10[%parallel_loop3A_302, %parallel_loop3A_303] {strides = array<i32>} : memref<40x128xf32, #tpu.memory_space<vmem>>, vector<1x16xf32>,
        %parallel_loop3A_305 = vector.shape_cast %parallel_loop3A_304 : vector<1x16xf32> to vector<16xf32>
        %parallel_loop3A_306 = arith.index_cast %parallel_loop3A_256 : i32 to index
        %parallel_loop3A_307 = arith.constant 80 : index
        %parallel_loop3A_308 = tpu.vector_load %arg12[%parallel_loop3A_306, %parallel_loop3A_307] {strides = array<i32>} : memref<40x128xf32, #tpu.memory_space<vmem>>, vector<1x16xf32>,
        %parallel_loop3A_309 = vector.shape_cast %parallel_loop3A_308 : vector<1x16xf32> to vector<16xf32>
        %parallel_loop3A_310 = arith.mulf %parallel_loop3A_305, %parallel_loop3A_309 : vector<16xf32>
        %parallel_loop3A_311 = arith.index_cast %parallel_loop3A_256 : i32 to index
        %parallel_loop3A_312 = arith.constant 96 : index
        %parallel_loop3A_313 = tpu.vector_load %arg10[%parallel_loop3A_311, %parallel_loop3A_312] {strides = array<i32>} : memref<40x128xf32, #tpu.memory_space<vmem>>, vector<1x16xf32>,
        %parallel_loop3A_314 = vector.shape_cast %parallel_loop3A_313 : vector<1x16xf32> to vector<16xf32>
        %parallel_loop3A_315 = arith.index_cast %parallel_loop3A_256 : i32 to index
        %parallel_loop3A_316 = arith.constant 96 : index
        %parallel_loop3A_317 = tpu.vector_load %arg12[%parallel_loop3A_315, %parallel_loop3A_316] {strides = array<i32>} : memref<40x128xf32, #tpu.memory_space<vmem>>, vector<1x16xf32>,
        %parallel_loop3A_318 = vector.shape_cast %parallel_loop3A_317 : vector<1x16xf32> to vector<16xf32>
        %parallel_loop3A_319 = arith.mulf %parallel_loop3A_314, %parallel_loop3A_318 : vector<16xf32>
        %parallel_loop3A_320 = arith.index_cast %parallel_loop3A_256 : i32 to index
        %parallel_loop3A_321 = arith.constant 112 : index
        %parallel_loop3A_322 = tpu.vector_load %arg10[%parallel_loop3A_320, %parallel_loop3A_321] {strides = array<i32>} : memref<40x128xf32, #tpu.memory_space<vmem>>, vector<1x16xf32>,
        %parallel_loop3A_323 = vector.shape_cast %parallel_loop3A_322 : vector<1x16xf32> to vector<16xf32>
        %parallel_loop3A_324 = arith.index_cast %parallel_loop3A_256 : i32 to index
        %parallel_loop3A_325 = arith.constant 112 : index
        %parallel_loop3A_326 = tpu.vector_load %arg12[%parallel_loop3A_324, %parallel_loop3A_325] {strides = array<i32>} : memref<40x128xf32, #tpu.memory_space<vmem>>, vector<1x16xf32>,
        %parallel_loop3A_327 = vector.shape_cast %parallel_loop3A_326 : vector<1x16xf32> to vector<16xf32>
        %parallel_loop3A_328 = arith.mulf %parallel_loop3A_323, %parallel_loop3A_327 : vector<16xf32>
        %parallel_loop3A_329 = arith.addf %parallel_loop3A_265, %parallel_loop3A_274 : vector<16xf32>
        %parallel_loop3A_330 = arith.addf %parallel_loop3A_283, %parallel_loop3A_292 : vector<16xf32>
        %parallel_loop3A_331 = arith.addf %parallel_loop3A_301, %parallel_loop3A_310 : vector<16xf32>
        %parallel_loop3A_332 = arith.addf %parallel_loop3A_319, %parallel_loop3A_328 : vector<16xf32>
        %parallel_loop3A_333 = arith.addf %parallel_loop3A_329, %parallel_loop3A_330 : vector<16xf32>
        %parallel_loop3A_334 = arith.addf %parallel_loop3A_331, %parallel_loop3A_332 : vector<16xf32>
        %parallel_loop3A_335 = arith.addf %parallel_loop3A_333, %parallel_loop3A_334 : vector<16xf32>
        %parallel_loop3A_336 = arith.constant 15 : i32
        %parallel_loop3A_337 = vector.broadcast %parallel_loop3A_336 : i32 to vector<16xi32>
        %parallel_loop3A_338 = tpu.iota {dimensions = array<i32: 0>} : vector<16xi32>
        %parallel_loop3A_339 = arith.subi %parallel_loop3A_337, %parallel_loop3A_338 : vector<16xi32>
        %parallel_loop3A_340 = tpu.dynamic_gather %parallel_loop3A_335[%parallel_loop3A_339] in [0] : vector<16xf32>, vector<16xi32> -> vector<16xf32>
        %parallel_loop3A_341 = arith.addf %parallel_loop3A_335, %parallel_loop3A_340 : vector<16xf32>
        %parallel_loop3A_342 = arith.constant 2.500000e-01 : f32
        %parallel_loop3A_343 = vector.broadcast %parallel_loop3A_342 : f32 to vector<16xf32>
        %parallel_loop3A_344 = arith.mulf %parallel_loop3A_341, %parallel_loop3A_343 : vector<16xf32>
        %parallel_loop3A_345 = arith.constant -5.000000e+00 : f32
        %parallel_loop3A_346 = arith.constant 5.000000e+00 : f32
        %parallel_loop3A_347 = vector.broadcast %parallel_loop3A_345 : f32 to vector<16xf32>
        %parallel_loop3A_348 = arith.maximumf %parallel_loop3A_347, %parallel_loop3A_344 : vector<16xf32>
        %parallel_loop3A_349 = vector.broadcast %parallel_loop3A_346 : f32 to vector<16xf32>
        %parallel_loop3A_350 = arith.minimumf %parallel_loop3A_349, %parallel_loop3A_348 : vector<16xf32>
        %parallel_loop3A_351 = math.exp %parallel_loop3A_350 : vector<16xf32>
        %parallel_loop3A_352 = arith.constant 74.2065811 : f32
        %parallel_loop3A_353 = vector.broadcast %parallel_loop3A_352 : f32 to vector<16xf32>
        %parallel_loop3A_354 = arith.subf %parallel_loop3A_351, %parallel_loop3A_353 : vector<16xf32>
        %parallel_loop3A_355 = math.exp %parallel_loop3A_354 : vector<16xf32>
        %parallel_loop3A_356 = arith.index_cast %parallel_loop3A_256 : i32 to index
        %parallel_loop3A_357 = arith.constant 120 : index
        %parallel_loop3A_358 = tpu.vector_load %arg16[%parallel_loop3A_356, %parallel_loop3A_357] {strides = array<i32>} : memref<40x136xf32, #tpu.memory_space<vmem>>, vector<1x16xf32>,
        %parallel_loop3A_359 = vector.shape_cast %parallel_loop3A_358 : vector<1x16xf32> to vector<16xf32>
        %parallel_loop3A_360 = vector.shape_cast %parallel_loop3A_355 : vector<16xf32> to vector<1x16xf32>
        tpu.vector_store %arg16[%parallel_loop3A_356, %parallel_loop3A_357], %parallel_loop3A_360 {strides = array<i32>} : memref<40x136xf32, #tpu.memory_space<vmem>>, vector<1x16xf32>,
        %parallel_loop3A_361 = vector.extract_strided_slice %parallel_loop3A_355 {offsets = [0], sizes = [1], strides = [1]} : vector<16xf32> to vector<1xf32>
        %parallel_loop3A_362 = vector.extract %parallel_loop3A_361[0] : f32 from vector<1xf32>
        %parallel_loop3A_363 = arith.index_cast %parallel_loop3A_256 : i32 to index
        %parallel_loop3A_364 = arith.constant 0 : index
        %parallel_loop3A_365 = tpu.vector_load %arg14[%parallel_loop3A_363, %parallel_loop3A_364] {strides = array<i32>} : memref<40x128xf32, #tpu.memory_space<vmem>>, vector<1x16xf32>,
        %parallel_loop3A_366 = vector.shape_cast %parallel_loop3A_365 : vector<1x16xf32> to vector<16xf32>
        %parallel_loop3A_367 = vector.broadcast %parallel_loop3A_362 : f32 to vector<16xf32>
        %parallel_loop3A_368 = arith.mulf %parallel_loop3A_367, %parallel_loop3A_366 : vector<16xf32>
        %parallel_loop3A_369 = arith.index_cast %parallel_loop3A_256 : i32 to index
        %parallel_loop3A_370 = arith.constant 0 : index
        %parallel_loop3A_371 = tpu.vector_load %arg16[%parallel_loop3A_369, %parallel_loop3A_370] {strides = array<i32>} : memref<40x136xf32, #tpu.memory_space<vmem>>, vector<1x16xf32>,
        %parallel_loop3A_372 = vector.shape_cast %parallel_loop3A_371 : vector<1x16xf32> to vector<16xf32>
        %parallel_loop3A_373 = vector.shape_cast %parallel_loop3A_368 : vector<16xf32> to vector<1x16xf32>
        tpu.vector_store %arg16[%parallel_loop3A_369, %parallel_loop3A_370], %parallel_loop3A_373 {strides = array<i32>} : memref<40x136xf32, #tpu.memory_space<vmem>>, vector<1x16xf32>,
        %parallel_loop3A_374 = vector.extract_strided_slice %parallel_loop3A_355 {offsets = [1], sizes = [1], strides = [1]} : vector<16xf32> to vector<1xf32>
        %parallel_loop3A_375 = vector.extract %parallel_loop3A_374[0] : f32 from vector<1xf32>
        %parallel_loop3A_376 = arith.index_cast %parallel_loop3A_256 : i32 to index
        %parallel_loop3A_377 = arith.constant 16 : index
        %parallel_loop3A_378 = tpu.vector_load %arg14[%parallel_loop3A_376, %parallel_loop3A_377] {strides = array<i32>} : memref<40x128xf32, #tpu.memory_space<vmem>>, vector<1x16xf32>,
        %parallel_loop3A_379 = vector.shape_cast %parallel_loop3A_378 : vector<1x16xf32> to vector<16xf32>
        %parallel_loop3A_380 = vector.broadcast %parallel_loop3A_375 : f32 to vector<16xf32>
        %parallel_loop3A_381 = arith.mulf %parallel_loop3A_380, %parallel_loop3A_379 : vector<16xf32>
        %parallel_loop3A_382 = arith.index_cast %parallel_loop3A_256 : i32 to index
        %parallel_loop3A_383 = arith.constant 16 : index
        %parallel_loop3A_384 = tpu.vector_load %arg16[%parallel_loop3A_382, %parallel_loop3A_383] {strides = array<i32>} : memref<40x136xf32, #tpu.memory_space<vmem>>, vector<1x16xf32>,
        %parallel_loop3A_385 = vector.shape_cast %parallel_loop3A_384 : vector<1x16xf32> to vector<16xf32>
        %parallel_loop3A_386 = vector.shape_cast %parallel_loop3A_381 : vector<16xf32> to vector<1x16xf32>
        tpu.vector_store %arg16[%parallel_loop3A_382, %parallel_loop3A_383], %parallel_loop3A_386 {strides = array<i32>} : memref<40x136xf32, #tpu.memory_space<vmem>>, vector<1x16xf32>,
        %parallel_loop3A_387 = vector.extract_strided_slice %parallel_loop3A_355 {offsets = [2], sizes = [1], strides = [1]} : vector<16xf32> to vector<1xf32>
        %parallel_loop3A_388 = vector.extract %parallel_loop3A_387[0] : f32 from vector<1xf32>
        %parallel_loop3A_389 = arith.index_cast %parallel_loop3A_256 : i32 to index
        %parallel_loop3A_390 = arith.constant 32 : index
        %parallel_loop3A_391 = tpu.vector_load %arg14[%parallel_loop3A_389, %parallel_loop3A_390] {strides = array<i32>} : memref<40x128xf32, #tpu.memory_space<vmem>>, vector<1x16xf32>,
        %parallel_loop3A_392 = vector.shape_cast %parallel_loop3A_391 : vector<1x16xf32> to vector<16xf32>
        %parallel_loop3A_393 = vector.broadcast %parallel_loop3A_388 : f32 to vector<16xf32>
        %parallel_loop3A_394 = arith.mulf %parallel_loop3A_393, %parallel_loop3A_392 : vector<16xf32>
        %parallel_loop3A_395 = arith.index_cast %parallel_loop3A_256 : i32 to index
        %parallel_loop3A_396 = arith.constant 32 : index
        %parallel_loop3A_397 = tpu.vector_load %arg16[%parallel_loop3A_395, %parallel_loop3A_396] {strides = array<i32>} : memref<40x136xf32, #tpu.memory_space<vmem>>, vector<1x16xf32>,
        %parallel_loop3A_398 = vector.shape_cast %parallel_loop3A_397 : vector<1x16xf32> to vector<16xf32>
        %parallel_loop3A_399 = vector.shape_cast %parallel_loop3A_394 : vector<16xf32> to vector<1x16xf32>
        tpu.vector_store %arg16[%parallel_loop3A_395, %parallel_loop3A_396], %parallel_loop3A_399 {strides = array<i32>} : memref<40x136xf32, #tpu.memory_space<vmem>>, vector<1x16xf32>,
        %parallel_loop3A_400 = vector.extract_strided_slice %parallel_loop3A_355 {offsets = [3], sizes = [1], strides = [1]} : vector<16xf32> to vector<1xf32>
        %parallel_loop3A_401 = vector.extract %parallel_loop3A_400[0] : f32 from vector<1xf32>
        %parallel_loop3A_402 = arith.index_cast %parallel_loop3A_256 : i32 to index
        %parallel_loop3A_403 = arith.constant 48 : index
        %parallel_loop3A_404 = tpu.vector_load %arg14[%parallel_loop3A_402, %parallel_loop3A_403] {strides = array<i32>} : memref<40x128xf32, #tpu.memory_space<vmem>>, vector<1x16xf32>,
        %parallel_loop3A_405 = vector.shape_cast %parallel_loop3A_404 : vector<1x16xf32> to vector<16xf32>
        %parallel_loop3A_406 = vector.broadcast %parallel_loop3A_401 : f32 to vector<16xf32>
        %parallel_loop3A_407 = arith.mulf %parallel_loop3A_406, %parallel_loop3A_405 : vector<16xf32>
        %parallel_loop3A_408 = arith.index_cast %parallel_loop3A_256 : i32 to index
        %parallel_loop3A_409 = arith.constant 48 : index
        %parallel_loop3A_410 = tpu.vector_load %arg16[%parallel_loop3A_408, %parallel_loop3A_409] {strides = array<i32>} : memref<40x136xf32, #tpu.memory_space<vmem>>, vector<1x16xf32>,
        %parallel_loop3A_411 = vector.shape_cast %parallel_loop3A_410 : vector<1x16xf32> to vector<16xf32>
        %parallel_loop3A_412 = vector.shape_cast %parallel_loop3A_407 : vector<16xf32> to vector<1x16xf32>
        tpu.vector_store %arg16[%parallel_loop3A_408, %parallel_loop3A_409], %parallel_loop3A_412 {strides = array<i32>} : memref<40x136xf32, #tpu.memory_space<vmem>>, vector<1x16xf32>,
        %parallel_loop3A_413 = vector.extract_strided_slice %parallel_loop3A_355 {offsets = [4], sizes = [1], strides = [1]} : vector<16xf32> to vector<1xf32>
        %parallel_loop3A_414 = vector.extract %parallel_loop3A_413[0] : f32 from vector<1xf32>
        %parallel_loop3A_415 = arith.index_cast %parallel_loop3A_256 : i32 to index
        %parallel_loop3A_416 = arith.constant 64 : index
        %parallel_loop3A_417 = tpu.vector_load %arg14[%parallel_loop3A_415, %parallel_loop3A_416] {strides = array<i32>} : memref<40x128xf32, #tpu.memory_space<vmem>>, vector<1x16xf32>,
        %parallel_loop3A_418 = vector.shape_cast %parallel_loop3A_417 : vector<1x16xf32> to vector<16xf32>
        %parallel_loop3A_419 = vector.broadcast %parallel_loop3A_414 : f32 to vector<16xf32>
        %parallel_loop3A_420 = arith.mulf %parallel_loop3A_419, %parallel_loop3A_418 : vector<16xf32>
        %parallel_loop3A_421 = arith.index_cast %parallel_loop3A_256 : i32 to index
        %parallel_loop3A_422 = arith.constant 64 : index
        %parallel_loop3A_423 = tpu.vector_load %arg16[%parallel_loop3A_421, %parallel_loop3A_422] {strides = array<i32>} : memref<40x136xf32, #tpu.memory_space<vmem>>, vector<1x16xf32>,
        %parallel_loop3A_424 = vector.shape_cast %parallel_loop3A_423 : vector<1x16xf32> to vector<16xf32>
        %parallel_loop3A_425 = vector.shape_cast %parallel_loop3A_420 : vector<16xf32> to vector<1x16xf32>
        tpu.vector_store %arg16[%parallel_loop3A_421, %parallel_loop3A_422], %parallel_loop3A_425 {strides = array<i32>} : memref<40x136xf32, #tpu.memory_space<vmem>>, vector<1x16xf32>,
        %parallel_loop3A_426 = vector.extract_strided_slice %parallel_loop3A_355 {offsets = [5], sizes = [1], strides = [1]} : vector<16xf32> to vector<1xf32>
        %parallel_loop3A_427 = vector.extract %parallel_loop3A_426[0] : f32 from vector<1xf32>
        %parallel_loop3A_428 = arith.index_cast %parallel_loop3A_256 : i32 to index
        %parallel_loop3A_429 = arith.constant 80 : index
        %parallel_loop3A_430 = tpu.vector_load %arg14[%parallel_loop3A_428, %parallel_loop3A_429] {strides = array<i32>} : memref<40x128xf32, #tpu.memory_space<vmem>>, vector<1x16xf32>,
        %parallel_loop3A_431 = vector.shape_cast %parallel_loop3A_430 : vector<1x16xf32> to vector<16xf32>
        %parallel_loop3A_432 = vector.broadcast %parallel_loop3A_427 : f32 to vector<16xf32>
        %parallel_loop3A_433 = arith.mulf %parallel_loop3A_432, %parallel_loop3A_431 : vector<16xf32>
        %parallel_loop3A_434 = arith.index_cast %parallel_loop3A_256 : i32 to index
        %parallel_loop3A_435 = arith.constant 80 : index
        %parallel_loop3A_436 = tpu.vector_load %arg16[%parallel_loop3A_434, %parallel_loop3A_435] {strides = array<i32>} : memref<40x136xf32, #tpu.memory_space<vmem>>, vector<1x16xf32>,
        %parallel_loop3A_437 = vector.shape_cast %parallel_loop3A_436 : vector<1x16xf32> to vector<16xf32>
        %parallel_loop3A_438 = vector.shape_cast %parallel_loop3A_433 : vector<16xf32> to vector<1x16xf32>
        tpu.vector_store %arg16[%parallel_loop3A_434, %parallel_loop3A_435], %parallel_loop3A_438 {strides = array<i32>} : memref<40x136xf32, #tpu.memory_space<vmem>>, vector<1x16xf32>,
        %parallel_loop3A_439 = vector.extract_strided_slice %parallel_loop3A_355 {offsets = [6], sizes = [1], strides = [1]} : vector<16xf32> to vector<1xf32>
        %parallel_loop3A_440 = vector.extract %parallel_loop3A_439[0] : f32 from vector<1xf32>
        %parallel_loop3A_441 = arith.index_cast %parallel_loop3A_256 : i32 to index
        %parallel_loop3A_442 = arith.constant 96 : index
        %parallel_loop3A_443 = tpu.vector_load %arg14[%parallel_loop3A_441, %parallel_loop3A_442] {strides = array<i32>} : memref<40x128xf32, #tpu.memory_space<vmem>>, vector<1x16xf32>,
        %parallel_loop3A_444 = vector.shape_cast %parallel_loop3A_443 : vector<1x16xf32> to vector<16xf32>
        %parallel_loop3A_445 = vector.broadcast %parallel_loop3A_440 : f32 to vector<16xf32>
        %parallel_loop3A_446 = arith.mulf %parallel_loop3A_445, %parallel_loop3A_444 : vector<16xf32>
        %parallel_loop3A_447 = arith.index_cast %parallel_loop3A_256 : i32 to index
        %parallel_loop3A_448 = arith.constant 96 : index
        %parallel_loop3A_449 = tpu.vector_load %arg16[%parallel_loop3A_447, %parallel_loop3A_448] {strides = array<i32>} : memref<40x136xf32, #tpu.memory_space<vmem>>, vector<1x16xf32>,
        %parallel_loop3A_450 = vector.shape_cast %parallel_loop3A_449 : vector<1x16xf32> to vector<16xf32>
        %parallel_loop3A_451 = vector.shape_cast %parallel_loop3A_446 : vector<16xf32> to vector<1x16xf32>
        tpu.vector_store %arg16[%parallel_loop3A_447, %parallel_loop3A_448], %parallel_loop3A_451 {strides = array<i32>} : memref<40x136xf32, #tpu.memory_space<vmem>>, vector<1x16xf32>,
        %parallel_loop3A_452 = vector.extract_strided_slice %parallel_loop3A_355 {offsets = [7], sizes = [1], strides = [1]} : vector<16xf32> to vector<1xf32>
        %parallel_loop3A_453 = vector.extract %parallel_loop3A_452[0] : f32 from vector<1xf32>
        %parallel_loop3A_454 = arith.index_cast %parallel_loop3A_256 : i32 to index
        %parallel_loop3A_455 = arith.constant 112 : index
        %parallel_loop3A_456 = tpu.vector_load %arg14[%parallel_loop3A_454, %parallel_loop3A_455] {strides = array<i32>} : memref<40x128xf32, #tpu.memory_space<vmem>>, vector<1x16xf32>,
        %parallel_loop3A_457 = vector.shape_cast %parallel_loop3A_456 : vector<1x16xf32> to vector<16xf32>
        %parallel_loop3A_458 = vector.broadcast %parallel_loop3A_453 : f32 to vector<16xf32>
        %parallel_loop3A_459 = arith.mulf %parallel_loop3A_458, %parallel_loop3A_457 : vector<16xf32>
        %parallel_loop3A_460 = arith.index_cast %parallel_loop3A_256 : i32 to index
        %parallel_loop3A_461 = arith.constant 112 : index
        %parallel_loop3A_462 = tpu.vector_load %arg16[%parallel_loop3A_460, %parallel_loop3A_461] {strides = array<i32>} : memref<40x136xf32, #tpu.memory_space<vmem>>, vector<1x16xf32>,
        %parallel_loop3A_463 = vector.shape_cast %parallel_loop3A_462 : vector<1x16xf32> to vector<16xf32>
        %parallel_loop3A_464 = vector.shape_cast %parallel_loop3A_459 : vector<16xf32> to vector<1x16xf32>
        tpu.vector_store %arg16[%parallel_loop3A_460, %parallel_loop3A_461], %parallel_loop3A_464 {strides = array<i32>} : memref<40x136xf32, #tpu.memory_space<vmem>>, vector<1x16xf32>,
      } {sc.loop_unroll_factor = 10 : i64, sc.parallel_access}
      %dma_start3A_177 = arith.constant 0 : i32
      %dma_start3A_178 = arith.constant 0 : i32
      %dma_start3A_179 = tpu.memref_slice %arg7[%dma_start3A_177, %dma_start3A_178] : memref<10112x136xf32, #tpu.memory_space<vmem_shared>> -> memref<10112x136xf32, #tpu.memory_space<vmem_shared>>
      tpu.enqueue_indirect_dma source(%arg16 : memref<40x136xf32, #tpu.memory_space<vmem>>) target(%dma_start3A_179 : memref<10112x136xf32, #tpu.memory_space<vmem_shared>>) offsets(%arg18 : memref<40xi32, #tpu.memory_space<vmem>>) semaphore(%arg24 : memref<!tpu.dma_semaphore, #tpu.memory_space<semaphore_mem>>) {add = true}
      %lt3A_180 = arith.constant 124 : i32
      %lt3A_181 = arith.cmpi slt, %scan3A_117, %lt3A_180 : i32
      %convert_element_type3A_182 = arith.extui %lt3A_181 : i1 to i32
      %cond3A_183 = arith.constant 0 : i32
      %cond3A_184 = arith.cmpi ne, %convert_element_type3A_182, %cond3A_183 : i32
      scf.if %cond3A_184 {
        %mul3A_256 = arith.constant 40 : i32
        %mul3A_257 = arith.muli %add3A_121, %mul3A_256 : i32
        %add3A_258 = arith.addi %mul3A_40, %mul3A_257 : i32
        %dma_wait3A_259 = arith.constant 0 : i32
        %dma_wait3A_260 = tpu.memref_slice %arg5[%dma_wait3A_259, %add3A_258] : memref<2x320000xi32, #tpu.memory_space<hbm>> -> memref<2x40xi32, #tpu.memory_space<hbm>>
        %dma_wait3A_261 = arith.constant 0 : i32
        %dma_wait3A_262 = tpu.memref_slice %arg5[%dma_wait3A_261, %add3A_258] : memref<2x320000xi32, #tpu.memory_space<hbm>> -> memref<2x40xi32, #tpu.memory_space<hbm>>
        tpu.wait_dma2 semaphore(%arg20 : memref<!tpu.dma_semaphore, #tpu.memory_space<semaphore_mem>>) src(%dma_wait3A_262 : memref<2x40xi32, #tpu.memory_space<hbm>>) dst(%arg8 : memref<2x40xi32, #tpu.memory_space<vmem>>)
        %dma_start3A_263 = arith.constant 0 : i32
        %dma_start3A_264 = arith.constant 0 : i32
        %dma_start3A_265 = tpu.memref_slice %arg8[%dma_start3A_263, %dma_start3A_264] : memref<2x40xi32, #tpu.memory_space<vmem>> -> memref<1x40xi32, #tpu.memory_space<vmem>>
        %dma_start3A_266 = tpu.memref_squeeze %dma_start3A_265 : memref<1x40xi32, #tpu.memory_space<vmem>> -> memref<40xi32, #tpu.memory_space<vmem>>
        %dma_start3A_267 = arith.constant 0 : i32
        %dma_start3A_268 = arith.constant 0 : i32
        %dma_start3A_269 = tpu.memref_slice %arg2[%dma_start3A_267, %dma_start3A_268] : memref<10000x128xf32, #tpu.memory_space<hbm>> -> memref<10000x128xf32, #tpu.memory_space<hbm>>
        tpu.enqueue_indirect_dma source(%dma_start3A_269 : memref<10000x128xf32, #tpu.memory_space<hbm>>) target(%arg10 : memref<40x128xf32, #tpu.memory_space<vmem>>) offsets(%dma_start3A_266 : memref<40xi32, #tpu.memory_space<vmem>>) semaphore(%arg22 : memref<!tpu.dma_semaphore, #tpu.memory_space<semaphore_mem>>)
        %dma_start3A_270 = arith.constant 1 : i32
        %dma_start3A_271 = arith.constant 0 : i32
        %dma_start3A_272 = tpu.memref_slice %arg8[%dma_start3A_270, %dma_start3A_271] : memref<2x40xi32, #tpu.memory_space<vmem>> -> memref<1x40xi32, #tpu.memory_space<vmem>>
        %dma_start3A_273 = tpu.memref_squeeze %dma_start3A_272 : memref<1x40xi32, #tpu.memory_space<vmem>> -> memref<40xi32, #tpu.memory_space<vmem>>
        %dma_start3A_274 = arith.constant 0 : i32
        %dma_start3A_275 = arith.constant 0 : i32
        %dma_start3A_276 = tpu.memref_slice %arg3[%dma_start3A_274, %dma_start3A_275] : memref<10000x128xf32, #tpu.memory_space<hbm>> -> memref<10000x128xf32, #tpu.memory_space<hbm>>
        tpu.enqueue_indirect_dma source(%dma_start3A_276 : memref<10000x128xf32, #tpu.memory_space<hbm>>) target(%arg12 : memref<40x128xf32, #tpu.memory_space<vmem>>) offsets(%dma_start3A_273 : memref<40xi32, #tpu.memory_space<vmem>>) semaphore(%arg22 : memref<!tpu.dma_semaphore, #tpu.memory_space<semaphore_mem>>)
        %dma_start3A_277 = arith.constant 0 : i32
        %dma_start3A_278 = arith.constant 0 : i32
        %dma_start3A_279 = tpu.memref_slice %arg8[%dma_start3A_277, %dma_start3A_278] : memref<2x40xi32, #tpu.memory_space<vmem>> -> memref<1x40xi32, #tpu.memory_space<vmem>>
        %dma_start3A_280 = tpu.memref_squeeze %dma_start3A_279 : memref<1x40xi32, #tpu.memory_space<vmem>> -> memref<40xi32, #tpu.memory_space<vmem>>
        %dma_start3A_281 = arith.constant 0 : i32
        %dma_start3A_282 = arith.constant 0 : i32
        %dma_start3A_283 = tpu.memref_slice %arg4[%dma_start3A_281, %dma_start3A_282] : memref<10000x128xf32, #tpu.memory_space<hbm>> -> memref<10000x128xf32, #tpu.memory_space<hbm>>
        tpu.enqueue_indirect_dma source(%dma_start3A_283 : memref<10000x128xf32, #tpu.memory_space<hbm>>) target(%arg14 : memref<40x128xf32, #tpu.memory_space<vmem>>) offsets(%dma_start3A_280 : memref<40xi32, #tpu.memory_space<vmem>>) semaphore(%arg22 : memref<!tpu.dma_semaphore, #tpu.memory_space<semaphore_mem>>)
      } else {
      }
      %add3A_185 = arith.constant 3 : i32
      %add3A_186 = arith.addi %mul3A_119, %add3A_185 : i32
      %gt3A_187 = arith.constant 0 : i32
      %gt3A_188 = arith.cmpi sgt, %scan3A_117, %gt3A_187 : i32
      %convert_element_type3A_189 = arith.extui %gt3A_188 : i1 to i32
      %cond3A_190 = arith.constant 0 : i32
      %cond3A_191 = arith.cmpi ne, %convert_element_type3A_189, %cond3A_190 : i32
      scf.if %cond3A_191 {
        %dma_wait3A_256 = arith.constant 0 : i32
        %dma_wait3A_257 = arith.constant 0 : i32
        %dma_wait3A_258 = tpu.memref_slice %arg7[%dma_wait3A_256, %dma_wait3A_257] : memref<10112x136xf32, #tpu.memory_space<vmem_shared>> -> memref<10112x136xf32, #tpu.memory_space<vmem_shared>>
        tpu.wait_indirect_dma semaphore(%arg25 : memref<!tpu.dma_semaphore, #tpu.memory_space<semaphore_mem>>) src(%arg17 : memref<40x136xf32, #tpu.memory_space<vmem>>) dst(%dma_wait3A_258 : memref<10112x136xf32, #tpu.memory_space<vmem_shared>>)
      } else {
      }
      %dma_wait3A_192 = arith.constant 0 : i32
      %dma_wait3A_193 = arith.constant 0 : i32
      %dma_wait3A_194 = tpu.memref_slice %arg9[%dma_wait3A_192, %dma_wait3A_193] : memref<2x40xi32, #tpu.memory_space<vmem>> -> memref<1x40xi32, #tpu.memory_space<vmem>>
      %dma_wait3A_195 = tpu.memref_squeeze %dma_wait3A_194 : memref<1x40xi32, #tpu.memory_space<vmem>> -> memref<40xi32, #tpu.memory_space<vmem>>
      %dma_wait3A_196 = arith.constant 0 : i32
      %dma_wait3A_197 = arith.constant 0 : i32
      %dma_wait3A_198 = tpu.memref_slice %arg2[%dma_wait3A_196, %dma_wait3A_197] : memref<10000x128xf32, #tpu.memory_space<hbm>> -> memref<10000x128xf32, #tpu.memory_space<hbm>>
      tpu.wait_indirect_dma semaphore(%arg23 : memref<!tpu.dma_semaphore, #tpu.memory_space<semaphore_mem>>) src(%dma_wait3A_198 : memref<10000x128xf32, #tpu.memory_space<hbm>>) dst(%arg11 : memref<40x128xf32, #tpu.memory_space<vmem>>)
      %dma_wait3A_199 = arith.constant 1 : i32
      %dma_wait3A_200 = arith.constant 0 : i32
      %dma_wait3A_201 = tpu.memref_slice %arg9[%dma_wait3A_199, %dma_wait3A_200] : memref<2x40xi32, #tpu.memory_space<vmem>> -> memref<1x40xi32, #tpu.memory_space<vmem>>
      %dma_wait3A_202 = tpu.memref_squeeze %dma_wait3A_201 : memref<1x40xi32, #tpu.memory_space<vmem>> -> memref<40xi32, #tpu.memory_space<vmem>>
      %dma_wait3A_203 = arith.constant 0 : i32
      %dma_wait3A_204 = arith.constant 0 : i32
      %dma_wait3A_205 = tpu.memref_slice %arg3[%dma_wait3A_203, %dma_wait3A_204] : memref<10000x128xf32, #tpu.memory_space<hbm>> -> memref<10000x128xf32, #tpu.memory_space<hbm>>
      tpu.wait_indirect_dma semaphore(%arg23 : memref<!tpu.dma_semaphore, #tpu.memory_space<semaphore_mem>>) src(%dma_wait3A_205 : memref<10000x128xf32, #tpu.memory_space<hbm>>) dst(%arg13 : memref<40x128xf32, #tpu.memory_space<vmem>>)
      %dma_wait3A_206 = arith.constant 0 : i32
      %dma_wait3A_207 = arith.constant 0 : i32
      %dma_wait3A_208 = tpu.memref_slice %arg9[%dma_wait3A_206, %dma_wait3A_207] : memref<2x40xi32, #tpu.memory_space<vmem>> -> memref<1x40xi32, #tpu.memory_space<vmem>>
      %dma_wait3A_209 = tpu.memref_squeeze %dma_wait3A_208 : memref<1x40xi32, #tpu.memory_space<vmem>> -> memref<40xi32, #tpu.memory_space<vmem>>
      %dma_wait3A_210 = arith.constant 0 : i32
      %dma_wait3A_211 = arith.constant 0 : i32
      %dma_wait3A_212 = tpu.memref_slice %arg4[%dma_wait3A_210, %dma_wait3A_211] : memref<10000x128xf32, #tpu.memory_space<hbm>> -> memref<10000x128xf32, #tpu.memory_space<hbm>>
      tpu.wait_indirect_dma semaphore(%arg23 : memref<!tpu.dma_semaphore, #tpu.memory_space<semaphore_mem>>) src(%dma_wait3A_212 : memref<10000x128xf32, #tpu.memory_space<hbm>>) dst(%arg15 : memref<40x128xf32, #tpu.memory_space<vmem>>)
      %get3A_213 = arith.constant 1 : i32
      %get3A_214 = arith.index_cast %get3A_213 : i32 to index
      %get3A_215 = arith.constant 0 : index
      %get3A_216 = tpu.vector_load %arg9[%get3A_214, %get3A_215] {strides = array<i32>} : memref<2x40xi32, #tpu.memory_space<vmem>>, vector<1x16xi32>,
      %get3A_217 = vector.shape_cast %get3A_216 : vector<1x16xi32> to vector<16xi32>
      %swap3A_218 = arith.constant 0 : index
      %swap3A_219 = tpu.vector_load %arg19[%swap3A_218] {strides = array<i32>} : memref<40xi32, #tpu.memory_space<vmem>>, vector<16xi32>,
      %swap3A_220 = vector.shape_cast %swap3A_219 : vector<16xi32> to vector<16xi32>
      %swap3A_221 = vector.shape_cast %get3A_217 : vector<16xi32> to vector<16xi32>
      tpu.vector_store %arg19[%swap3A_218], %swap3A_221 {strides = array<i32>} : memref<40xi32, #tpu.memory_space<vmem>>, vector<16xi32>,
      %get3A_222 = arith.constant 1 : i32
      %get3A_223 = arith.index_cast %get3A_222 : i32 to index
      %get3A_224 = arith.constant 16 : index
      %get3A_225 = tpu.vector_load %arg9[%get3A_223, %get3A_224] {strides = array<i32>} : memref<2x40xi32, #tpu.memory_space<vmem>>, vector<1x16xi32>,
      %get3A_226 = vector.shape_cast %get3A_225 : vector<1x16xi32> to vector<16xi32>
      %swap3A_227 = arith.constant 16 : index
      %swap3A_228 = tpu.vector_load %arg19[%swap3A_227] {strides = array<i32>} : memref<40xi32, #tpu.memory_space<vmem>>, vector<16xi32>,
      %swap3A_229 = vector.shape_cast %swap3A_228 : vector<16xi32> to vector<16xi32>
      %swap3A_230 = vector.shape_cast %get3A_226 : vector<16xi32> to vector<16xi32>
      tpu.vector_store %arg19[%swap3A_227], %swap3A_230 {strides = array<i32>} : memref<40xi32, #tpu.memory_space<vmem>>, vector<16xi32>,
      %get3A_231 = arith.constant 1 : i32
      %get3A_232 = arith.index_cast %get3A_231 : i32 to index
      %get3A_233 = arith.constant 24 : index
      %get3A_234 = tpu.vector_load %arg9[%get3A_232, %get3A_233] {strides = array<i32>} : memref<2x40xi32, #tpu.memory_space<vmem>>, vector<1x16xi32>,
      %get3A_235 = vector.shape_cast %get3A_234 : vector<1x16xi32> to vector<16xi32>
      %swap3A_236 = arith.constant 24 : index
      %swap3A_237 = tpu.vector_load %arg19[%swap3A_236] {strides = array<i32>} : memref<40xi32, #tpu.memory_space<vmem>>, vector<16xi32>,
      %swap3A_238 = vector.shape_cast %swap3A_237 : vector<16xi32> to vector<16xi32>
      %swap3A_239 = vector.shape_cast %get3A_235 : vector<16xi32> to vector<16xi32>
      tpu.vector_store %arg19[%swap3A_236], %swap3A_239 {strides = array<i32>} : memref<40xi32, #tpu.memory_space<vmem>>, vector<16xi32>,
      %lt3A_240 = arith.constant 124 : i32
      %lt3A_241 = arith.cmpi slt, %scan3A_117, %lt3A_240 : i32
      %convert_element_type3A_242 = arith.extui %lt3A_241 : i1 to i32
      %cond3A_243 = arith.constant 0 : i32
      %cond3A_244 = arith.cmpi ne, %convert_element_type3A_242, %cond3A_243 : i32
      scf.if %cond3A_244 {
        %mul3A_256 = arith.constant 40 : i32
        %mul3A_257 = arith.muli %add3A_186, %mul3A_256 : i32
        %add3A_258 = arith.addi %mul3A_40, %mul3A_257 : i32
        %dma_start3A_259 = arith.constant 0 : i32
        %dma_start3A_260 = tpu.memref_slice %arg5[%dma_start3A_259, %add3A_258] : memref<2x320000xi32, #tpu.memory_space<hbm>> -> memref<2x40xi32, #tpu.memory_space<hbm>>
        %dma_start3A_261 = arith.constant 0 : i32
        %dma_start3A_262 = tpu.memref_slice %arg5[%dma_start3A_261, %add3A_258] : memref<2x320000xi32, #tpu.memory_space<hbm>> -> memref<2x40xi32, #tpu.memory_space<hbm>>
        tpu.enqueue_dma source(%dma_start3A_262 : memref<2x40xi32, #tpu.memory_space<hbm>>) target(%arg9 : memref<2x40xi32, #tpu.memory_space<vmem>>) target_semaphore(%arg21 : memref<!tpu.dma_semaphore, #tpu.memory_space<semaphore_mem>>)
      } else {
      }
      %parallel_loop3A_245 = arith.constant 0 : i32
      %parallel_loop3A_246 = arith.constant 40 : i32
      %parallel_loop3A_247 = arith.constant 1 : i32
      scf.for %parallel_loop3A_256 = %parallel_loop3A_245 to %parallel_loop3A_246 step %parallel_loop3A_247  : i32 {
        %parallel_loop3A_257 = arith.index_cast %parallel_loop3A_256 : i32 to index
        %parallel_loop3A_258 = arith.constant 0 : index
        %parallel_loop3A_259 = tpu.vector_load %arg11[%parallel_loop3A_257, %parallel_loop3A_258] {strides = array<i32>} : memref<40x128xf32, #tpu.memory_space<vmem>>, vector<1x16xf32>,
        %parallel_loop3A_260 = vector.shape_cast %parallel_loop3A_259 : vector<1x16xf32> to vector<16xf32>
        %parallel_loop3A_261 = arith.index_cast %parallel_loop3A_256 : i32 to index
        %parallel_loop3A_262 = arith.constant 0 : index
        %parallel_loop3A_263 = tpu.vector_load %arg13[%parallel_loop3A_261, %parallel_loop3A_262] {strides = array<i32>} : memref<40x128xf32, #tpu.memory_space<vmem>>, vector<1x16xf32>,
        %parallel_loop3A_264 = vector.shape_cast %parallel_loop3A_263 : vector<1x16xf32> to vector<16xf32>
        %parallel_loop3A_265 = arith.mulf %parallel_loop3A_260, %parallel_loop3A_264 : vector<16xf32>
        %parallel_loop3A_266 = arith.index_cast %parallel_loop3A_256 : i32 to index
        %parallel_loop3A_267 = arith.constant 16 : index
        %parallel_loop3A_268 = tpu.vector_load %arg11[%parallel_loop3A_266, %parallel_loop3A_267] {strides = array<i32>} : memref<40x128xf32, #tpu.memory_space<vmem>>, vector<1x16xf32>,
        %parallel_loop3A_269 = vector.shape_cast %parallel_loop3A_268 : vector<1x16xf32> to vector<16xf32>
        %parallel_loop3A_270 = arith.index_cast %parallel_loop3A_256 : i32 to index
        %parallel_loop3A_271 = arith.constant 16 : index
        %parallel_loop3A_272 = tpu.vector_load %arg13[%parallel_loop3A_270, %parallel_loop3A_271] {strides = array<i32>} : memref<40x128xf32, #tpu.memory_space<vmem>>, vector<1x16xf32>,
        %parallel_loop3A_273 = vector.shape_cast %parallel_loop3A_272 : vector<1x16xf32> to vector<16xf32>
        %parallel_loop3A_274 = arith.mulf %parallel_loop3A_269, %parallel_loop3A_273 : vector<16xf32>
        %parallel_loop3A_275 = arith.index_cast %parallel_loop3A_256 : i32 to index
        %parallel_loop3A_276 = arith.constant 32 : index
        %parallel_loop3A_277 = tpu.vector_load %arg11[%parallel_loop3A_275, %parallel_loop3A_276] {strides = array<i32>} : memref<40x128xf32, #tpu.memory_space<vmem>>, vector<1x16xf32>,
        %parallel_loop3A_278 = vector.shape_cast %parallel_loop3A_277 : vector<1x16xf32> to vector<16xf32>
        %parallel_loop3A_279 = arith.index_cast %parallel_loop3A_256 : i32 to index
        %parallel_loop3A_280 = arith.constant 32 : index
        %parallel_loop3A_281 = tpu.vector_load %arg13[%parallel_loop3A_279, %parallel_loop3A_280] {strides = array<i32>} : memref<40x128xf32, #tpu.memory_space<vmem>>, vector<1x16xf32>,
        %parallel_loop3A_282 = vector.shape_cast %parallel_loop3A_281 : vector<1x16xf32> to vector<16xf32>
        %parallel_loop3A_283 = arith.mulf %parallel_loop3A_278, %parallel_loop3A_282 : vector<16xf32>
        %parallel_loop3A_284 = arith.index_cast %parallel_loop3A_256 : i32 to index
        %parallel_loop3A_285 = arith.constant 48 : index
        %parallel_loop3A_286 = tpu.vector_load %arg11[%parallel_loop3A_284, %parallel_loop3A_285] {strides = array<i32>} : memref<40x128xf32, #tpu.memory_space<vmem>>, vector<1x16xf32>,
        %parallel_loop3A_287 = vector.shape_cast %parallel_loop3A_286 : vector<1x16xf32> to vector<16xf32>
        %parallel_loop3A_288 = arith.index_cast %parallel_loop3A_256 : i32 to index
        %parallel_loop3A_289 = arith.constant 48 : index
        %parallel_loop3A_290 = tpu.vector_load %arg13[%parallel_loop3A_288, %parallel_loop3A_289] {strides = array<i32>} : memref<40x128xf32, #tpu.memory_space<vmem>>, vector<1x16xf32>,
        %parallel_loop3A_291 = vector.shape_cast %parallel_loop3A_290 : vector<1x16xf32> to vector<16xf32>
        %parallel_loop3A_292 = arith.mulf %parallel_loop3A_287, %parallel_loop3A_291 : vector<16xf32>
        %parallel_loop3A_293 = arith.index_cast %parallel_loop3A_256 : i32 to index
        %parallel_loop3A_294 = arith.constant 64 : index
        %parallel_loop3A_295 = tpu.vector_load %arg11[%parallel_loop3A_293, %parallel_loop3A_294] {strides = array<i32>} : memref<40x128xf32, #tpu.memory_space<vmem>>, vector<1x16xf32>,
        %parallel_loop3A_296 = vector.shape_cast %parallel_loop3A_295 : vector<1x16xf32> to vector<16xf32>
        %parallel_loop3A_297 = arith.index_cast %parallel_loop3A_256 : i32 to index
        %parallel_loop3A_298 = arith.constant 64 : index
        %parallel_loop3A_299 = tpu.vector_load %arg13[%parallel_loop3A_297, %parallel_loop3A_298] {strides = array<i32>} : memref<40x128xf32, #tpu.memory_space<vmem>>, vector<1x16xf32>,
        %parallel_loop3A_300 = vector.shape_cast %parallel_loop3A_299 : vector<1x16xf32> to vector<16xf32>
        %parallel_loop3A_301 = arith.mulf %parallel_loop3A_296, %parallel_loop3A_300 : vector<16xf32>
        %parallel_loop3A_302 = arith.index_cast %parallel_loop3A_256 : i32 to index
        %parallel_loop3A_303 = arith.constant 80 : index
        %parallel_loop3A_304 = tpu.vector_load %arg11[%parallel_loop3A_302, %parallel_loop3A_303] {strides = array<i32>} : memref<40x128xf32, #tpu.memory_space<vmem>>, vector<1x16xf32>,
        %parallel_loop3A_305 = vector.shape_cast %parallel_loop3A_304 : vector<1x16xf32> to vector<16xf32>
        %parallel_loop3A_306 = arith.index_cast %parallel_loop3A_256 : i32 to index
        %parallel_loop3A_307 = arith.constant 80 : index
        %parallel_loop3A_308 = tpu.vector_load %arg13[%parallel_loop3A_306, %parallel_loop3A_307] {strides = array<i32>} : memref<40x128xf32, #tpu.memory_space<vmem>>, vector<1x16xf32>,
        %parallel_loop3A_309 = vector.shape_cast %parallel_loop3A_308 : vector<1x16xf32> to vector<16xf32>
        %parallel_loop3A_310 = arith.mulf %parallel_loop3A_305, %parallel_loop3A_309 : vector<16xf32>
        %parallel_loop3A_311 = arith.index_cast %parallel_loop3A_256 : i32 to index
        %parallel_loop3A_312 = arith.constant 96 : index
        %parallel_loop3A_313 = tpu.vector_load %arg11[%parallel_loop3A_311, %parallel_loop3A_312] {strides = array<i32>} : memref<40x128xf32, #tpu.memory_space<vmem>>, vector<1x16xf32>,
        %parallel_loop3A_314 = vector.shape_cast %parallel_loop3A_313 : vector<1x16xf32> to vector<16xf32>
        %parallel_loop3A_315 = arith.index_cast %parallel_loop3A_256 : i32 to index
        %parallel_loop3A_316 = arith.constant 96 : index
        %parallel_loop3A_317 = tpu.vector_load %arg13[%parallel_loop3A_315, %parallel_loop3A_316] {strides = array<i32>} : memref<40x128xf32, #tpu.memory_space<vmem>>, vector<1x16xf32>,
        %parallel_loop3A_318 = vector.shape_cast %parallel_loop3A_317 : vector<1x16xf32> to vector<16xf32>
        %parallel_loop3A_319 = arith.mulf %parallel_loop3A_314, %parallel_loop3A_318 : vector<16xf32>
        %parallel_loop3A_320 = arith.index_cast %parallel_loop3A_256 : i32 to index
        %parallel_loop3A_321 = arith.constant 112 : index
        %parallel_loop3A_322 = tpu.vector_load %arg11[%parallel_loop3A_320, %parallel_loop3A_321] {strides = array<i32>} : memref<40x128xf32, #tpu.memory_space<vmem>>, vector<1x16xf32>,
        %parallel_loop3A_323 = vector.shape_cast %parallel_loop3A_322 : vector<1x16xf32> to vector<16xf32>
        %parallel_loop3A_324 = arith.index_cast %parallel_loop3A_256 : i32 to index
        %parallel_loop3A_325 = arith.constant 112 : index
        %parallel_loop3A_326 = tpu.vector_load %arg13[%parallel_loop3A_324, %parallel_loop3A_325] {strides = array<i32>} : memref<40x128xf32, #tpu.memory_space<vmem>>, vector<1x16xf32>,
        %parallel_loop3A_327 = vector.shape_cast %parallel_loop3A_326 : vector<1x16xf32> to vector<16xf32>
        %parallel_loop3A_328 = arith.mulf %parallel_loop3A_323, %parallel_loop3A_327 : vector<16xf32>
        %parallel_loop3A_329 = arith.addf %parallel_loop3A_265, %parallel_loop3A_274 : vector<16xf32>
        %parallel_loop3A_330 = arith.addf %parallel_loop3A_283, %parallel_loop3A_292 : vector<16xf32>
        %parallel_loop3A_331 = arith.addf %parallel_loop3A_301, %parallel_loop3A_310 : vector<16xf32>
        %parallel_loop3A_332 = arith.addf %parallel_loop3A_319, %parallel_loop3A_328 : vector<16xf32>
        %parallel_loop3A_333 = arith.addf %parallel_loop3A_329, %parallel_loop3A_330 : vector<16xf32>
        %parallel_loop3A_334 = arith.addf %parallel_loop3A_331, %parallel_loop3A_332 : vector<16xf32>
        %parallel_loop3A_335 = arith.addf %parallel_loop3A_333, %parallel_loop3A_334 : vector<16xf32>
        %parallel_loop3A_336 = arith.constant 15 : i32
        %parallel_loop3A_337 = vector.broadcast %parallel_loop3A_336 : i32 to vector<16xi32>
        %parallel_loop3A_338 = tpu.iota {dimensions = array<i32: 0>} : vector<16xi32>
        %parallel_loop3A_339 = arith.subi %parallel_loop3A_337, %parallel_loop3A_338 : vector<16xi32>
        %parallel_loop3A_340 = tpu.dynamic_gather %parallel_loop3A_335[%parallel_loop3A_339] in [0] : vector<16xf32>, vector<16xi32> -> vector<16xf32>
        %parallel_loop3A_341 = arith.addf %parallel_loop3A_335, %parallel_loop3A_340 : vector<16xf32>
        %parallel_loop3A_342 = arith.constant 2.500000e-01 : f32
        %parallel_loop3A_343 = vector.broadcast %parallel_loop3A_342 : f32 to vector<16xf32>
        %parallel_loop3A_344 = arith.mulf %parallel_loop3A_341, %parallel_loop3A_343 : vector<16xf32>
        %parallel_loop3A_345 = arith.constant -5.000000e+00 : f32
        %parallel_loop3A_346 = arith.constant 5.000000e+00 : f32
        %parallel_loop3A_347 = vector.broadcast %parallel_loop3A_345 : f32 to vector<16xf32>
        %parallel_loop3A_348 = arith.maximumf %parallel_loop3A_347, %parallel_loop3A_344 : vector<16xf32>
        %parallel_loop3A_349 = vector.broadcast %parallel_loop3A_346 : f32 to vector<16xf32>
        %parallel_loop3A_350 = arith.minimumf %parallel_loop3A_349, %parallel_loop3A_348 : vector<16xf32>
        %parallel_loop3A_351 = math.exp %parallel_loop3A_350 : vector<16xf32>
        %parallel_loop3A_352 = arith.constant 74.2065811 : f32
        %parallel_loop3A_353 = vector.broadcast %parallel_loop3A_352 : f32 to vector<16xf32>
        %parallel_loop3A_354 = arith.subf %parallel_loop3A_351, %parallel_loop3A_353 : vector<16xf32>
        %parallel_loop3A_355 = math.exp %parallel_loop3A_354 : vector<16xf32>
        %parallel_loop3A_356 = arith.index_cast %parallel_loop3A_256 : i32 to index
        %parallel_loop3A_357 = arith.constant 120 : index
        %parallel_loop3A_358 = tpu.vector_load %arg17[%parallel_loop3A_356, %parallel_loop3A_357] {strides = array<i32>} : memref<40x136xf32, #tpu.memory_space<vmem>>, vector<1x16xf32>,
        %parallel_loop3A_359 = vector.shape_cast %parallel_loop3A_358 : vector<1x16xf32> to vector<16xf32>
        %parallel_loop3A_360 = vector.shape_cast %parallel_loop3A_355 : vector<16xf32> to vector<1x16xf32>
        tpu.vector_store %arg17[%parallel_loop3A_356, %parallel_loop3A_357], %parallel_loop3A_360 {strides = array<i32>} : memref<40x136xf32, #tpu.memory_space<vmem>>, vector<1x16xf32>,
        %parallel_loop3A_361 = vector.extract_strided_slice %parallel_loop3A_355 {offsets = [0], sizes = [1], strides = [1]} : vector<16xf32> to vector<1xf32>
        %parallel_loop3A_362 = vector.extract %parallel_loop3A_361[0] : f32 from vector<1xf32>
        %parallel_loop3A_363 = arith.index_cast %parallel_loop3A_256 : i32 to index
        %parallel_loop3A_364 = arith.constant 0 : index
        %parallel_loop3A_365 = tpu.vector_load %arg15[%parallel_loop3A_363, %parallel_loop3A_364] {strides = array<i32>} : memref<40x128xf32, #tpu.memory_space<vmem>>, vector<1x16xf32>,
        %parallel_loop3A_366 = vector.shape_cast %parallel_loop3A_365 : vector<1x16xf32> to vector<16xf32>
        %parallel_loop3A_367 = vector.broadcast %parallel_loop3A_362 : f32 to vector<16xf32>
        %parallel_loop3A_368 = arith.mulf %parallel_loop3A_367, %parallel_loop3A_366 : vector<16xf32>
        %parallel_loop3A_369 = arith.index_cast %parallel_loop3A_256 : i32 to index
        %parallel_loop3A_370 = arith.constant 0 : index
        %parallel_loop3A_371 = tpu.vector_load %arg17[%parallel_loop3A_369, %parallel_loop3A_370] {strides = array<i32>} : memref<40x136xf32, #tpu.memory_space<vmem>>, vector<1x16xf32>,
        %parallel_loop3A_372 = vector.shape_cast %parallel_loop3A_371 : vector<1x16xf32> to vector<16xf32>
        %parallel_loop3A_373 = vector.shape_cast %parallel_loop3A_368 : vector<16xf32> to vector<1x16xf32>
        tpu.vector_store %arg17[%parallel_loop3A_369, %parallel_loop3A_370], %parallel_loop3A_373 {strides = array<i32>} : memref<40x136xf32, #tpu.memory_space<vmem>>, vector<1x16xf32>,
        %parallel_loop3A_374 = vector.extract_strided_slice %parallel_loop3A_355 {offsets = [1], sizes = [1], strides = [1]} : vector<16xf32> to vector<1xf32>
        %parallel_loop3A_375 = vector.extract %parallel_loop3A_374[0] : f32 from vector<1xf32>
        %parallel_loop3A_376 = arith.index_cast %parallel_loop3A_256 : i32 to index
        %parallel_loop3A_377 = arith.constant 16 : index
        %parallel_loop3A_378 = tpu.vector_load %arg15[%parallel_loop3A_376, %parallel_loop3A_377] {strides = array<i32>} : memref<40x128xf32, #tpu.memory_space<vmem>>, vector<1x16xf32>,
        %parallel_loop3A_379 = vector.shape_cast %parallel_loop3A_378 : vector<1x16xf32> to vector<16xf32>
        %parallel_loop3A_380 = vector.broadcast %parallel_loop3A_375 : f32 to vector<16xf32>
        %parallel_loop3A_381 = arith.mulf %parallel_loop3A_380, %parallel_loop3A_379 : vector<16xf32>
        %parallel_loop3A_382 = arith.index_cast %parallel_loop3A_256 : i32 to index
        %parallel_loop3A_383 = arith.constant 16 : index
        %parallel_loop3A_384 = tpu.vector_load %arg17[%parallel_loop3A_382, %parallel_loop3A_383] {strides = array<i32>} : memref<40x136xf32, #tpu.memory_space<vmem>>, vector<1x16xf32>,
        %parallel_loop3A_385 = vector.shape_cast %parallel_loop3A_384 : vector<1x16xf32> to vector<16xf32>
        %parallel_loop3A_386 = vector.shape_cast %parallel_loop3A_381 : vector<16xf32> to vector<1x16xf32>
        tpu.vector_store %arg17[%parallel_loop3A_382, %parallel_loop3A_383], %parallel_loop3A_386 {strides = array<i32>} : memref<40x136xf32, #tpu.memory_space<vmem>>, vector<1x16xf32>,
        %parallel_loop3A_387 = vector.extract_strided_slice %parallel_loop3A_355 {offsets = [2], sizes = [1], strides = [1]} : vector<16xf32> to vector<1xf32>
        %parallel_loop3A_388 = vector.extract %parallel_loop3A_387[0] : f32 from vector<1xf32>
        %parallel_loop3A_389 = arith.index_cast %parallel_loop3A_256 : i32 to index
        %parallel_loop3A_390 = arith.constant 32 : index
        %parallel_loop3A_391 = tpu.vector_load %arg15[%parallel_loop3A_389, %parallel_loop3A_390] {strides = array<i32>} : memref<40x128xf32, #tpu.memory_space<vmem>>, vector<1x16xf32>,
        %parallel_loop3A_392 = vector.shape_cast %parallel_loop3A_391 : vector<1x16xf32> to vector<16xf32>
        %parallel_loop3A_393 = vector.broadcast %parallel_loop3A_388 : f32 to vector<16xf32>
        %parallel_loop3A_394 = arith.mulf %parallel_loop3A_393, %parallel_loop3A_392 : vector<16xf32>
        %parallel_loop3A_395 = arith.index_cast %parallel_loop3A_256 : i32 to index
        %parallel_loop3A_396 = arith.constant 32 : index
        %parallel_loop3A_397 = tpu.vector_load %arg17[%parallel_loop3A_395, %parallel_loop3A_396] {strides = array<i32>} : memref<40x136xf32, #tpu.memory_space<vmem>>, vector<1x16xf32>,
        %parallel_loop3A_398 = vector.shape_cast %parallel_loop3A_397 : vector<1x16xf32> to vector<16xf32>
        %parallel_loop3A_399 = vector.shape_cast %parallel_loop3A_394 : vector<16xf32> to vector<1x16xf32>
        tpu.vector_store %arg17[%parallel_loop3A_395, %parallel_loop3A_396], %parallel_loop3A_399 {strides = array<i32>} : memref<40x136xf32, #tpu.memory_space<vmem>>, vector<1x16xf32>,
        %parallel_loop3A_400 = vector.extract_strided_slice %parallel_loop3A_355 {offsets = [3], sizes = [1], strides = [1]} : vector<16xf32> to vector<1xf32>
        %parallel_loop3A_401 = vector.extract %parallel_loop3A_400[0] : f32 from vector<1xf32>
        %parallel_loop3A_402 = arith.index_cast %parallel_loop3A_256 : i32 to index
        %parallel_loop3A_403 = arith.constant 48 : index
        %parallel_loop3A_404 = tpu.vector_load %arg15[%parallel_loop3A_402, %parallel_loop3A_403] {strides = array<i32>} : memref<40x128xf32, #tpu.memory_space<vmem>>, vector<1x16xf32>,
        %parallel_loop3A_405 = vector.shape_cast %parallel_loop3A_404 : vector<1x16xf32> to vector<16xf32>
        %parallel_loop3A_406 = vector.broadcast %parallel_loop3A_401 : f32 to vector<16xf32>
        %parallel_loop3A_407 = arith.mulf %parallel_loop3A_406, %parallel_loop3A_405 : vector<16xf32>
        %parallel_loop3A_408 = arith.index_cast %parallel_loop3A_256 : i32 to index
        %parallel_loop3A_409 = arith.constant 48 : index
        %parallel_loop3A_410 = tpu.vector_load %arg17[%parallel_loop3A_408, %parallel_loop3A_409] {strides = array<i32>} : memref<40x136xf32, #tpu.memory_space<vmem>>, vector<1x16xf32>,
        %parallel_loop3A_411 = vector.shape_cast %parallel_loop3A_410 : vector<1x16xf32> to vector<16xf32>
        %parallel_loop3A_412 = vector.shape_cast %parallel_loop3A_407 : vector<16xf32> to vector<1x16xf32>
        tpu.vector_store %arg17[%parallel_loop3A_408, %parallel_loop3A_409], %parallel_loop3A_412 {strides = array<i32>} : memref<40x136xf32, #tpu.memory_space<vmem>>, vector<1x16xf32>,
        %parallel_loop3A_413 = vector.extract_strided_slice %parallel_loop3A_355 {offsets = [4], sizes = [1], strides = [1]} : vector<16xf32> to vector<1xf32>
        %parallel_loop3A_414 = vector.extract %parallel_loop3A_413[0] : f32 from vector<1xf32>
        %parallel_loop3A_415 = arith.index_cast %parallel_loop3A_256 : i32 to index
        %parallel_loop3A_416 = arith.constant 64 : index
        %parallel_loop3A_417 = tpu.vector_load %arg15[%parallel_loop3A_415, %parallel_loop3A_416] {strides = array<i32>} : memref<40x128xf32, #tpu.memory_space<vmem>>, vector<1x16xf32>,
        %parallel_loop3A_418 = vector.shape_cast %parallel_loop3A_417 : vector<1x16xf32> to vector<16xf32>
        %parallel_loop3A_419 = vector.broadcast %parallel_loop3A_414 : f32 to vector<16xf32>
        %parallel_loop3A_420 = arith.mulf %parallel_loop3A_419, %parallel_loop3A_418 : vector<16xf32>
        %parallel_loop3A_421 = arith.index_cast %parallel_loop3A_256 : i32 to index
        %parallel_loop3A_422 = arith.constant 64 : index
        %parallel_loop3A_423 = tpu.vector_load %arg17[%parallel_loop3A_421, %parallel_loop3A_422] {strides = array<i32>} : memref<40x136xf32, #tpu.memory_space<vmem>>, vector<1x16xf32>,
        %parallel_loop3A_424 = vector.shape_cast %parallel_loop3A_423 : vector<1x16xf32> to vector<16xf32>
        %parallel_loop3A_425 = vector.shape_cast %parallel_loop3A_420 : vector<16xf32> to vector<1x16xf32>
        tpu.vector_store %arg17[%parallel_loop3A_421, %parallel_loop3A_422], %parallel_loop3A_425 {strides = array<i32>} : memref<40x136xf32, #tpu.memory_space<vmem>>, vector<1x16xf32>,
        %parallel_loop3A_426 = vector.extract_strided_slice %parallel_loop3A_355 {offsets = [5], sizes = [1], strides = [1]} : vector<16xf32> to vector<1xf32>
        %parallel_loop3A_427 = vector.extract %parallel_loop3A_426[0] : f32 from vector<1xf32>
        %parallel_loop3A_428 = arith.index_cast %parallel_loop3A_256 : i32 to index
        %parallel_loop3A_429 = arith.constant 80 : index
        %parallel_loop3A_430 = tpu.vector_load %arg15[%parallel_loop3A_428, %parallel_loop3A_429] {strides = array<i32>} : memref<40x128xf32, #tpu.memory_space<vmem>>, vector<1x16xf32>,
        %parallel_loop3A_431 = vector.shape_cast %parallel_loop3A_430 : vector<1x16xf32> to vector<16xf32>
        %parallel_loop3A_432 = vector.broadcast %parallel_loop3A_427 : f32 to vector<16xf32>
        %parallel_loop3A_433 = arith.mulf %parallel_loop3A_432, %parallel_loop3A_431 : vector<16xf32>
        %parallel_loop3A_434 = arith.index_cast %parallel_loop3A_256 : i32 to index
        %parallel_loop3A_435 = arith.constant 80 : index
        %parallel_loop3A_436 = tpu.vector_load %arg17[%parallel_loop3A_434, %parallel_loop3A_435] {strides = array<i32>} : memref<40x136xf32, #tpu.memory_space<vmem>>, vector<1x16xf32>,
        %parallel_loop3A_437 = vector.shape_cast %parallel_loop3A_436 : vector<1x16xf32> to vector<16xf32>
        %parallel_loop3A_438 = vector.shape_cast %parallel_loop3A_433 : vector<16xf32> to vector<1x16xf32>
        tpu.vector_store %arg17[%parallel_loop3A_434, %parallel_loop3A_435], %parallel_loop3A_438 {strides = array<i32>} : memref<40x136xf32, #tpu.memory_space<vmem>>, vector<1x16xf32>,
        %parallel_loop3A_439 = vector.extract_strided_slice %parallel_loop3A_355 {offsets = [6], sizes = [1], strides = [1]} : vector<16xf32> to vector<1xf32>
        %parallel_loop3A_440 = vector.extract %parallel_loop3A_439[0] : f32 from vector<1xf32>
        %parallel_loop3A_441 = arith.index_cast %parallel_loop3A_256 : i32 to index
        %parallel_loop3A_442 = arith.constant 96 : index
        %parallel_loop3A_443 = tpu.vector_load %arg15[%parallel_loop3A_441, %parallel_loop3A_442] {strides = array<i32>} : memref<40x128xf32, #tpu.memory_space<vmem>>, vector<1x16xf32>,
        %parallel_loop3A_444 = vector.shape_cast %parallel_loop3A_443 : vector<1x16xf32> to vector<16xf32>
        %parallel_loop3A_445 = vector.broadcast %parallel_loop3A_440 : f32 to vector<16xf32>
        %parallel_loop3A_446 = arith.mulf %parallel_loop3A_445, %parallel_loop3A_444 : vector<16xf32>
        %parallel_loop3A_447 = arith.index_cast %parallel_loop3A_256 : i32 to index
        %parallel_loop3A_448 = arith.constant 96 : index
        %parallel_loop3A_449 = tpu.vector_load %arg17[%parallel_loop3A_447, %parallel_loop3A_448] {strides = array<i32>} : memref<40x136xf32, #tpu.memory_space<vmem>>, vector<1x16xf32>,
        %parallel_loop3A_450 = vector.shape_cast %parallel_loop3A_449 : vector<1x16xf32> to vector<16xf32>
        %parallel_loop3A_451 = vector.shape_cast %parallel_loop3A_446 : vector<16xf32> to vector<1x16xf32>
        tpu.vector_store %arg17[%parallel_loop3A_447, %parallel_loop3A_448], %parallel_loop3A_451 {strides = array<i32>} : memref<40x136xf32, #tpu.memory_space<vmem>>, vector<1x16xf32>,
        %parallel_loop3A_452 = vector.extract_strided_slice %parallel_loop3A_355 {offsets = [7], sizes = [1], strides = [1]} : vector<16xf32> to vector<1xf32>
        %parallel_loop3A_453 = vector.extract %parallel_loop3A_452[0] : f32 from vector<1xf32>
        %parallel_loop3A_454 = arith.index_cast %parallel_loop3A_256 : i32 to index
        %parallel_loop3A_455 = arith.constant 112 : index
        %parallel_loop3A_456 = tpu.vector_load %arg15[%parallel_loop3A_454, %parallel_loop3A_455] {strides = array<i32>} : memref<40x128xf32, #tpu.memory_space<vmem>>, vector<1x16xf32>,
        %parallel_loop3A_457 = vector.shape_cast %parallel_loop3A_456 : vector<1x16xf32> to vector<16xf32>
        %parallel_loop3A_458 = vector.broadcast %parallel_loop3A_453 : f32 to vector<16xf32>
        %parallel_loop3A_459 = arith.mulf %parallel_loop3A_458, %parallel_loop3A_457 : vector<16xf32>
        %parallel_loop3A_460 = arith.index_cast %parallel_loop3A_256 : i32 to index
        %parallel_loop3A_461 = arith.constant 112 : index
        %parallel_loop3A_462 = tpu.vector_load %arg17[%parallel_loop3A_460, %parallel_loop3A_461] {strides = array<i32>} : memref<40x136xf32, #tpu.memory_space<vmem>>, vector<1x16xf32>,
        %parallel_loop3A_463 = vector.shape_cast %parallel_loop3A_462 : vector<1x16xf32> to vector<16xf32>
        %parallel_loop3A_464 = vector.shape_cast %parallel_loop3A_459 : vector<16xf32> to vector<1x16xf32>
        tpu.vector_store %arg17[%parallel_loop3A_460, %parallel_loop3A_461], %parallel_loop3A_464 {strides = array<i32>} : memref<40x136xf32, #tpu.memory_space<vmem>>, vector<1x16xf32>,
      } {sc.loop_unroll_factor = 10 : i64, sc.parallel_access}
      %dma_start3A_248 = arith.constant 0 : i32
      %dma_start3A_249 = arith.constant 0 : i32
      %dma_start3A_250 = tpu.memref_slice %arg7[%dma_start3A_248, %dma_start3A_249] : memref<10112x136xf32, #tpu.memory_space<vmem_shared>> -> memref<10112x136xf32, #tpu.memory_space<vmem_shared>>
      tpu.enqueue_indirect_dma source(%arg17 : memref<40x136xf32, #tpu.memory_space<vmem>>) target(%dma_start3A_250 : memref<10112x136xf32, #tpu.memory_space<vmem_shared>>) offsets(%arg19 : memref<40xi32, #tpu.memory_space<vmem>>) semaphore(%arg25 : memref<!tpu.dma_semaphore, #tpu.memory_space<semaphore_mem>>) {add = true}
      %lt3A_251 = arith.constant 124 : i32
      %lt3A_252 = arith.cmpi slt, %scan3A_117, %lt3A_251 : i32
      %convert_element_type3A_253 = arith.extui %lt3A_252 : i1 to i32
      %cond3A_254 = arith.constant 0 : i32
      %cond3A_255 = arith.cmpi ne, %convert_element_type3A_253, %cond3A_254 : i32
      scf.if %cond3A_255 {
        %mul3A_256 = arith.constant 40 : i32
        %mul3A_257 = arith.muli %add3A_186, %mul3A_256 : i32
        %add3A_258 = arith.addi %mul3A_40, %mul3A_257 : i32
        %dma_wait3A_259 = arith.constant 0 : i32
        %dma_wait3A_260 = tpu.memref_slice %arg5[%dma_wait3A_259, %add3A_258] : memref<2x320000xi32, #tpu.memory_space<hbm>> -> memref<2x40xi32, #tpu.memory_space<hbm>>
        %dma_wait3A_261 = arith.constant 0 : i32
        %dma_wait3A_262 = tpu.memref_slice %arg5[%dma_wait3A_261, %add3A_258] : memref<2x320000xi32, #tpu.memory_space<hbm>> -> memref<2x40xi32, #tpu.memory_space<hbm>>
        tpu.wait_dma2 semaphore(%arg21 : memref<!tpu.dma_semaphore, #tpu.memory_space<semaphore_mem>>) src(%dma_wait3A_262 : memref<2x40xi32, #tpu.memory_space<hbm>>) dst(%arg9 : memref<2x40xi32, #tpu.memory_space<vmem>>)
        %dma_start3A_263 = arith.constant 0 : i32
        %dma_start3A_264 = arith.constant 0 : i32
        %dma_start3A_265 = tpu.memref_slice %arg9[%dma_start3A_263, %dma_start3A_264] : memref<2x40xi32, #tpu.memory_space<vmem>> -> memref<1x40xi32, #tpu.memory_space<vmem>>
        %dma_start3A_266 = tpu.memref_squeeze %dma_start3A_265 : memref<1x40xi32, #tpu.memory_space<vmem>> -> memref<40xi32, #tpu.memory_space<vmem>>
        %dma_start3A_267 = arith.constant 0 : i32
        %dma_start3A_268 = arith.constant 0 : i32
        %dma_start3A_269 = tpu.memref_slice %arg2[%dma_start3A_267, %dma_start3A_268] : memref<10000x128xf32, #tpu.memory_space<hbm>> -> memref<10000x128xf32, #tpu.memory_space<hbm>>
        tpu.enqueue_indirect_dma source(%dma_start3A_269 : memref<10000x128xf32, #tpu.memory_space<hbm>>) target(%arg11 : memref<40x128xf32, #tpu.memory_space<vmem>>) offsets(%dma_start3A_266 : memref<40xi32, #tpu.memory_space<vmem>>) semaphore(%arg23 : memref<!tpu.dma_semaphore, #tpu.memory_space<semaphore_mem>>)
        %dma_start3A_270 = arith.constant 1 : i32
        %dma_start3A_271 = arith.constant 0 : i32
        %dma_start3A_272 = tpu.memref_slice %arg9[%dma_start3A_270, %dma_start3A_271] : memref<2x40xi32, #tpu.memory_space<vmem>> -> memref<1x40xi32, #tpu.memory_space<vmem>>
        %dma_start3A_273 = tpu.memref_squeeze %dma_start3A_272 : memref<1x40xi32, #tpu.memory_space<vmem>> -> memref<40xi32, #tpu.memory_space<vmem>>
        %dma_start3A_274 = arith.constant 0 : i32
        %dma_start3A_275 = arith.constant 0 : i32
        %dma_start3A_276 = tpu.memref_slice %arg3[%dma_start3A_274, %dma_start3A_275] : memref<10000x128xf32, #tpu.memory_space<hbm>> -> memref<10000x128xf32, #tpu.memory_space<hbm>>
        tpu.enqueue_indirect_dma source(%dma_start3A_276 : memref<10000x128xf32, #tpu.memory_space<hbm>>) target(%arg13 : memref<40x128xf32, #tpu.memory_space<vmem>>) offsets(%dma_start3A_273 : memref<40xi32, #tpu.memory_space<vmem>>) semaphore(%arg23 : memref<!tpu.dma_semaphore, #tpu.memory_space<semaphore_mem>>)
        %dma_start3A_277 = arith.constant 0 : i32
        %dma_start3A_278 = arith.constant 0 : i32
        %dma_start3A_279 = tpu.memref_slice %arg9[%dma_start3A_277, %dma_start3A_278] : memref<2x40xi32, #tpu.memory_space<vmem>> -> memref<1x40xi32, #tpu.memory_space<vmem>>
        %dma_start3A_280 = tpu.memref_squeeze %dma_start3A_279 : memref<1x40xi32, #tpu.memory_space<vmem>> -> memref<40xi32, #tpu.memory_space<vmem>>
        %dma_start3A_281 = arith.constant 0 : i32
        %dma_start3A_282 = arith.constant 0 : i32
        %dma_start3A_283 = tpu.memref_slice %arg4[%dma_start3A_281, %dma_start3A_282] : memref<10000x128xf32, #tpu.memory_space<hbm>> -> memref<10000x128xf32, #tpu.memory_space<hbm>>
        tpu.enqueue_indirect_dma source(%dma_start3A_283 : memref<10000x128xf32, #tpu.memory_space<hbm>>) target(%arg15 : memref<40x128xf32, #tpu.memory_space<vmem>>) offsets(%dma_start3A_280 : memref<40xi32, #tpu.memory_space<vmem>>) semaphore(%arg23 : memref<!tpu.dma_semaphore, #tpu.memory_space<semaphore_mem>>)
      } else {
      }
    }
    %scan3A_109 = arith.constant 125 : i32
    %dma_wait3A_110 = arith.constant 0 : i32
    %dma_wait3A_111 = arith.constant 0 : i32
    %dma_wait3A_112 = tpu.memref_slice %arg7[%dma_wait3A_110, %dma_wait3A_111] : memref<10112x136xf32, #tpu.memory_space<vmem_shared>> -> memref<10112x136xf32, #tpu.memory_space<vmem_shared>>
    tpu.wait_indirect_dma semaphore(%arg24 : memref<!tpu.dma_semaphore, #tpu.memory_space<semaphore_mem>>) src(%arg16 : memref<40x136xf32, #tpu.memory_space<vmem>>) dst(%dma_wait3A_112 : memref<10112x136xf32, #tpu.memory_space<vmem_shared>>)
    %dma_wait3A_113 = arith.constant 0 : i32
    %dma_wait3A_114 = arith.constant 0 : i32
    %dma_wait3A_115 = tpu.memref_slice %arg7[%dma_wait3A_113, %dma_wait3A_114] : memref<10112x136xf32, #tpu.memory_space<vmem_shared>> -> memref<10112x136xf32, #tpu.memory_space<vmem_shared>>
    tpu.wait_indirect_dma semaphore(%arg25 : memref<!tpu.dma_semaphore, #tpu.memory_space<semaphore_mem>>) src(%arg17 : memref<40x136xf32, #tpu.memory_space<vmem>>) dst(%dma_wait3A_115 : memref<10112x136xf32, #tpu.memory_space<vmem_shared>>)
    %barrier3A_116 = arith.constant 0 : index
    tpu.barrier barrier_id(%barrier3A_116)
    "tpu.region"() ({
      %run_scoped3A = tpu.sem_alloc : memref<!tpu.dma_semaphore, #tpu.memory_space<semaphore_mem>>
      %dma_start3A_117 = arith.constant 0 : i32
      %dma_start3A_118 = tpu.memref_slice %arg6[%arg0, %mul3A_0, %dma_start3A_117] : memref<2x10112x136xf32, #tpu.memory_space<hbm>> -> memref<1x632x136xf32, #tpu.memory_space<hbm>>
      %dma_start3A_119 = tpu.memref_squeeze %dma_start3A_118 : memref<1x632x136xf32, #tpu.memory_space<hbm>> -> memref<632x136xf32, #tpu.memory_space<hbm>>
      %dma_start3A_120 = arith.constant 0 : i32
      %dma_start3A_121 = tpu.memref_slice %arg7[%mul3A_0, %dma_start3A_120] : memref<10112x136xf32, #tpu.memory_space<vmem_shared>> -> memref<632x136xf32, #tpu.memory_space<vmem_shared>>
      tpu.enqueue_dma source(%dma_start3A_121 : memref<632x136xf32, #tpu.memory_space<vmem_shared>>) target(%dma_start3A_119 : memref<632x136xf32, #tpu.memory_space<hbm>>) target_semaphore(%run_scoped3A : memref<!tpu.dma_semaphore, #tpu.memory_space<semaphore_mem>>)
      %dma_wait3A_122 = arith.constant 0 : i32
      %dma_wait3A_123 = tpu.memref_slice %arg6[%arg0, %mul3A_0, %dma_wait3A_122] : memref<2x10112x136xf32, #tpu.memory_space<hbm>> -> memref<1x632x136xf32, #tpu.memory_space<hbm>>
      %dma_wait3A_124 = tpu.memref_squeeze %dma_wait3A_123 : memref<1x632x136xf32, #tpu.memory_space<hbm>> -> memref<632x136xf32, #tpu.memory_space<hbm>>
      %dma_wait3A_125 = arith.constant 0 : i32
      %dma_wait3A_126 = tpu.memref_slice %arg7[%mul3A_0, %dma_wait3A_125] : memref<10112x136xf32, #tpu.memory_space<vmem_shared>> -> memref<632x136xf32, #tpu.memory_space<vmem_shared>>
      tpu.wait_dma2 semaphore(%run_scoped3A : memref<!tpu.dma_semaphore, #tpu.memory_space<semaphore_mem>>) src(%dma_wait3A_126 : memref<632x136xf32, #tpu.memory_space<vmem_shared>>) dst(%dma_wait3A_124 : memref<632x136xf32, #tpu.memory_space<hbm>>)
      tpu.yield
    }) : () -> ()
    return
  }
}

module attributes {stable_mosaic.version = 14 : i64} {
  func.func @_proj_body(%arg0: i32, %arg1: memref<1000x128xf32, #tpu.memory_space<vmem>>, %arg2: memref<128x128xf32, #tpu.memory_space<vmem>>, %arg3: memref<128x128xf32, #tpu.memory_space<vmem>>, %arg4: memref<128x128xf32, #tpu.memory_space<vmem>>, %arg5: memref<1000x128xf32, #tpu.memory_space<vmem>>, %arg6: memref<1000x128xf32, #tpu.memory_space<vmem>>, %arg7: memref<1000x128xf32, #tpu.memory_space<vmem>>) attributes {dimension_semantics = [#tpu.dimension_semantics<arbitrary>], iteration_bounds = array<i64: 10>, scalar_prefetch = 0 : i64, scratch_operands = 0 : i64, tpu.core_type = #tpu.core_type<tc>, window_params = [{transform_indices = @transform_0, window_bounds = array<i64: 1000, 128>}, {pipeline_mode = #tpu.pipeline_mode<synchronous>, transform_indices = @transform_1, window_bounds = array<i64: 128, 128>}, {pipeline_mode = #tpu.pipeline_mode<synchronous>, transform_indices = @transform_2, window_bounds = array<i64: 128, 128>}, {pipeline_mode = #tpu.pipeline_mode<synchronous>, transform_indices = @transform_3, window_bounds = array<i64: 128, 128>}, {transform_indices = @transform_4, window_bounds = array<i64: 1000, 128>}, {transform_indices = @transform_5, window_bounds = array<i64: 1000, 128>}, {transform_indices = @transform_6, window_bounds = array<i64: 1000, 128>}]} {
    %get3A = arith.constant 0 : index
    %get3A_0 = arith.constant 0 : index
    %get3A_1 = vector.load %arg1[%get3A, %get3A_0] : memref<1000x128xf32, #tpu.memory_space<vmem>>, vector<1000x128xf32>
    %get3A_2 = arith.constant 0 : index
    %get3A_3 = arith.constant 0 : index
    %get3A_4 = vector.load %arg2[%get3A_2, %get3A_3] : memref<128x128xf32, #tpu.memory_space<vmem>>, vector<128x128xf32>
    %dot_general3A = arith.constant dense<0.000000e+00> : vector<1000x128xf32>
    %dot_general3A_5 = tpu.matmul %get3A_1, %get3A_4, %dot_general3A {dimension_numbers = #tpu.dot_dimension_numbers<[1], [0], [0], [1], [0, 0, 1, 1], [], []>, transpose_lhs_hint = false} : vector<1000x128xf32>, vector<128x128xf32>, vector<1000x128xf32> -> vector<1000x128xf32>
    %swap3A = arith.constant 0 : index
    %swap3A_6 = arith.constant 0 : index
    %swap3A_7 = vector.load %arg5[%swap3A, %swap3A_6] : memref<1000x128xf32, #tpu.memory_space<vmem>>, vector<1000x128xf32>
    tpu.vector_store %arg5[%swap3A, %swap3A_6], %dot_general3A_5 {strides = array<i32>} : memref<1000x128xf32, #tpu.memory_space<vmem>>, vector<1000x128xf32>,
    %get3A_8 = arith.constant 0 : index
    %get3A_9 = arith.constant 0 : index
    %get3A_10 = vector.load %arg3[%get3A_8, %get3A_9] : memref<128x128xf32, #tpu.memory_space<vmem>>, vector<128x128xf32>
    %dot_general3A_11 = arith.constant dense<0.000000e+00> : vector<1000x128xf32>
    %dot_general3A_12 = tpu.matmul %get3A_1, %get3A_10, %dot_general3A_11 {dimension_numbers = #tpu.dot_dimension_numbers<[1], [0], [0], [1], [0, 0, 1, 1], [], []>, transpose_lhs_hint = false} : vector<1000x128xf32>, vector<128x128xf32>, vector<1000x128xf32> -> vector<1000x128xf32>
    %swap3A_13 = arith.constant 0 : index
    %swap3A_14 = arith.constant 0 : index
    %swap3A_15 = vector.load %arg6[%swap3A_13, %swap3A_14] : memref<1000x128xf32, #tpu.memory_space<vmem>>, vector<1000x128xf32>
    tpu.vector_store %arg6[%swap3A_13, %swap3A_14], %dot_general3A_12 {strides = array<i32>} : memref<1000x128xf32, #tpu.memory_space<vmem>>, vector<1000x128xf32>,
    %get3A_16 = arith.constant 0 : index
    %get3A_17 = arith.constant 0 : index
    %get3A_18 = vector.load %arg4[%get3A_16, %get3A_17] : memref<128x128xf32, #tpu.memory_space<vmem>>, vector<128x128xf32>
    %dot_general3A_19 = arith.constant dense<0.000000e+00> : vector<1000x128xf32>
    %dot_general3A_20 = tpu.matmul %get3A_1, %get3A_18, %dot_general3A_19 {dimension_numbers = #tpu.dot_dimension_numbers<[1], [0], [0], [1], [0, 0, 1, 1], [], []>, transpose_lhs_hint = false} : vector<1000x128xf32>, vector<128x128xf32>, vector<1000x128xf32> -> vector<1000x128xf32>
    %swap3A_21 = arith.constant 0 : index
    %swap3A_22 = arith.constant 0 : index
    %swap3A_23 = vector.load %arg7[%swap3A_21, %swap3A_22] : memref<1000x128xf32, #tpu.memory_space<vmem>>, vector<1000x128xf32>
    tpu.vector_store %arg7[%swap3A_21, %swap3A_22], %dot_general3A_20 {strides = array<i32>} : memref<1000x128xf32, #tpu.memory_space<vmem>>, vector<1000x128xf32>,
    return
  }
  func.func @transform_0(%arg0: i32) -> (i32, i32) {
    %c0_i32 = arith.constant 0 : i32
    %c0_i32_0 = arith.constant 0 : i32
    return %arg0, %c0_i32 : i32, i32
  }
  func.func @transform_1(%arg0: i32) -> (i32, i32) {
    %c0_i32 = arith.constant 0 : i32
    %c0_i32_0 = arith.constant 0 : i32
    %c0_i32_1 = arith.constant 0 : i32
    return %c0_i32, %c0_i32_0 : i32, i32
  }
  func.func @transform_2(%arg0: i32) -> (i32, i32) {
    %c0_i32 = arith.constant 0 : i32
    %c0_i32_0 = arith.constant 0 : i32
    %c0_i32_1 = arith.constant 0 : i32
    return %c0_i32, %c0_i32_0 : i32, i32
  }
  func.func @transform_3(%arg0: i32) -> (i32, i32) {
    %c0_i32 = arith.constant 0 : i32
    %c0_i32_0 = arith.constant 0 : i32
    %c0_i32_1 = arith.constant 0 : i32
    return %c0_i32, %c0_i32_0 : i32, i32
  }
  func.func @transform_4(%arg0: i32) -> (i32, i32) {
    %c0_i32 = arith.constant 0 : i32
    %c0_i32_0 = arith.constant 0 : i32
    return %arg0, %c0_i32 : i32, i32
  }
  func.func @transform_5(%arg0: i32) -> (i32, i32) {
    %c0_i32 = arith.constant 0 : i32
    %c0_i32_0 = arith.constant 0 : i32
    return %arg0, %c0_i32 : i32, i32
  }
  func.func @transform_6(%arg0: i32) -> (i32, i32) {
    %c0_i32 = arith.constant 0 : i32
    %c0_i32_0 = arith.constant 0 : i32
    return %arg0, %c0_i32 : i32, i32
  }
}

module attributes {stable_mosaic.version = 14 : i64} {
  func.func @_combine_body(%arg0: i32, %arg1: memref<2x1000x136xf32, #tpu.memory_space<vmem>>, %arg2: memref<1000x128xf32, #tpu.memory_space<vmem>>, %arg3: memref<136x128xf32, #tpu.memory_space<vmem>>, %arg4: memref<136x128xf32, #tpu.memory_space<vmem>>, %arg5: memref<1000x128xf32, #tpu.memory_space<vmem>>) attributes {dimension_semantics = [#tpu.dimension_semantics<arbitrary>], iteration_bounds = array<i64: 10>, scalar_prefetch = 0 : i64, scratch_operands = 0 : i64, tpu.core_type = #tpu.core_type<tc>, window_params = [{transform_indices = @transform_0, window_bounds = array<i64: 2, 1000, 136>}, {transform_indices = @transform_1, window_bounds = array<i64: 1000, 128>}, {pipeline_mode = #tpu.pipeline_mode<synchronous>, transform_indices = @transform_2, window_bounds = array<i64: 136, 128>}, {pipeline_mode = #tpu.pipeline_mode<synchronous>, transform_indices = @transform_3, window_bounds = array<i64: 136, 128>}, {transform_indices = @transform_4, window_bounds = array<i64: 1000, 128>}]} {
    %get3A = arith.constant 0 : index
    %get3A_0 = arith.constant 0 : index
    %get3A_1 = arith.constant 0 : index
    %get3A_2 = vector.load %arg1[%get3A, %get3A_0, %get3A_1] : memref<2x1000x136xf32, #tpu.memory_space<vmem>>, vector<1x1000x136xf32>
    %get3A_3 = vector.shape_cast %get3A_2 : vector<1x1000x136xf32> to vector<1000x136xf32>
    %get3A_4 = arith.constant 1 : index
    %get3A_5 = arith.constant 0 : index
    %get3A_6 = arith.constant 0 : index
    %get3A_7 = vector.load %arg1[%get3A_4, %get3A_5, %get3A_6] : memref<2x1000x136xf32, #tpu.memory_space<vmem>>, vector<1x1000x136xf32>
    %get3A_8 = vector.shape_cast %get3A_7 : vector<1x1000x136xf32> to vector<1000x136xf32>
    %add3A = arith.addf %get3A_3, %get3A_8 : vector<1000x136xf32>
    %get3A_9 = arith.constant 0 : index
    %get3A_10 = arith.constant 0 : index
    %get3A_11 = vector.load %arg3[%get3A_9, %get3A_10] : memref<136x128xf32, #tpu.memory_space<vmem>>, vector<136x128xf32>
    %dot_general3A = arith.constant dense<0.000000e+00> : vector<1000x128xf32>
    %dot_general3A_12 = tpu.matmul %add3A, %get3A_11, %dot_general3A {dimension_numbers = #tpu.dot_dimension_numbers<[1], [0], [0], [1], [0, 0, 1, 1], [], []>, transpose_lhs_hint = false} : vector<1000x136xf32>, vector<136x128xf32>, vector<1000x128xf32> -> vector<1000x128xf32>
    %get3A_13 = arith.constant 0 : index
    %get3A_14 = arith.constant 0 : index
    %get3A_15 = vector.load %arg4[%get3A_13, %get3A_14] : memref<136x128xf32, #tpu.memory_space<vmem>>, vector<136x128xf32>
    %dot_general3A_16 = arith.constant dense<0.000000e+00> : vector<1000x128xf32>
    %dot_general3A_17 = tpu.matmul %add3A, %get3A_15, %dot_general3A_16 {dimension_numbers = #tpu.dot_dimension_numbers<[1], [0], [0], [1], [0, 0, 1, 1], [], []>, transpose_lhs_hint = false} : vector<1000x136xf32>, vector<136x128xf32>, vector<1000x128xf32> -> vector<1000x128xf32>
    %gt3A = arith.constant 0.000000e+00 : f32
    %gt3A_18 = vector.broadcast %gt3A : f32 to vector<1000x128xf32>
    %gt3A_19 = arith.cmpf ogt, %dot_general3A_17, %gt3A_18 : vector<1000x128xf32>
    %div3A = arith.divf %dot_general3A_12, %dot_general3A_17 : vector<1000x128xf32>
    %get3A_20 = arith.constant 0 : index
    %get3A_21 = arith.constant 0 : index
    %get3A_22 = vector.load %arg2[%get3A_20, %get3A_21] : memref<1000x128xf32, #tpu.memory_space<vmem>>, vector<1000x128xf32>
    %select_n3A = arith.select %gt3A_19, %div3A, %get3A_22 : vector<1000x128xi1>, vector<1000x128xf32>
    %swap3A = arith.constant 0 : index
    %swap3A_23 = arith.constant 0 : index
    %swap3A_24 = vector.load %arg5[%swap3A, %swap3A_23] : memref<1000x128xf32, #tpu.memory_space<vmem>>, vector<1000x128xf32>
    tpu.vector_store %arg5[%swap3A, %swap3A_23], %select_n3A {strides = array<i32>} : memref<1000x128xf32, #tpu.memory_space<vmem>>, vector<1000x128xf32>,
    return
  }
  func.func @transform_0(%arg0: i32) -> (i32, i32, i32) {
    %c0_i32 = arith.constant 0 : i32
    %c0_i32_0 = arith.constant 0 : i32
    %c0_i32_1 = arith.constant 0 : i32
    return %c0_i32, %arg0, %c0_i32_0 : i32, i32, i32
  }
  func.func @transform_1(%arg0: i32) -> (i32, i32) {
    %c0_i32 = arith.constant 0 : i32
    %c0_i32_0 = arith.constant 0 : i32
    return %arg0, %c0_i32 : i32, i32
  }
  func.func @transform_2(%arg0: i32) -> (i32, i32) {
    %c0_i32 = arith.constant 0 : i32
    %c0_i32_0 = arith.constant 0 : i32
    %c0_i32_1 = arith.constant 0 : i32
    return %c0_i32, %c0_i32_0 : i32, i32
  }
  func.func @transform_3(%arg0: i32) -> (i32, i32) {
    %c0_i32 = arith.constant 0 : i32
    %c0_i32_0 = arith.constant 0 : i32
    %c0_i32_1 = arith.constant 0 : i32
    return %c0_i32, %c0_i32_0 : i32, i32
  }
  func.func @transform_4(%arg0: i32) -> (i32, i32) {
    %c0_i32 = arith.constant 0 : i32
    %c0_i32_0 = arith.constant 0 : i32
    return %arg0, %c0_i32 : i32, i32
  }
}

</mosaic_0001>

<sc_bundles>
// kernel: kernel.5.cloned.1.call-start
scs
__scs_entry_jumppad:
0x0: {  	(pc) =	sbr.rel $0x88, $3  }
0x1: {  	(tag) =	ssettag $0x0;
	lr =	simm.s32 $0x1  }
0x2: {  	[smem:$0x3F9C] =	sst lr;
	_ =	strace $0xD0000000  }
0x3: {  	_ = 	snop  }
0x4: {  	_ = 	snop  }
0x5: {  	_ = 	snop  }
0x6: {  	_ = 	snop  }
0x7: {  	_ = 	snop  }
__scs_overlays_trampoline_lowered:
0x8: {  	[smem:$0x3FAB] =	sst s0  }
0x9: {  	[smem:$0x3FAC] =	sst s1  }
0xa: {  	[smem:$0x3FAD] =	sst s2  }
0xb: {  	[smem:$0x3FAE] =	sst s3  }
0xc: {  	[smem:$0x3FAF] =	sst s4  }
0xd: {  	[smem:$0x3FB0] =	sst s5  }
0xe: {  	[smem:$0x3FB1] =	sst s6  }
0xf: {  	[smem:$0x3FB2] =	sst s7  }
0x10: {  	[smem:$0x3FB3] =	sst s8  }
0x11: {  	[smem:$0x3FB4] =	sst s9;
	s0 =	simm.s32 @!p0 $0x0  }
0x12: {  	s1 =	sld [smem:$0x3F9A];
	s0 =	simm.s32 @p0 $0x1  }
0x13: {  	[smem:$0x3FB5] =	sst s0;
	s0 =	simm.s32 @!p1 $0x0  }
0x14: {  	s2 =	sld [smem:$0x3F99];
	s0 =	simm.s32 @p1 $0x1  }
0x15: {  	[smem:$0x3FB6] =	sst s0;
	s0 =	simm.s32 @!p2 $0x0  }
0x16: {  	s3 =	sld [smem:$0x3FDB];
	s0 =	simm.s32 @p2 $0x1  }
0x17: {  	s4 =	simm.s32 $0x1BF5;
	[smem:$0x3FB8] =	sst s0  }
0x18: {  	s0 =	sld [smem:$0x3F9B];
	_ =	swait.ge [sflag:s4], $0x0  }
0x19: {  	s7 =	sld [smem:$0x3F9C]  }
0x1a: {  	s8 =	sadd.s32 $0xFFFFE003, lr  }
0x1b: {  	s9 =	sadd.s32 $0xFFFFFEF7, lr;
	s5 =	simm.s32 $0xFFFFFFFF;
	p2 =	slt.u32 s8, $0xFFFFF086  }
0x1c: {  	p1 =	slt.u32 s9, $0xF7A;
	s5 =	simm.s32 @!p2 $0x0  }
0x1d: {  	s5 =	simm.s32 @p1 $0x1;
	p0 =	seq.s32 s7, s2  }
0x1e: {  	s7 =	smul.u32 @!p0 $0xF7A, s2;
	p2 =	seq.s32 @!p0 s5, $0x0  }
0x1f: {  	s9 =	smul.u32 $0xF7A, s1;
	s8 =	simm.s32 @!p0 $0x1BF5;
	p2 =	por !p2, p0  }
0x20: {  	[sflag:s8] =	ssyncset.s32 @!p0 $0xFFFFF086;
	s6 =	sadd.s32 @!p0 s3, s7;
	s7 =	simm.s32 @!p0 $0x108  }
0x21: {  	s3 =	sadd.s32 s3, s9;
	s6 =	sadd.s32 @!p0 $0x88, s6;
	s7 =	simm.s32 @p2 $0x1082  }
0x22: {  	[simem:s7], [sflag:s8] =	dma.local @!p0 [hbm:s6], $0xF7A  }
0x23: {  	s9 =	sor.u32 $0xD0000000, s2;
	s6 =	simm.s32 $0x108;
	_ =	swait.ge @!p0 [sflag:s8], $0x0  }
0x24: {  	s3 =	sadd.s32 $0x88, s3;
	s6 =	simm.s32 @!p1 $0x1082;
	[sflag:s4] =	ssyncset.s32 $0xFFFFF086  }
0x25: {  	[simem:s6], [sflag:s4] =	dma.local [hbm:s3], $0xF7A  }
0x26: {  	[smem:$0x3F9C] =	sst s1;
	(tag) =	ssettag s2;
	_ =	strace s9  }
0x27: {  	s1 =	sld [smem:$0x3FAC]  }
0x28: {  	s2 =	sld [smem:$0x3FAD]  }
0x29: {  	s4 =	sld [smem:$0x3FAF]  }
0x2a: {  	p0 =	seq.s32 s5, $0x0;
	s5 =	sld [smem:$0x3FB0]  }
0x2b: {  	s6 =	sld [smem:$0x3FB1]  }
0x2c: {  	s7 =	sld [smem:$0x3FB2]  }
0x2d: {  	s3 =	simm.s32 $0x108;
	s8 =	sld [smem:$0x3FB3]  }
0x2e: {  	s3 =	simm.s32 @!p0 $0x1082;
	s9 =	sld [smem:$0x3FB4]  }
0x2f: {  	lr =	sadd.s32 s0, s3;
	s0 =	sld [smem:$0x3FAB]  }
0x30: {  	s3 =	sld [smem:$0x3FAE]  }
0x31: {  	[smem:$0x3FB7] =	sst s10  }
0x32: {  	s10 =	sld [smem:$0x3FB5];
	_ =	sdelay $0x3  }
0x33: {  	p0 =	seq.s32 s10, $0x1;
	s10 =	sld [smem:$0x3FB7];
	_ =	sdelay $0x3  }
0x34: {  	[smem:$0x3FB7] =	sst s10  }
0x35: {  	s10 =	sld [smem:$0x3FB6];
	_ =	sdelay $0x3  }
0x36: {  	p1 =	seq.s32 s10, $0x1;
	s10 =	sld [smem:$0x3FB7];
	_ =	sdelay $0x3  }
0x37: {  	[smem:$0x3FB7] =	sst s10  }
0x38: {  	s10 =	sld [smem:$0x3FB8]  }
0x39: {  	_ = 	snop;
	(pc) =	sbr.ind lr, $3  }
0x3a: {  	_ = 	snop  }
0x3b: {  	_ = 	snop  }
0x3c: {  	p2 =	seq.s32 s10, $0x1;
	s10 =	sld [smem:$0x3FB7]  }
0x3d: {  	_ =	shalt  }
0x3e: {  	_ =	shalt  }
0x3f: {  	_ =	shalt  }
0x40: {  	_ =	shalt  }
0x41: {  	_ =	shalt  }
0x42: {  	_ =	shalt  }
0x43: {  	_ =	shalt  }
0x44: {  	_ =	shalt  }
0x45: {  	_ =	shalt  }
0x46: {  	_ =	shalt  }
0x47: {  	_ =	shalt  }
0x48: {  	_ =	shalt  }
0x49: {  	_ =	shalt  }
0x4a: {  	_ =	shalt  }
0x4b: {  	_ =	shalt  }
0x4c: {  	_ =	shalt  }
0x4d: {  	_ =	shalt  }
0x4e: {  	_ =	shalt  }
0x4f: {  	_ =	shalt  }
0x50: {  	_ =	shalt  }
0x51: {  	_ =	shalt  }
0x52: {  	_ =	shalt  }
0x53: {  	_ =	shalt  }
0x54: {  	_ =	shalt  }
0x55: {  	_ =	shalt  }
0x56: {  	_ =	shalt  }
0x57: {  	_ =	shalt  }
0x58: {  	_ =	shalt  }
0x59: {  	_ =	shalt  }
0x5a: {  	_ =	shalt  }
0x5b: {  	_ =	shalt  }
0x5c: {  	_ =	shalt  }
0x5d: {  	_ =	shalt  }
0x5e: {  	_ =	shalt  }
0x5f: {  	_ =	shalt  }
0x60: {  	_ =	shalt  }
0x61: {  	_ =	shalt  }
0x62: {  	_ =	shalt  }
0x63: {  	_ =	shalt  }
0x64: {  	_ =	shalt  }
0x65: {  	_ =	shalt  }
0x66: {  	_ =	shalt  }
0x67: {  	_ =	shalt  }
0x68: {  	_ =	shalt  }
0x69: {  	_ =	shalt  }
0x6a: {  	_ =	shalt  }
0x6b: {  	_ =	shalt  }
0x6c: {  	_ =	shalt  }
0x6d: {  	_ =	shalt  }
0x6e: {  	_ =	shalt  }
0x6f: {  	_ =	shalt  }
0x70: {  	_ =	shalt  }
0x71: {  	_ =	shalt  }
0x72: {  	_ =	shalt  }
0x73: {  	_ =	shalt  }
0x74: {  	_ =	shalt  }
0x75: {  	_ =	shalt  }
0x76: {  	_ =	shalt  }
0x77: {  	_ =	shalt  }
0x78: {  	_ =	shalt  }
0x79: {  	_ =	shalt  }
0x7a: {  	_ =	shalt  }
0x7b: {  	_ =	shalt  }
0x7c: {  	_ =	shalt  }
0x7d: {  	_ =	shalt  }
0x7e: {  	_ =	shalt  }
0x7f: {  	_ =	shalt  }
0x80: {  	_ =	shalt  }
0x81: {  	_ =	shalt  }
0x82: {  	_ =	shalt  }
0x83: {  	_ =	shalt  }
0x84: {  	_ =	shalt  }
0x85: {  	_ =	shalt  }
0x86: {  	_ =	shalt  }
0x87: {  	_ =	shalt  }
.Lfunc_end0:
.L_simem_size_0:
called_computation_lowered:
.L_overlay_start_0:
0x88: {  	s2 =	sld [smem:$0x3FD9]  }
0x89: {  	s3 =	sld [smem:$0x3FFE];
	_ =	sdelay $0x1  }
0x8a: {  	s1 =	srdreg.scid  }
0x8b: {  	s0 =	sand.u32 $0x1, s1  }
0x8c: {  	s17 =	sshll.u32 s0, $0xA;
	s2 =	sadd.s32 s3, s2  }
0x8d: {  	s2 =	sadd.s32 s2, s17  }
0x8e: {  	[smem:$0x3FC3] =	sst s2  }
0x8f: {  	_ = 	snop  }
0x90: {  	s2 =	sld [smem:$0x3FD0];
	(tm) =	ssettm $0x1  }
0x91: {  	s18 =	sld [smem:$0x3FFB];
	_ =	sdelay $0x3  }
0x92: {  	_ =	strace s18  }
0x93: {  	s3 =	sld [smem:$0x3FFC];
	_ =	sdelay $0x3  }
0x94: {  	_ =	strace s3  }
0x95: {  	s3 =	sld [smem:$0x3FFD];
	_ =	sdelay $0x3  }
0x96: {  	_ =	strace s3  }
0x97: {  	_ =	strace $0x8FFFFFFF  }
0x98: {  	s19 =	sld [smem:$0x3FDB];
	_ =	sdelay $0x1  }
0x99: {  	s4 =	simm.s32 $_scs_section_size  }
0x9a: {  	s5 =	simm.s32 $_size__tile_overlayer_lowered;
	s6 =	simm.s32 $_tile_overlayer_lowered  }
0x9b: {  	s22 =	simm.s32 $0x1BFF;
	s21 =	sshll.u32 s6, $0x1;
	s3 =	sadd.s32 s4, s19  }
0x9c: {  	s7 =	simm.s32 $0x0;
	s20 =	sshll.u32 s5, $0x1;
	s5 =	sadd.s32 s21, s3  }
0x9d: {  	[timem:s7], [sflag:s22] =	dma.local [hbm:s5], s20  }
0x9e: {  	_ =	swait.ge [sflag:s22], s20  }
0x9f: {  	s4 =	ssub.s32 $0x0, s20;
	[sflag:s22] =	ssyncset.done $0x0  }
0xa0: {  	[sflag:s22] =	ssyncadd.s32 s4;
	_ =	sdelay $0x1  }
0xa1: {  	s23 =	simm.s32 $0x1B8B  }
0xa2: {  	_ =	swait.ge [sflag:s23], $0x1  }
0xa3: {  	[sflag:s23] =	ssyncset.done $0x0  }
0xa4: {  	s25 =	simm.s32 $0x1B8E;
	s24 =	sld [smem:$0x3FFE];
	[sflag:s23] =	ssyncadd.s32 $0xFFFFFFFF  }
0xa5: {  	s26 =	simm.s32 $execute0_lowered;
	[smem:$0x3FD2] =	sst s25  }
0xa6: {  	s5 =	sshll.u32 s26, $0x1;
	_ =	strace $0x80000046;
	[dreg:$0x1] =	wrdreg $0xFFFFFFFF  }
0xa7: {  	s28 =	simm.s32 $_size_execute0_lowered;
	s3 =	sadd.s32 s3, s5;
	[dreg:$0x0] =	wrdreg $0x0  }
0xa8: {  	s5 =	sshll.u32 s28, $0x1;
	[dreg:$0x2] =	wrdreg s3  }
0xa9: {  	[dreg:$0x3] =	wrdreg s5  }
0xaa: {  	[dreg:$0x4] =	wrdreg $0xC0  }
0xab: {  	_ =	task [dreg:s7], $0x5FFFF  }
0xac: {  	[dreg:$0x1] =	wrdreg $0xFFFFFFFF  }
0xad: {  	[dreg:$0x0] =	wrdreg $0x60  }
0xae: {  	[dreg:$0x2] =	wrdreg s2  }
0xaf: {  	[dreg:$0x3] =	wrdreg s24  }
0xb0: {  	[dreg:$0x4] =	wrdreg $0x0  }
0xb1: {  	[dreg:$0x5] =	wrdreg $0x9  }
0xb2: {  	_ =	task.clear_ibuf [dreg:s7], $0x6FFFF;
	_ =	strace $0x90000046  }
0xb3: {  	s29 =	simm.s32 $0x9;
	_ =	strace $0x80000048  }
0xb4: {  	_ =	swait.ge [sflag:s29], $0x1  }
0xb5: {  	[sflag:s29] =	ssyncadd.s32 $0xFFFFFFFF  }
0xb6: {  	_ =	strace $0x90000048  }
0xb7: {  	_ =	sfence  }
0xb8: {  	s30 =	sld [smem:$0x0];
	_ =	sdelay $0x2  }
0xb9: {  	s31 =	sshll.u32 s1, $0xD;
	s1 =	sshrl.u32 s1, $0x2  }
0xba: {  	s3 =	sand.u32 $0x4000, s31;
	s1 =	sadd.s32 s1, s30  }
0xbb: {  	s0 =	sor.u32 s3, s0;
	s1 =	sshll.u32 s1, $0x11  }
0xbc: {  	s0 =	sor.u32 s1, s0  }
0xbd: {  	s0 =	sadd.s32 $0x8F2B, s0  }
0xbe: {  	[sflag:s0] =	ssyncadd.remote.s32 $0x1  }
0xbf: {  	_ =	sfence.sel $0xFFFF  }
0xc0: {  	[dreg:$0x0] =	wrdreg $0xFFFFFFFF;
	(pc) =	sbr.abs _section_cstart, $3  }
0xc1: {  	[dreg:$0x1] =	wrdreg $0xFFFFFFFF  }
0xc2: {  	_ =	task.clear_ibuf [dreg:s7], $0x2FFFF;
	_ =	strace $0x9FFFFFFF  }
0xc3: {  	(tm) =	ssettm $0x7FFFFFFF  }
tec
execute0_lowered:
.L_overlay_start_1:
0x0: {  	(tag) =	ssettag $0x1  }
0x1: {  	s1 =	rddreg [dreg:$0x0]  }
0x2: {  	s0 =	rddreg [dreg:$0x1]  }
0x3: {  	s3 =	rddreg [dreg:$0x2]  }
0x4: {  	s13 =	simm.s32 $0x0;
	s2 =	srdreg.scid;
	s12 =	stileid.u32  }
0x5: {  	s31 =	simm.s32 $0x1C860;
	[smem:$0x7FF] =	sst s13;
	s9 =	smul.u32 $0x53F00, s12  }
0x6: {  	s2 =	sand.u32 $0x1, s2;
	s4 =	smul.u32 $0x14FC0, s12;
	s5 =	sadd.s32 $0x3C200, s0  }
0x7: {  	_ =	strace $0x80000047;
	s8 =	smul.u32 $0x14FC00, s2;
	s9 =	sshrl.u32 s9, $0x2  }
0x8: {  	s10 =	ssub.s32 $0x2, s2;
	s14 =	sadd.s32 s4, s3;
	s9 =	sadd.s32 s9, s3  }
0x9: {  	s2 =	sshll.u32 s2, $0x4;
	[dreg:$0x5] =	wrdreg s14;
	s30 =	sadd.s32 $0x1540, s9  }
0xa: {  	s2 =	sor.u32 s12, s2;
	s12 =	sadd.s32 $0x5500, s9;
	[dreg:$0x6] =	wrdreg s30  }
0xb: {  	s6 =	sadd.s32 $0x15000, s0;
	s15 =	sadd.s32 $0x6A40, s9;
	[dreg:$0x9] =	wrdreg s12  }
0xc: {  	s7 =	sadd.s32 $0x1600, s0;
	s16 =	sadd.s32 $0x7F80, s9;
	[dreg:$0xa] =	wrdreg s15  }
0xd: {  	s11 =	sshrl.u32 s10, $0x1;
	s17 =	sadd.s32 $0x94C0, s9;
	[dreg:$0xb] =	wrdreg s16  }
0xe: {  	s8 =	sadd.s32 s4, s8;
	s18 =	sadd.s32 $0xAA00, s9;
	[dreg:$0xc] =	wrdreg s17  }
0xf: {  	s2 =	smul.u32 $0x2710, s2;
	s19 =	sadd.s32 $0xBF40, s9;
	[dreg:$0xd] =	wrdreg s18  }
0x10: {  	s8 =	sshrl.u32 s8, $0x3;
	s20 =	sadd.s32 $0xD480, s9;
	[dreg:$0xe] =	wrdreg s19  }
0x11: {  	s22 =	sadd.s32 $0xE9C0, s9;
	s23 =	sadd.s32 $0xFF00, s9;
	[dreg:$0xf] =	wrdreg s20  }
0x12: {  	s24 =	sadd.s32 $0x11440, s9;
	s25 =	sadd.s32 $0x12980, s9;
	[dreg:$0x10] =	wrdreg s22  }
0x13: {  	s0 =	sadd.s32 s8, s0;
	s8 =	ssub.s32 s10, s11;
	[dreg:$0x11] =	wrdreg s23  }
0x14: {  	s10 =	sadd.s32 $0x2A80, s9;
	s11 =	sadd.s32 $0x3FC0, s9;
	[dreg:$0x12] =	wrdreg s24  }
0x15: {  	s21 =	sadd.s32 $0x28, s2;
	[dreg:$0x13] =	wrdreg s25;
	s26 =	sshrl.u32 s2, $0x3  }
0x16: {  	s9 =	sadd.s32 $0x13EC0, s9;
	s28 =	sadd.s32 $0x78, s2;
	s12 =	simm.s32 $0x2  }
0x17: {  	s16 =	simm.s32 $0x1B460;
	s17 =	simm.s32 $0x3;
	s18 =	simm.s32 $0x1F2E0  }
0x18: {  	s19 =	simm.s32 $0x4;
	s20 =	simm.s32 $0x1F308;
	[dreg:$0x7] =	wrdreg s10  }
0x19: {  	s23 =	simm.s32 $0x6;
	[dreg:$0x8] =	wrdreg s11;
	s4 =	sshrl.u32 s21, $0x3  }
.Ltmp0:
0x1a: {  	[dreg:$0x14] =	wrdreg s9;
	s29 =	sadd.s32 s7, s26;
	(pc) =	sbr.rel .LBB2_1-.Ltmp0, $4  }
0x1b: {  	v0 =	vlaneseq.u32;
	s26 =	sadd.s32 $0x50, s2;
	s0 =	sadd.s32 $0x63400, s0;
	[dreg:$0x15] =	wrdreg s29  }
0x1c: {  	v1 =	vmul.u32 $0xFFFFFFFF, v0;
	s30 =	smax.u32 s8, $0x1;
	s2 =	simm.s32 $0x28;
	[dreg:$0x17] =	wrdreg s0  }
0x1d: {  	s11 =	simm.s32 $0x15010;
	s4 =	sadd.s32 s7, s4;
	[dreg:$0x18] =	wrdreg s30  }
0x1e: {  	v0 =	vimm.f32 $0.0e+00;
	v1 =	vadd.s32 $0xF, v1;
	s21 =	simm.s32 $0x1DDA0;
	s0 =	simm.s32 $0x7;
	[dreg:$0x16] =	wrdreg s4  }
.LBB2_10:
0x1f: {  	s4 =	simm.s32 $0x5  }
0x20: {  	_ =	swait.ge [sflag:s4], $0x1540  }
0x21: {  	[sflag:s4] =	ssyncset.done $0x0  }
0x22: {  	[sflag:s4] =	ssyncadd.s32 $0xFFFFEAC0  }
0x23: {  	_ =	swait.ge [sflag:s23], $0x1540  }
0x24: {  	[sflag:s23] =	ssyncset.done $0x0  }
0x25: {  	[sflag:s23] =	ssyncadd.s32 $0xFFFFEAC0  }
0x26: {  	s29 =	stileid.u32;
	[bflag:$0x0] =	sbarrier.arrive $0xFFFF  }
0x27: {  	s4 =	sshll.u32 s29, $0x6;
	s14 =	rddreg [dreg:$0x5]  }
0x28: {  	s4 =	sor.u32 $0x1C07, s4;
	s9 =	rddreg [dreg:$0x17];
	s8 =	sshrl.u32 s14, $0x3  }
0x29: {  	[hbm:s9], [sflag:s4] =	dma.local [spmem:s8], $0x29F8  }
0x2a: {  	_ =	swait.ge [sflag:s0], $0x29F8  }
0x2b: {  	s13 =	rddreg [dreg:$0x4]  }
0x2c: {  	s30 =	rddreg [dreg:$0x18];
	s13 =	sadd.s32 $0x1, s13  }
0x2d: {  	p0 =	sne.s32 s13, s30  }
.Ltmp1:
0x2e: {  	_ = 	snop;
	(pc) =	sbr.rel @!p0 .LBB2_11-.Ltmp1, $3  }
0x2f: {  	_ =	sdelay $0x1  }
0x30: {  	[sflag:s0] =	ssyncset.done $0x0  }
0x31: {  	[sflag:s0] =	ssyncadd.s32 $0xFFFFD608  }
.LBB2_1:
0x32: {  	[dreg:$0x4] =	wrdreg s13;
	s4 =	simm.s32 $0x1CA80  }
0x33: {  	[tilespmem:s4+$0xFFFFFDE0] =	vst v0  }
0x34: {  	[tilespmem:s4+$0x1F8] =	vst v0  }
0x35: {  	[tilespmem:s4+$0x1E8] =	vst v0  }
0x36: {  	[tilespmem:s4+$0x1D8] =	vst v0  }
0x37: {  	[tilespmem:s4+$0x1C8] =	vst v0  }
0x38: {  	[tilespmem:s4+$0x1B8] =	vst v0  }
0x39: {  	[tilespmem:s4+$0x1A8] =	vst v0  }
0x3a: {  	[tilespmem:s4+$0x198] =	vst v0  }
0x3b: {  	[tilespmem:s4+$0x170] =	vst v0  }
0x3c: {  	[tilespmem:s4+$0x160] =	vst v0  }
0x3d: {  	[tilespmem:s4+$0x150] =	vst v0  }
0x3e: {  	[tilespmem:s4+$0x140] =	vst v0  }
0x3f: {  	[tilespmem:s4+$0x130] =	vst v0  }
0x40: {  	[tilespmem:s4+$0x120] =	vst v0  }
0x41: {  	[tilespmem:s4+$0x110] =	vst v0  }
0x42: {  	[tilespmem:s4+$0xE8] =	vst v0  }
0x43: {  	[tilespmem:s4+$0xD8] =	vst v0  }
0x44: {  	[tilespmem:s4+$0xC8] =	vst v0  }
0x45: {  	[tilespmem:s4+$0xB8] =	vst v0  }
0x46: {  	[tilespmem:s4+$0xA8] =	vst v0  }
0x47: {  	[tilespmem:s4+$0x98] =	vst v0  }
0x48: {  	[tilespmem:s4+$0x88] =	vst v0  }
0x49: {  	[tilespmem:s4+$0x60] =	vst v0  }
0x4a: {  	[tilespmem:s4+$0x50] =	vst v0  }
0x4b: {  	[tilespmem:s4+$0x40] =	vst v0  }
0x4c: {  	[tilespmem:s4+$0x30] =	vst v0  }
0x4d: {  	[tilespmem:s4+$0x20] =	vst v0  }
0x4e: {  	[tilespmem:s4+$0x10] =	vst v0  }
0x4f: {  	[tilespmem:s4+$0x0] =	vst v0  }
0x50: {  	[tilespmem:s4+$0xFFFFFFF0] =	vst v0  }
0x51: {  	[tilespmem:s4+$0xFFFFFFE8] =	vst v0  }
0x52: {  	[tilespmem:s4+$0xFFFFFFD8] =	vst v0  }
0x53: {  	[tilespmem:s4+$0xFFFFFFC8] =	vst v0  }
0x54: {  	[tilespmem:s4+$0xFFFFFFB8] =	vst v0  }
0x55: {  	[tilespmem:s4+$0xFFFFFFA8] =	vst v0  }
0x56: {  	[tilespmem:s4+$0xFFFFFF98] =	vst v0  }
0x57: {  	[tilespmem:s4+$0xFFFFFF88] =	vst v0  }
0x58: {  	[tilespmem:s4+$0xFFFFFF78] =	vst v0  }
0x59: {  	[tilespmem:s4+$0xFFFFFF50] =	vst v0  }
0x5a: {  	[tilespmem:s4+$0xFFFFFF40] =	vst v0  }
0x5b: {  	[tilespmem:s4+$0xFFFFFF30] =	vst v0  }
0x5c: {  	[tilespmem:s4+$0xFFFFFF20] =	vst v0  }
0x5d: {  	[tilespmem:s4+$0xFFFFFF10] =	vst v0  }
0x5e: {  	[tilespmem:s4+$0xFFFFFF00] =	vst v0  }
0x5f: {  	[tilespmem:s4+$0xFFFFFEF0] =	vst v0  }
0x60: {  	[tilespmem:s4+$0xFFFFFEC8] =	vst v0  }
0x61: {  	[tilespmem:s4+$0xFFFFFEB8] =	vst v0  }
0x62: {  	[tilespmem:s4+$0xFFFFFEA8] =	vst v0  }
0x63: {  	[tilespmem:s4+$0xFFFFFE98] =	vst v0  }
0x64: {  	[tilespmem:s4+$0xFFFFFE88] =	vst v0  }
0x65: {  	[tilespmem:s4+$0xFFFFFE78] =	vst v0  }
0x66: {  	[tilespmem:s4+$0xFFFFFE68] =	vst v0  }
0x67: {  	[tilespmem:s4+$0xFFFFFE40] =	vst v0  }
0x68: {  	[tilespmem:s4+$0xFFFFFE30] =	vst v0  }
0x69: {  	[tilespmem:s4+$0xFFFFFE20] =	vst v0  }
0x6a: {  	[tilespmem:s4+$0xFFFFFE10] =	vst v0  }
0x6b: {  	[tilespmem:s4+$0xFFFFFE00] =	vst v0  }
0x6c: {  	[tilespmem:s4+$0xFFFFFDF0] =	vst v0  }
0x6d: {  	[tilespmem:s4+$0x180] =	vst v0  }
0x6e: {  	[tilespmem:s4+$0x208] =	vst v0  }
0x6f: {  	[tilespmem:s4+$0x70] =	vst v0  }
0x70: {  	[tilespmem:s4+$0xFFFFFE50] =	vst v0  }
0x71: {  	[tilespmem:s4+$0xFFFFFED8] =	vst v0  }
0x72: {  	[tilespmem:s4+$0xF8] =	vst v0  }
0x73: {  	[tilespmem:s4+$0xFFFFFF60] =	vst v0  }
0x74: {  	[tilespmem:s4+$0x210] =	vst v0  }
0x75: {  	[tilespmem:s4+$0x78] =	vst v0  }
0x76: {  	[tilespmem:s4+$0x188] =	vst v0  }
0x77: {  	[tilespmem:s4+$0x100] =	vst v0  }
0x78: {  	[tilespmem:s4+$0xFFFFFF68] =	vst v0  }
0x79: {  	s8 =	simm.s32 $0x0;
	[tilespmem:s4+$0xFFFFFEE0] =	vst v0  }
.LBB2_2:
0x7a: {  	s8 =	sadd.s32 $0x8, s8;
	[tilespmem:s4+$0xFFFFFE58] =	vst v0;
	s4 =	sadd.s32 $0x440, s4  }
0x7b: {  	[tilespmem:s4+$0xFFFFFDE0] =	vst v0;
	p0 =	slt.u32 s8, $0x20  }
0x7c: {  	[tilespmem:s4+$0x1F8] =	vst v0  }
0x7d: {  	[tilespmem:s4+$0x1E8] =	vst v0  }
0x7e: {  	[tilespmem:s4+$0x1D8] =	vst v0  }
0x7f: {  	[tilespmem:s4+$0x1C8] =	vst v0  }
0x80: {  	[tilespmem:s4+$0x1B8] =	vst v0  }
0x81: {  	[tilespmem:s4+$0x1A8] =	vst v0  }
0x82: {  	[tilespmem:s4+$0x198] =	vst v0  }
0x83: {  	[tilespmem:s4+$0x170] =	vst v0  }
0x84: {  	[tilespmem:s4+$0x160] =	vst v0  }
0x85: {  	[tilespmem:s4+$0x150] =	vst v0  }
0x86: {  	[tilespmem:s4+$0x140] =	vst v0  }
0x87: {  	[tilespmem:s4+$0x130] =	vst v0  }
0x88: {  	[tilespmem:s4+$0x120] =	vst v0  }
0x89: {  	[tilespmem:s4+$0x110] =	vst v0  }
0x8a: {  	[tilespmem:s4+$0xE8] =	vst v0  }
0x8b: {  	[tilespmem:s4+$0xD8] =	vst v0  }
0x8c: {  	[tilespmem:s4+$0xC8] =	vst v0  }
0x8d: {  	[tilespmem:s4+$0xB8] =	vst v0  }
0x8e: {  	[tilespmem:s4+$0xA8] =	vst v0  }
0x8f: {  	[tilespmem:s4+$0x98] =	vst v0  }
0x90: {  	[tilespmem:s4+$0x88] =	vst v0  }
0x91: {  	[tilespmem:s4+$0x60] =	vst v0  }
0x92: {  	[tilespmem:s4+$0x50] =	vst v0  }
0x93: {  	[tilespmem:s4+$0x40] =	vst v0  }
0x94: {  	[tilespmem:s4+$0x30] =	vst v0  }
0x95: {  	[tilespmem:s4+$0x20] =	vst v0  }
0x96: {  	[tilespmem:s4+$0x10] =	vst v0  }
0x97: {  	[tilespmem:s4+$0x0] =	vst v0  }
0x98: {  	[tilespmem:s4+$0xFFFFFFF0] =	vst v0  }
0x99: {  	[tilespmem:s4+$0xFFFFFFE8] =	vst v0  }
0x9a: {  	[tilespmem:s4+$0xFFFFFFD8] =	vst v0  }
0x9b: {  	[tilespmem:s4+$0xFFFFFFC8] =	vst v0  }
0x9c: {  	[tilespmem:s4+$0xFFFFFFB8] =	vst v0  }
0x9d: {  	[tilespmem:s4+$0xFFFFFFA8] =	vst v0  }
0x9e: {  	[tilespmem:s4+$0xFFFFFF98] =	vst v0  }
0x9f: {  	[tilespmem:s4+$0xFFFFFF88] =	vst v0  }
0xa0: {  	[tilespmem:s4+$0xFFFFFF78] =	vst v0  }
0xa1: {  	[tilespmem:s4+$0xFFFFFF50] =	vst v0  }
0xa2: {  	[tilespmem:s4+$0xFFFFFF40] =	vst v0  }
0xa3: {  	[tilespmem:s4+$0xFFFFFF30] =	vst v0  }
0xa4: {  	[tilespmem:s4+$0xFFFFFF20] =	vst v0  }
0xa5: {  	[tilespmem:s4+$0xFFFFFF10] =	vst v0  }
0xa6: {  	[tilespmem:s4+$0xFFFFFF00] =	vst v0  }
0xa7: {  	[tilespmem:s4+$0xFFFFFEF0] =	vst v0  }
0xa8: {  	[tilespmem:s4+$0xFFFFFEC8] =	vst v0  }
0xa9: {  	[tilespmem:s4+$0xFFFFFEB8] =	vst v0  }
0xaa: {  	[tilespmem:s4+$0xFFFFFEA8] =	vst v0  }
0xab: {  	[tilespmem:s4+$0xFFFFFE98] =	vst v0  }
0xac: {  	[tilespmem:s4+$0xFFFFFE88] =	vst v0  }
0xad: {  	[tilespmem:s4+$0xFFFFFE78] =	vst v0  }
0xae: {  	[tilespmem:s4+$0xFFFFFE68] =	vst v0  }
0xaf: {  	[tilespmem:s4+$0xFFFFFE40] =	vst v0  }
0xb0: {  	[tilespmem:s4+$0xFFFFFE30] =	vst v0  }
0xb1: {  	[tilespmem:s4+$0xFFFFFE20] =	vst v0  }
0xb2: {  	[tilespmem:s4+$0xFFFFFE10] =	vst v0  }
0xb3: {  	[tilespmem:s4+$0xFFFFFE00] =	vst v0  }
0xb4: {  	[tilespmem:s4+$0xFFFFFDF0] =	vst v0  }
0xb5: {  	[tilespmem:s4+$0x180] =	vst v0  }
0xb6: {  	[tilespmem:s4+$0x208] =	vst v0  }
0xb7: {  	[tilespmem:s4+$0x210] =	vst v0  }
0xb8: {  	[tilespmem:s4+$0x70] =	vst v0  }
0xb9: {  	[tilespmem:s4+$0x78] =	vst v0  }
0xba: {  	[tilespmem:s4+$0x188] =	vst v0  }
0xbb: {  	[tilespmem:s4+$0xFFFFFE50] =	vst v0  }
0xbc: {  	[tilespmem:s4+$0xFFFFFED8] =	vst v0  }
.Ltmp2:
0xbd: {  	[tilespmem:s4+$0xF8] =	vst v0;
	(pc) =	sbr.rel @p0 .LBB2_2-.Ltmp2, $4  }
0xbe: {  	[tilespmem:s4+$0x100] =	vst v0  }
0xbf: {  	[tilespmem:s4+$0xFFFFFF60] =	vst v0  }
0xc0: {  	[tilespmem:s4+$0xFFFFFF68] =	vst v0  }
0xc1: {  	[tilespmem:s4+$0xFFFFFEE0] =	vst v0  }
0xc2: {  	[tilespmem:s4+$0xFFFFFE58] =	vst v0  }
0xc3: {  	[spmem:s14] =	stream.linear.scatter [tilespmem:s31], [sflag:$0x7], $0x1540, $0x38;
	[tilespmem:$0x1F330] =	vst v63  }
0xc4: {  	_ =	swait.ge [sflag:s0], $0x1540  }
0xc5: {  	[sflag:s0] =	ssyncset.done $0x0  }
0xc6: {  	s29 =	rddreg [dreg:$0x6];
	[sflag:s0] =	ssyncadd.s32 $0xFFFFEAC0  }
0xc7: {  	[spmem:s29] =	stream.linear.scatter [tilespmem:s31], [sflag:$0x7], $0x1540, $0x38;
	[tilespmem:$0x1F330] =	vst v63  }
0xc8: {  	_ =	swait.ge [sflag:s0], $0x1540  }
0xc9: {  	[sflag:s0] =	ssyncset.done $0x0  }
0xca: {  	s30 =	rddreg [dreg:$0x7];
	[sflag:s0] =	ssyncadd.s32 $0xFFFFEAC0  }
0xcb: {  	[spmem:s30] =	stream.linear.scatter [tilespmem:s31], [sflag:$0x7], $0x1540, $0x38;
	[tilespmem:$0x1F330] =	vst v63  }
0xcc: {  	_ =	swait.ge [sflag:s0], $0x1540  }
0xcd: {  	[sflag:s0] =	ssyncset.done $0x0  }
0xce: {  	s8 =	rddreg [dreg:$0x8];
	[sflag:s0] =	ssyncadd.s32 $0xFFFFEAC0  }
0xcf: {  	[spmem:s8] =	stream.linear.scatter [tilespmem:s31], [sflag:$0x7], $0x1540, $0x38;
	[tilespmem:$0x1F330] =	vst v63  }
0xd0: {  	_ =	swait.ge [sflag:s0], $0x1540  }
0xd1: {  	[sflag:s0] =	ssyncset.done $0x0  }
0xd2: {  	s9 =	rddreg [dreg:$0x9];
	[sflag:s0] =	ssyncadd.s32 $0xFFFFEAC0  }
0xd3: {  	[spmem:s9] =	stream.linear.scatter [tilespmem:s31], [sflag:$0x7], $0x1540, $0x38;
	[tilespmem:$0x1F330] =	vst v63  }
0xd4: {  	_ =	swait.ge [sflag:s0], $0x1540  }
0xd5: {  	[sflag:s0] =	ssyncset.done $0x0  }
0xd6: {  	s10 =	rddreg [dreg:$0xa];
	[sflag:s0] =	ssyncadd.s32 $0xFFFFEAC0  }
0xd7: {  	[spmem:s10] =	stream.linear.scatter [tilespmem:s31], [sflag:$0x7], $0x1540, $0x38;
	[tilespmem:$0x1F330] =	vst v63  }
0xd8: {  	_ =	swait.ge [sflag:s0], $0x1540  }
0xd9: {  	[sflag:s0] =	ssyncset.done $0x0  }
0xda: {  	s13 =	rddreg [dreg:$0xb];
	[sflag:s0] =	ssyncadd.s32 $0xFFFFEAC0  }
0xdb: {  	[spmem:s13] =	stream.linear.scatter [tilespmem:s31], [sflag:$0x7], $0x1540, $0x38;
	[tilespmem:$0x1F330] =	vst v63  }
0xdc: {  	_ =	swait.ge [sflag:s0], $0x1540  }
0xdd: {  	[sflag:s0] =	ssyncset.done $0x0  }
0xde: {  	s14 =	rddreg [dreg:$0xc];
	[sflag:s0] =	ssyncadd.s32 $0xFFFFEAC0  }
0xdf: {  	[spmem:s14] =	stream.linear.scatter [tilespmem:s31], [sflag:$0x7], $0x1540, $0x38;
	[tilespmem:$0x1F330] =	vst v63  }
0xe0: {  	_ =	swait.ge [sflag:s0], $0x1540  }
0xe1: {  	[sflag:s0] =	ssyncset.done $0x0  }
0xe2: {  	s15 =	rddreg [dreg:$0xd];
	[sflag:s0] =	ssyncadd.s32 $0xFFFFEAC0  }
0xe3: {  	[spmem:s15] =	stream.linear.scatter [tilespmem:s31], [sflag:$0x7], $0x1540, $0x38;
	[tilespmem:$0x1F330] =	vst v63  }
0xe4: {  	_ =	swait.ge [sflag:s0], $0x1540  }
0xe5: {  	[sflag:s0] =	ssyncset.done $0x0  }
0xe6: {  	s22 =	rddreg [dreg:$0xe];
	[sflag:s0] =	ssyncadd.s32 $0xFFFFEAC0  }
0xe7: {  	[spmem:s22] =	stream.linear.scatter [tilespmem:s31], [sflag:$0x7], $0x1540, $0x38;
	[tilespmem:$0x1F330] =	vst v63  }
0xe8: {  	_ =	swait.ge [sflag:s0], $0x1540  }
0xe9: {  	[sflag:s0] =	ssyncset.done $0x0  }
0xea: {  	s24 =	rddreg [dreg:$0xf];
	[sflag:s0] =	ssyncadd.s32 $0xFFFFEAC0  }
0xeb: {  	[spmem:s24] =	stream.linear.scatter [tilespmem:s31], [sflag:$0x7], $0x1540, $0x38;
	[tilespmem:$0x1F330] =	vst v63  }
0xec: {  	_ =	swait.ge [sflag:s0], $0x1540  }
0xed: {  	[sflag:s0] =	ssyncset.done $0x0  }
0xee: {  	s25 =	rddreg [dreg:$0x10];
	[sflag:s0] =	ssyncadd.s32 $0xFFFFEAC0  }
0xef: {  	[spmem:s25] =	stream.linear.scatter [tilespmem:s31], [sflag:$0x7], $0x1540, $0x38;
	[tilespmem:$0x1F330] =	vst v63  }
0xf0: {  	_ =	swait.ge [sflag:s0], $0x1540  }
0xf1: {  	[sflag:s0] =	ssyncset.done $0x0  }
0xf2: {  	s29 =	rddreg [dreg:$0x11];
	[sflag:s0] =	ssyncadd.s32 $0xFFFFEAC0  }
0xf3: {  	[spmem:s29] =	stream.linear.scatter [tilespmem:s31], [sflag:$0x7], $0x1540, $0x38;
	[tilespmem:$0x1F330] =	vst v63  }
0xf4: {  	_ =	swait.ge [sflag:s0], $0x1540  }
0xf5: {  	[sflag:s0] =	ssyncset.done $0x0  }
0xf6: {  	s30 =	rddreg [dreg:$0x12];
	[sflag:s0] =	ssyncadd.s32 $0xFFFFEAC0  }
0xf7: {  	[spmem:s30] =	stream.linear.scatter [tilespmem:s31], [sflag:$0x7], $0x1540, $0x38;
	[tilespmem:$0x1F330] =	vst v63  }
0xf8: {  	_ =	swait.ge [sflag:s0], $0x1540  }
0xf9: {  	[sflag:s0] =	ssyncset.done $0x0  }
0xfa: {  	s8 =	rddreg [dreg:$0x13];
	[sflag:s0] =	ssyncadd.s32 $0xFFFFEAC0  }
0xfb: {  	[spmem:s8] =	stream.linear.scatter [tilespmem:s31], [sflag:$0x7], $0x1540, $0x38;
	[tilespmem:$0x1F330] =	vst v63  }
0xfc: {  	_ =	swait.ge [sflag:s0], $0x1540  }
0xfd: {  	[sflag:s0] =	ssyncset.done $0x0  }
0xfe: {  	s9 =	rddreg [dreg:$0x14];
	[sflag:s0] =	ssyncadd.s32 $0xFFFFEAC0  }
0xff: {  	[spmem:s9] =	stream.linear.scatter [tilespmem:s31], [sflag:$0x7], $0x1100, $0x38;
	[tilespmem:$0x1F330] =	vst v63  }
0x100: {  	_ =	swait.ge [sflag:s0], $0x1100  }
0x101: {  	[sflag:s0] =	ssyncset.done $0x0  }
0x102: {  	[sflag:s0] =	ssyncadd.s32 $0xFFFFEF00  }
0x103: {  	s13 =	simm.s32 $0x1;
	[bflag:$0x0] =	sbarrier.arrive $0xFFFF  }
0x104: {  	s8 =	simm.s32 $0x4E200;
	s9 =	simm.s32 $0x14FC0;
	s10 =	rddreg [dreg:$0x15]  }
0x105: {  	[tilespmem:s9], [sflag:$0x1] =	stream.strided.gather [hbm4b:s10+s2], $0x50, s8, s2, $0x38;
	[tilespmem:$0x1F330] =	vst v63  }
0x106: {  	_ =	swait.ge [sflag:s13], $0x50  }
0x107: {  	[sflag:s13] =	ssyncset.done $0x0  }
0x108: {  	s14 =	simm.s32 $0x15060;
	[sflag:s13] =	ssyncadd.s32 $0xFFFFFFB0  }
0x109: {  	[tilespmem:s14], [sflag:$0x3] =	stream.indirect.gather [hbm4b:s1+s2], $0x80, s9, s2, $0xb8;
	[tilespmem:$0x1F330] =	vst v63  }
0x10a: {  	s15 =	simm.s32 $0x14FE8;
	s10 =	simm.s32 $0x17860  }
0x10b: {  	[tilespmem:s10], [sflag:$0x3] =	stream.indirect.gather [hbm4b:s5+s2], $0x80, s15, s2, $0xb8;
	[tilespmem:$0x1F330] =	vst v63  }
0x10c: {  	s22 =	simm.s32 $0x1A060  }
0x10d: {  	[tilespmem:s22], [sflag:$0x3] =	stream.indirect.gather [hbm4b:s6+s2], $0x80, s9, s2, $0xb8;
	[tilespmem:$0x1F330] =	vst v63  }
0x10e: {  	s24 =	rddreg [dreg:$0x16]  }
0x10f: {  	[tilespmem:s11], [sflag:$0x2] =	stream.strided.gather [hbm4b:s24+s2], $0x50, s8, s2, $0x38;
	[tilespmem:$0x1F330] =	vst v63  }
0x110: {  	_ =	swait.ge [sflag:s12], $0x50  }
0x111: {  	[sflag:s12] =	ssyncset.done $0x0  }
0x112: {  	s25 =	simm.s32 $0x16460;
	[sflag:s12] =	ssyncadd.s32 $0xFFFFFFB0  }
0x113: {  	[tilespmem:s25], [sflag:$0x4] =	stream.indirect.gather [hbm4b:s1+s2], $0x80, s11, s2, $0xb8;
	[tilespmem:$0x1F330] =	vst v63  }
0x114: {  	s29 =	simm.s32 $0x15038;
	s30 =	simm.s32 $0x18C60  }
0x115: {  	[tilespmem:s30], [sflag:$0x4] =	stream.indirect.gather [hbm4b:s5+s2], $0x80, s29, s2, $0xb8;
	[tilespmem:$0x1F330] =	vst v63  }
0x116: {  	s24 =	simm.s32 $0x0  }
0x117: {  	[tilespmem:s16], [sflag:$0x4] =	stream.indirect.gather [hbm4b:s6+s2], $0x80, s11, s2, $0xb8;
	[tilespmem:$0x1F330] =	vst v63  }
.LBB2_4:
0x118: {  	p0 =	seq.s32 s24, $0x0  }
0x119: {  	s4 =	simm.s32 @!p0 $0x5  }
0x11a: {  	_ =	swait.ge @!p0 [sflag:s4], $0x1540  }
0x11b: {  	[sflag:s4] =	ssyncset.done @!p0 $0x0  }
0x11c: {  	[sflag:s4] =	ssyncadd.s32 @!p0 $0xFFFFEAC0  }
0x11d: {  	_ =	swait.ge [sflag:s17], $0x1400  }
0x11e: {  	[sflag:s17] =	ssyncset.done $0x0  }
0x11f: {  	[sflag:s17] =	ssyncadd.s32 $0xFFFFEC00  }
0x120: {  	_ =	swait.ge [sflag:s17], $0x1400  }
0x121: {  	[sflag:s17] =	ssyncset.done $0x0  }
0x122: {  	[sflag:s17] =	ssyncadd.s32 $0xFFFFEC00  }
0x123: {  	_ =	swait.ge [sflag:s17], $0x1400  }
0x124: {  	[sflag:s17] =	ssyncset.done $0x0  }
0x125: {  	[sflag:s17] =	ssyncadd.s32 $0xFFFFEC00  }
0x126: {  	v2 =	vld [tilespmem:$0x14FE8]  }
0x127: {  	v3 =	vld [tilespmem:$0x14FF8]  }
0x128: {  	p0 =	seq.s32 s24, $0x7C;
	v4 =	vld [tilespmem:$0x15000]  }
0x129: {  	s25 =	smul.u32 @!p0 $0x50, s24;
	_ =	sdelay $0x1  }
0x12a: {  	s4 =	sadd.s32 @!p0 s25, s26;
	[tilespmem:$0x1F2E0] =	vst v2  }
0x12b: {  	s29 =	simm.s32 $0x0;
	s8 =	simm.s32 @!p0 $0x28;
	s4 =	sshrl.u32 @!p0 s4, $0x3;
	[tilespmem:$0x1F2F0] =	vst v3  }
0x12c: {  	s9 =	simm.s32 @!p0 $0x4E200;
	s10 =	simm.s32 @!p0 $0x14FC0;
	s4 =	sadd.s32 @!p0 s7, s4;
	[tilespmem:$0x1F2F8] =	vst v4  }
0x12d: {  	[tilespmem:s10], [sflag:$0x1] =	stream.strided.gather @!p0 [hbm4b:s4+s8], $0x50, s9, s8, $0x38;
	[tilespmem:$0x1F330] =	vst v63  }
.LBB2_5:
0x12e: {  	s30 =	sshll.u32 s29, $0x7  }
0x12f: {  	v2 =	vld [tilespmem:s30+$0x15060]  }
0x130: {  	v3 =	vld [tilespmem:s30+$0x17860]  }
0x131: {  	v4 =	vld [tilespmem:s30+$0x15070]  }
0x132: {  	v5 =	vld [tilespmem:s30+$0x17870]  }
0x133: {  	v6 =	vld [tilespmem:s30+$0x15080]  }
0x134: {  	v7 =	vld [tilespmem:s30+$0x17880]  }
0x135: {  	v8 =	vld [tilespmem:s30+$0x15090]  }
0x136: {  	v9 =	vld [tilespmem:s30+$0x17890]  }
0x137: {  	v10 =	vld [tilespmem:s30+$0x150A0]  }
0x138: {  	v11 =	vld [tilespmem:s30+$0x178A0]  }
0x139: {  	v12 =	vld [tilespmem:s30+$0x150B0]  }
0x13a: {  	v13 =	vld [tilespmem:s30+$0x178B0]  }
0x13b: {  	v14 =	vld [tilespmem:s30+$0x150C0]  }
0x13c: {  	v15 =	vld [tilespmem:s30+$0x178C0]  }
0x13d: {  	s4 =	sor.u32 $0x1, s29;
	v16 =	vld [tilespmem:s30+$0x150D0]  }
0x13e: {  	v17 =	vld [tilespmem:s30+$0x178D0];
	s9 =	sshll.u32 s4, $0x7  }
0x13f: {  	v18 =	vld [tilespmem:s9+$0x15060]  }
0x140: {  	v62 =	vld [tilespmem:s9+$0x17860]  }
0x141: {  	v20 =	vld [tilespmem:s9+$0x15070];
	v2 =	vmul.f32 v3, v2;
	v3 =	vmul.f32 v5, v4  }
0x142: {  	v23 =	vld [tilespmem:s9+$0x17870];
	v63 =	vmul.f32 v7, v6;
	v19 =	vmul.f32 v9, v8  }
0x143: {  	v26 =	vld [tilespmem:s9+$0x15080];
	v21 =	vmul.f32 v11, v10;
	v22 =	vmul.f32 v13, v12  }
0x144: {  	v27 =	vld [tilespmem:s9+$0x17880];
	v24 =	vmul.f32 v15, v14;
	v25 =	vmul.f32 v17, v16  }
0x145: {  	v30 =	vld [tilespmem:s9+$0x15090];
	v2 =	vadd.f32 v3, v2;
	v3 =	vadd.f32 v19, v63  }
0x146: {  	v31 =	vld [tilespmem:s9+$0x17890];
	v28 =	vadd.f32 v22, v21;
	v29 =	vadd.f32 v25, v24  }
0x147: {  	v32 =	vld [tilespmem:s9+$0x150A0]  }
0x148: {  	v33 =	vld [tilespmem:s9+$0x178A0];
	v2 =	vadd.f32 v3, v2;
	v3 =	vadd.f32 v29, v28  }
0x149: {  	v34 =	vld [tilespmem:s9+$0x178B0]  }
0x14a: {  	v36 =	vld [tilespmem:s9+$0x150C0];
	v2 =	vadd.f32 v3, v2  }
0x14b: {  	v37 =	vld [tilespmem:s9+$0x178C0]  }
0x14c: {  	v38 =	vld [tilespmem:s9+$0x150D0];
	v35 =	vperm.xlane v2, v1  }
0x14d: {  	v39 =	vld [tilespmem:s9+$0x178D0]  }
0x14e: {  	v3 =	vld [tilespmem:s9+$0x150B0];
	v2 =	vadd.f32 v2, v35  }
0x14f: {  	v4 =	vmul.f32 v62, v18  }
0x150: {  	v7 =	vmul.f32 v23, v20;
	v2 =	vmul.f32 $2.500000000e-01, v2  }
0x151: {  	v5 =	vmul.f32 v27, v26;
	v9 =	vmul.f32 v31, v30  }
0x152: {  	v6 =	vmul.f32 v33, v32;
	v40 =	vmul.f32 v37, v36;
	v2 =	vmax.f32 v2, $-5.000000000e+00  }
0x153: {  	v41 =	vmul.f32 v39, v38;
	v3 =	vmul.f32 v34, v3;
	v2 =	vmin.f32 v2, $5.000000000e+00  }
0x154: {  	v4 =	vadd.f32 v7, v4;
	v5 =	vadd.f32 v9, v5;
	v2 =	vmul.f32 $1.442695020e+00, v2  }
0x155: {  	v42 =	vadd.f32 v41, v40;
	v3 =	vadd.f32 v3, v6  }
0x156: {  	(erf) = vpow2.f32 v2  }
0x157: {  	v3 =	vadd.f32 v42, v3;
	v2 =	vadd.f32 v5, v4;
	_ =	sdelay $0x1  }
0x158: {  	v2 =	vadd.f32 v3, v2;
	_ =	sdelay $0x1  }
0x159: {  	v3 =	vperm.xlane v2, v1;
	_ =	sdelay $0x1  }
0x15a: {  	v2 =	vadd.f32 v2, v3;
	_ =	sdelay $0x1  }
0x15b: {  	v2 =	vmul.f32 $2.500000000e-01, v2;
	v3 =	vpop (erf)  }
0x15c: {  	v3 =	vadd.f32 $-7.420658110e+01, v3  }
0x15d: {  	v2 =	vmax.f32 v2, $-5.000000000e+00  }
0x15e: {  	v2 =	vmin.f32 v2, $5.000000000e+00;
	v3 =	vmul.f32 $1.442695020e+00, v3  }
0x15f: {  	v2 =	vmul.f32 $1.442695020e+00, v2  }
0x160: {  	v43 =	vld [tilespmem:s30+$0x15160];
	(erf) = vpow2.f32 v3  }
0x161: {  	v44 =	vld [tilespmem:s30+$0x17960];
	(erf) = vpow2.f32 v2  }
0x162: {  	v45 =	vld [tilespmem:s30+$0x15170]  }
0x163: {  	v46 =	vld [tilespmem:s30+$0x17970]  }
0x164: {  	v47 =	vld [tilespmem:s30+$0x15180]  }
0x165: {  	v48 =	vld [tilespmem:s30+$0x17980]  }
0x166: {  	v49 =	vld [tilespmem:s30+$0x15190]  }
0x167: {  	v50 =	vld [tilespmem:s30+$0x17990]  }
0x168: {  	v51 =	vld [tilespmem:s30+$0x151A0]  }
0x169: {  	v52 =	vld [tilespmem:s30+$0x179A0];
	v5 =	vpop (erf)  }
0x16a: {  	v53 =	vld [tilespmem:s30+$0x151B0];
	v2 =	vpop (erf)  }
0x16b: {  	v54 =	vld [tilespmem:s30+$0x179B0];
	v2 =	vadd.f32 $-7.420658110e+01, v2  }
0x16c: {  	v55 =	vld [tilespmem:s30+$0x151C0]  }
0x16d: {  	v56 =	vmul.f32 v46, v45;
	v45 =	vld [tilespmem:s30+$0x15280];
	v2 =	vmul.f32 $1.442695020e+00, v2  }
0x16e: {  	v46 =	vld [tilespmem:s30+$0x17A80]  }
0x16f: {  	v58 =	vmul.f32 v50, v49;
	v49 =	vld [tilespmem:s30+$0x15290];
	(erf) = vpow2.f32 v2  }
0x170: {  	v50 =	vld [tilespmem:s30+$0x17A90]  }
0x171: {  	v59 =	vmul.f32 v54, v53;
	v53 =	vld [tilespmem:s30+$0x17AA0]  }
0x172: {  	v54 =	vld [tilespmem:s30+$0x152B0]  }
0x173: {  	v23 =	vld [tilespmem:s30+$0x179D0]  }
0x174: {  	v62 =	vld [tilespmem:s30+$0x151E0]  }
0x175: {  	s10 =	smul.u32 $0x220, s29;
	v26 =	vld [tilespmem:s30+$0x17A00]  }
0x176: {  	s4 =	smul.u32 $0x220, s4;
	v30 =	vld [tilespmem:s30+$0x15220]  }
0x177: {  	s22 =	sshra.s32 s10, $0x2;
	v31 =	vld [tilespmem:s30+$0x17A20]  }
0x178: {  	s8 =	sshra.s32 s4, $0x2;
	v32 =	vld [tilespmem:s30+$0x15230];
	[tilespmem:s22+$0x1C8D8] =	vst v5;
	v6 =	vpop (erf)  }
0x179: {  	v2 =	vld [tilespmem:s30+$0x1A060];
	[tilespmem:s8+$0x1C8D8] =	vst v6  }
0x17a: {  	v3 =	vld [tilespmem:s9+$0x1A060]  }
0x17b: {  	v22 =	vld [tilespmem:s30+$0x151D0]  }
0x17c: {  	v19 =	vld [tilespmem:s30+$0x179C0];
	v20 =	vbroadcast v5, $0x0  }
0x17d: {  	v33 =	vld [tilespmem:s30+$0x17A30];
	v21 =	vbroadcast v6, $0x0  }
0x17e: {  	v36 =	vld [tilespmem:s30+$0x15250];
	v2 =	vmul.f32 v20, v2  }
0x17f: {  	v57 =	vmul.f32 v48, v47;
	v37 =	vld [tilespmem:s30+$0x17A50];
	v3 =	vmul.f32 v21, v3  }
0x180: {  	v38 =	vld [tilespmem:s30+$0x17A60];
	v60 =	vmul.f32 v23, v22;
	v4 =	vmul.f32 v44, v43;
	[tilespmem:s22+$0x1C860] =	vst v2  }
0x181: {  	v63 =	vld [tilespmem:s30+$0x179E0];
	v2 =	vmul.f32 v52, v51;
	[tilespmem:s8+$0x1C860] =	vst v3;
	v3 =	vmul.f32 v19, v55  }
0x182: {  	v61 =	vadd.f32 v58, v57;
	v24 =	vld [tilespmem:s30+$0x179F0];
	v4 =	vadd.f32 v56, v4  }
0x183: {  	v25 =	vld [tilespmem:s30+$0x15200];
	v2 =	vadd.f32 v59, v2;
	v3 =	vadd.f32 v60, v3  }
0x184: {  	v57 =	vld [tilespmem:s30+$0x152C0]  }
0x185: {  	v40 =	vld [tilespmem:s30+$0x15270];
	v4 =	vadd.f32 v61, v4;
	v2 =	vadd.f32 v3, v2  }
0x186: {  	v28 =	vld [tilespmem:s30+$0x15210]  }
0x187: {  	v29 =	vld [tilespmem:s30+$0x17A10];
	v2 =	vadd.f32 v2, v4  }
0x188: {  	v12 =	vmul.f32 v31, v30;
	v31 =	vld [tilespmem:s30+$0x152F0]  }
0x189: {  	v35 =	vld [tilespmem:s30+$0x17A40];
	v27 =	vperm.xlane v2, v1  }
0x18a: {  	v34 =	vld [tilespmem:s30+$0x15240]  }
0x18b: {  	v3 =	vld [tilespmem:s30+$0x151F0];
	v2 =	vadd.f32 v2, v27  }
0x18c: {  	v41 =	vmul.f32 v33, v32;
	v32 =	vld [tilespmem:s30+$0x17AF0]  }
0x18d: {  	v30 =	vld [tilespmem:s30+$0x152E0];
	v2 =	vmul.f32 $2.500000000e-01, v2  }
0x18e: {  	v33 =	vld [tilespmem:s30+$0x15300];
	v8 =	vmul.f32 v63, v62;
	v47 =	vadd.f32 v41, v12;
	v39 =	vmul.f32 v29, v28  }
0x18f: {  	v62 =	vld [tilespmem:s30+$0x17AD0];
	v43 =	vmul.f32 v35, v34;
	v44 =	vmul.f32 v37, v36;
	v2 =	vmax.f32 v2, $-5.000000000e+00  }
0x190: {  	v41 =	vld [tilespmem:s30+$0x15330];
	v4 =	vmul.f32 v26, v25;
	v3 =	vmul.f32 v24, v3;
	v2 =	vmin.f32 v2, $5.000000000e+00  }
0x191: {  	v7 =	vmul.f32 v32, v31;
	v31 =	vld [tilespmem:s30+$0x153C0];
	v48 =	vadd.f32 v44, v43;
	v2 =	vmul.f32 $1.442695020e+00, v2  }
0x192: {  	v42 =	vld [tilespmem:s30+$0x17A70];
	v4 =	vadd.f32 v39, v4;
	v3 =	vadd.f32 v3, v8  }
0x193: {  	v34 =	vld [tilespmem:s30+$0x17B00];
	(erf) = vpow2.f32 v2  }
0x194: {  	v36 =	vld [tilespmem:s30+$0x15310];
	v51 =	vadd.f32 v48, v47;
	v3 =	vadd.f32 v4, v3  }
0x195: {  	v52 =	vld [tilespmem:s30+$0x152A0]  }
0x196: {  	v11 =	vld [tilespmem:s30+$0x1A070];
	v3 =	vadd.f32 v51, v3  }
0x197: {  	v61 =	vld [tilespmem:s30+$0x152D0]  }
0x198: {  	v55 =	vld [tilespmem:s30+$0x17AB0];
	v56 =	vperm.xlane v3, v1  }
0x199: {  	v58 =	vbroadcast v5, $0x1;
	v24 =	vld [tilespmem:s30+$0x17AC0]  }
0x19a: {  	v32 =	vbroadcast v5, $0x2;
	v2 =	vld [tilespmem:s30+$0x15260];
	v3 =	vadd.f32 v3, v56  }
0x19b: {  	v37 =	vld [tilespmem:s30+$0x17B10];
	v9 =	vmul.f32 v53, v52;
	v11 =	vmul.f32 v58, v11  }
0x19c: {  	v43 =	vld [tilespmem:s30+$0x15340];
	v25 =	vmul.f32 v50, v49;
	v3 =	vmul.f32 $2.500000000e-01, v3;
	v60 =	vpop (erf)  }
0x19d: {  	v44 =	vld [tilespmem:s30+$0x17B40];
	[tilespmem:s22+$0x1C870] =	vst v11;
	v27 =	vmul.f32 v62, v61;
	v8 =	vmul.f32 v46, v45;
	v23 =	vadd.f32 $-7.420658110e+01, v60  }
0x19e: {  	v11 =	vld [tilespmem:s30+$0x1A080];
	v4 =	vmul.f32 v55, v54;
	v26 =	vmul.f32 v24, v57;
	v3 =	vmax.f32 v3, $-5.000000000e+00  }
0x19f: {  	v47 =	vld [tilespmem:s30+$0x15360];
	v2 =	vmul.f32 v38, v2;
	v3 =	vmin.f32 v3, $5.000000000e+00;
	v63 =	vmul.f32 $1.442695020e+00, v23  }
0x1a0: {  	v13 =	vld [tilespmem:s9+$0x1A070];
	v3 =	vmul.f32 $1.442695020e+00, v3;
	v23 =	vmul.f32 v42, v40  }
0x1a1: {  	v48 =	vld [tilespmem:s30+$0x17B60];
	v28 =	vadd.f32 v25, v8;
	v4 =	vadd.f32 v4, v9;
	(erf) = vpow2.f32 v63  }
0x1a2: {  	v53 =	vld [tilespmem:s30+$0x17B70];
	v29 =	vadd.f32 v27, v26;
	v2 =	vadd.f32 v23, v2;
	(erf) = vpow2.f32 v3  }
0x1a3: {  	v59 =	vbroadcast v6, $0x1;
	v11 =	vmul.f32 v32, v11;
	v32 =	vld [tilespmem:s30+$0x17C70]  }
0x1a4: {  	v50 =	vld [tilespmem:s30+$0x15370];
	v4 =	vadd.f32 v29, v4;
	v2 =	vadd.f32 v28, v2  }
0x1a5: {  	v13 =	vmul.f32 v59, v13;
	v59 =	vld [tilespmem:s30+$0x15390]  }
0x1a6: {  	v39 =	vld [tilespmem:s30+$0x17B20];
	v2 =	vadd.f32 v4, v2  }
0x1a7: {  	v45 =	vld [tilespmem:s30+$0x15350]  }
0x1a8: {  	v38 =	vld [tilespmem:s30+$0x15320];
	v35 =	vperm.xlane v2, v1  }
0x1a9: {  	v42 =	vld [tilespmem:s30+$0x17B30]  }
0x1aa: {  	v3 =	vld [tilespmem:s30+$0x17AE0];
	v12 =	vadd.f32 v2, v35;
	v2 =	vpop (erf)  }
0x1ab: {  	[tilespmem:s22+$0x1C880] =	vst v11;
	v49 =	vmul.f32 v37, v36;
	v46 =	vld [tilespmem:s30+$0x17B50];
	v40 =	vpop (erf)  }
0x1ac: {  	v11 =	vld [tilespmem:s30+$0x1A090];
	[tilespmem:s8+$0x1C870] =	vst v13;
	v10 =	vmul.f32 v53, v50;
	v54 =	vmul.f32 v44, v43;
	v18 =	vadd.f32 $-7.420658110e+01, v40  }
0x1ad: {  	v14 =	vld [tilespmem:s9+$0x1A080];
	v51 =	vmul.f32 v39, v38;
	v12 =	vmul.f32 $2.500000000e-01, v12  }
0x1ae: {  	v62 =	vld [tilespmem:s30+$0x153A0];
	v52 =	vmul.f32 v42, v41;
	v18 =	vmul.f32 $1.442695020e+00, v18  }
0x1af: {  	v50 =	vld [tilespmem:s30+$0x15410];
	v4 =	vmul.f32 v34, v33;
	v3 =	vmul.f32 v3, v30;
	v12 =	vmax.f32 v12, $-5.000000000e+00  }
0x1b0: {  	v53 =	vld [tilespmem:s30+$0x15420];
	v12 =	vmin.f32 v12, $5.000000000e+00;
	(erf) = vpow2.f32 v18;
	v18 =	vmul.f32 v46, v45  }
0x1b1: {  	v55 =	vld [tilespmem:s30+$0x15380];
	v57 =	vadd.f32 v52, v51;
	v4 =	vadd.f32 v49, v4;
	v12 =	vmul.f32 $1.442695020e+00, v12  }
0x1b2: {  	v44 =	vld [tilespmem:s30+$0x153F0];
	v3 =	vadd.f32 v7, v3;
	v58 =	vadd.f32 v18, v54  }
0x1b3: {  	v26 =	vld [tilespmem:s30+$0x17BC0];
	(erf) = vpow2.f32 v12  }
0x1b4: {  	v29 =	vld [tilespmem:s30+$0x17BB0];
	v3 =	vadd.f32 v4, v3;
	v61 =	vadd.f32 v58, v57  }
0x1b5: {  	v56 =	vld [tilespmem:s30+$0x17B80]  }
0x1b6: {  	v60 =	vld [tilespmem:s30+$0x17B90];
	v4 =	vadd.f32 v61, v3  }
0x1b7: {  	v63 =	vld [tilespmem:s30+$0x17BA0]  }
0x1b8: {  	v28 =	vld [tilespmem:s30+$0x153B0];
	v30 =	vperm.xlane v4, v1  }
0x1b9: {  	v34 =	vld [tilespmem:s30+$0x153D0]  }
0x1ba: {  	v35 =	vld [tilespmem:s30+$0x17BD0];
	v4 =	vadd.f32 v4, v30  }
0x1bb: {  	v8 =	vmul.f32 v48, v47;
	v48 =	vld [tilespmem:s30+$0x15400];
	v3 =	vpop (erf)  }
0x1bc: {  	v27 =	vld [tilespmem:s30+$0x15460];
	v39 =	vmul.f32 v26, v31;
	v25 =	vpop (erf);
	v4 =	vmul.f32 $2.500000000e-01, v4  }
0x1bd: {  	v37 =	vmul.f32 v60, v59;
	v59 =	vld [tilespmem:s30+$0x17C40];
	v9 =	vmul.f32 v63, v62;
	v25 =	vadd.f32 $-7.420658110e+01, v25  }
0x1be: {  	v60 =	vld [tilespmem:s30+$0x15450];
	v38 =	vmul.f32 v29, v28;
	v7 =	vmul.f32 v56, v55;
	v4 =	vmax.f32 v4, $-5.000000000e+00  }
0x1bf: {  	v41 =	vld [tilespmem:s30+$0x153E0];
	v40 =	vmul.f32 v35, v34;
	v36 =	vmul.f32 $1.442695020e+00, v25;
	v4 =	vmin.f32 v4, $5.000000000e+00  }
0x1c0: {  	v8 =	vadd.f32 v10, v8;
	v42 =	vld [tilespmem:s30+$0x17BE0];
	v9 =	vadd.f32 v38, v9;
	v4 =	vmul.f32 $1.442695020e+00, v4  }
0x1c1: {  	v51 =	vld [tilespmem:s30+$0x17C10];
	v7 =	vadd.f32 v37, v7;
	v43 =	vadd.f32 v40, v39;
	(erf) = vpow2.f32 v36  }
0x1c2: {  	v62 =	vld [tilespmem:s30+$0x17C60];
	(erf) = vpow2.f32 v4  }
0x1c3: {  	v49 =	vld [tilespmem:s30+$0x17C00];
	v46 =	vadd.f32 v7, v8;
	v47 =	vadd.f32 v43, v9  }
0x1c4: {  	v55 =	vld [tilespmem:s30+$0x15430]  }
0x1c5: {  	v56 =	vld [tilespmem:s30+$0x17C30];
	v4 =	vadd.f32 v47, v46  }
0x1c6: {  	v45 =	vld [tilespmem:s30+$0x17BF0]  }
0x1c7: {  	v33 =	vbroadcast v6, $0x2;
	v54 =	vld [tilespmem:s30+$0x17C20];
	v52 =	vperm.xlane v4, v1  }
0x1c8: {  	v58 =	vld [tilespmem:s30+$0x15440]  }
0x1c9: {  	v14 =	vmul.f32 v33, v14;
	v61 =	vld [tilespmem:s30+$0x17C50];
	v16 =	vadd.f32 v4, v52  }
0x1ca: {  	v63 =	vld [tilespmem:s30+$0x15470];
	v10 =	vmul.f32 v42, v41;
	v35 =	vmul.f32 v56, v55;
	v4 =	vpop (erf)  }
0x1cb: {  	v33 =	vld [tilespmem:s30+$0x15480];
	v8 =	vmul.f32 v49, v48;
	v16 =	vmul.f32 $2.500000000e-01, v16;
	v57 =	vpop (erf)  }
0x1cc: {  	v28 =	vld [tilespmem:s30+$0x17CD0];
	v7 =	vmul.f32 v51, v50;
	v13 =	vmul.f32 v45, v44;
	v22 =	vadd.f32 $-7.420658110e+01, v57  }
0x1cd: {  	[tilespmem:s8+$0x1C880] =	vst v14;
	v42 =	vld [tilespmem:s30+$0x154A0];
	v34 =	vmul.f32 v54, v53;
	v37 =	vmul.f32 v59, v58;
	v16 =	vmax.f32 v16, $-5.000000000e+00  }
0x1ce: {  	v14 =	vld [tilespmem:s9+$0x1A090];
	v38 =	vmul.f32 v61, v60;
	v16 =	vmin.f32 v16, $5.000000000e+00;
	v22 =	vmul.f32 $1.442695020e+00, v22  }
0x1cf: {  	v39 =	vld [tilespmem:s30+$0x15490];
	v7 =	vadd.f32 v7, v8;
	v10 =	vadd.f32 v13, v10;
	v16 =	vmul.f32 $1.442695020e+00, v16  }
0x1d0: {  	v40 =	vld [tilespmem:s30+$0x17C90];
	v12 =	vadd.f32 v35, v34;
	v41 =	vadd.f32 v38, v37;
	(erf) = vpow2.f32 v22  }
0x1d1: {  	v48 =	vld [tilespmem:s30+$0x17CC0];
	(erf) = vpow2.f32 v16  }
0x1d2: {  	v51 =	vld [tilespmem:s30+$0x154D0];
	v7 =	vadd.f32 v7, v10;
	v44 =	vadd.f32 v41, v12  }
0x1d3: {  	v43 =	vld [tilespmem:s30+$0x17CA0]  }
0x1d4: {  	v45 =	vld [tilespmem:s30+$0x154B0];
	v10 =	vadd.f32 v44, v7  }
0x1d5: {  	v36 =	vld [tilespmem:s30+$0x17C80]  }
0x1d6: {  	v46 =	vld [tilespmem:s30+$0x17CB0];
	v50 =	vperm.xlane v10, v1  }
0x1d7: {  	v47 =	vld [tilespmem:s30+$0x154C0]  }
0x1d8: {  	v15 =	vmul.f32 v32, v63;
	v63 =	vld [tilespmem:s30+$0x15520];
	v10 =	vadd.f32 v10, v50  }
0x1d9: {  	v55 =	vld [tilespmem:s30+$0x17CF0];
	v8 =	vmul.f32 v40, v39;
	v7 =	vpop (erf)  }
0x1da: {  	v56 =	vld [tilespmem:s30+$0x15500];
	v17 =	vmul.f32 v43, v42;
	v10 =	vmul.f32 $2.500000000e-01, v10;
	v49 =	vpop (erf)  }
0x1db: {  	v39 =	vld [tilespmem:s30+$0x17D40];
	v58 =	vmul.f32 v28, v51;
	v9 =	vmul.f32 v36, v33;
	v24 =	vadd.f32 $-7.420658110e+01, v49  }
0x1dc: {  	v40 =	vld [tilespmem:s30+$0x15550];
	v12 =	vmul.f32 v46, v45;
	v10 =	vmax.f32 v10, $-5.000000000e+00;
	v57 =	vmul.f32 v48, v47  }
0x1dd: {  	v53 =	vld [tilespmem:s30+$0x17CE0];
	v10 =	vmin.f32 v10, $5.000000000e+00;
	v22 =	vmul.f32 v62, v27;
	v24 =	vmul.f32 $1.442695020e+00, v24  }
0x1de: {  	v54 =	vld [tilespmem:s30+$0x154F0];
	v8 =	vadd.f32 v8, v9;
	v12 =	vadd.f32 v12, v17;
	v10 =	vmul.f32 $1.442695020e+00, v10  }
0x1df: {  	v42 =	vld [tilespmem:s30+$0x17D50];
	v61 =	vadd.f32 v58, v57;
	v15 =	vadd.f32 v15, v22;
	(erf) = vpow2.f32 v24  }
0x1e0: {  	v59 =	vld [tilespmem:s30+$0x17D00];
	(erf) = vpow2.f32 v10  }
0x1e1: {  	v34 =	vld [tilespmem:s30+$0x17D30];
	v12 =	vadd.f32 v61, v12;
	v8 =	vadd.f32 v8, v15  }
0x1e2: {  	v60 =	vld [tilespmem:s30+$0x15510]  }
0x1e3: {  	v36 =	vld [tilespmem:s30+$0x15540];
	v8 =	vadd.f32 v12, v8  }
0x1e4: {  	v52 =	vld [tilespmem:s30+$0x154E0]  }
0x1e5: {  	v35 =	vbroadcast v5, $0x3;
	v33 =	vld [tilespmem:s30+$0x15530];
	v38 =	vperm.xlane v8, v1  }
0x1e6: {  	v37 =	vbroadcast v6, $0x3;
	v62 =	vld [tilespmem:s30+$0x17D10]  }
0x1e7: {  	v32 =	vld [tilespmem:s30+$0x17D20];
	v11 =	vmul.f32 v35, v11;
	v13 =	vmul.f32 v59, v56;
	v41 =	vadd.f32 v8, v38  }
0x1e8: {  	v14 =	vmul.f32 v37, v14;
	v46 =	vmul.f32 v39, v36;
	v8 =	vpop (erf)  }
0x1e9: {  	v43 =	vmul.f32 v53, v52;
	v20 =	vmul.f32 $2.500000000e-01, v41;
	v44 =	vpop (erf)  }
0x1ea: {  	v48 =	vmul.f32 v42, v40;
	v16 =	vmul.f32 v55, v54;
	v45 =	vadd.f32 $-7.420658110e+01, v44  }
0x1eb: {  	v9 =	vmul.f32 v62, v60;
	v12 =	vmul.f32 v34, v33;
	v47 =	vmax.f32 v20, $-5.000000000e+00  }
0x1ec: {  	[tilespmem:s22+$0x1C890] =	vst v11;
	v18 =	vmin.f32 v47, $5.000000000e+00;
	v10 =	vmul.f32 v32, v63;
	v15 =	vmul.f32 $1.442695020e+00, v45  }
0x1ed: {  	v51 =	vld [tilespmem:s30+$0x1A0A0];
	v52 =	vadd.f32 v48, v46;
	v9 =	vadd.f32 v9, v13;
	v50 =	vmul.f32 $1.442695020e+00, v18  }
0x1ee: {  	v49 =	vadd.f32 v16, v43;
	v10 =	vadd.f32 v12, v10;
	(erf) = vpow2.f32 v15  }
0x1ef: {  	[tilespmem:s8+$0x1C890] =	vst v14;
	(erf) = vpow2.f32 v50  }
0x1f0: {  	v14 =	vld [tilespmem:s9+$0x1A0A0];
	v53 =	vbroadcast v5, $0x4;
	v9 =	vadd.f32 v9, v49;
	v10 =	vadd.f32 v52, v10;
	_ =	sdelay $0x1  }
0x1f1: {  	v55 =	vmul.f32 v53, v51;
	v9 =	vadd.f32 v10, v9  }
0x1f2: {  	v54 =	vbroadcast v6, $0x4  }
0x1f3: {  	[tilespmem:s22+$0x1C8A0] =	vst v55;
	v57 =	vperm.xlane v9, v1  }
0x1f4: {  	v56 =	vmul.f32 v54, v14;
	v10 =	vld [tilespmem:s30+$0x1A0B0]  }
0x1f5: {  	v58 =	vadd.f32 v9, v57  }
0x1f6: {  	[tilespmem:s8+$0x1C8A0] =	vst v56;
	v9 =	vpop (erf)  }
0x1f7: {  	v61 =	vbroadcast v5, $0x5;
	v59 =	vld [tilespmem:s9+$0x1A0B0];
	v11 =	vmul.f32 $2.500000000e-01, v58;
	v60 =	vpop (erf)  }
0x1f8: {  	v13 =	vadd.f32 $-7.420658110e+01, v60  }
0x1f9: {  	v10 =	vmul.f32 v61, v10;
	v11 =	vmax.f32 v11, $-5.000000000e+00  }
0x1fa: {  	v62 =	vbroadcast v6, $0x5;
	v11 =	vmin.f32 v11, $5.000000000e+00;
	v13 =	vmul.f32 $1.442695020e+00, v13  }
0x1fb: {  	[tilespmem:s22+$0x1C8B0] =	vst v10;
	v11 =	vmul.f32 $1.442695020e+00, v11  }
0x1fc: {  	v12 =	vmul.f32 v62, v59;
	v10 =	vld [tilespmem:s30+$0x1A0C0];
	(erf) = vpow2.f32 v13  }
0x1fd: {  	(erf) = vpow2.f32 v11  }
0x1fe: {  	[tilespmem:s8+$0x1C8B0] =	vst v12  }
0x1ff: {  	v16 =	vbroadcast v5, $0x6;
	v63 =	vld [tilespmem:s9+$0x1A0C0];
	_ =	sdelay $0x1  }
0x200: {  	v10 =	vmul.f32 v10, v16  }
0x201: {  	v17 =	vbroadcast v6, $0x6;
	_ =	sdelay $0x1  }
0x202: {  	[tilespmem:s22+$0x1C8C0] =	vst v10;
	v11 =	vmul.f32 v63, v17  }
0x203: {  	v18 =	vld [tilespmem:s30+$0x1A0D0];
	v10 =	vpop (erf)  }
0x204: {  	[tilespmem:s8+$0x1C8C0] =	vst v11;
	v19 =	vpop (erf)  }
0x205: {  	v11 =	vld [tilespmem:s9+$0x1A0D0];
	v13 =	vadd.f32 $-7.420658110e+01, v19  }
0x206: {  	v5 =	vbroadcast v5, $0x7  }
0x207: {  	v13 =	vmul.f32 $1.442695020e+00, v13  }
0x208: {  	v6 =	vbroadcast v6, $0x7;
	v5 =	vmul.f32 v18, v5  }
0x209: {  	s9 =	sadd.s32 $0x440, s10;
	(erf) = vpow2.f32 v13  }
0x20a: {  	[tilespmem:s22+$0x1C8D0] =	vst v5;
	s9 =	sshra.s32 s9, $0x2;
	v6 =	vmul.f32 v11, v6  }
0x20b: {  	s13 =	sadd.s32 $0x660, s10;
	[tilespmem:s9+$0x1C8D8] =	vst v2  }
0x20c: {  	s14 =	sadd.s32 $0x880, s10;
	[tilespmem:s8+$0x1C8D0] =	vst v6;
	s8 =	sshra.s32 s13, $0x2  }
0x20d: {  	s15 =	sadd.s32 $0xAA0, s10;
	s22 =	sshra.s32 s14, $0x2;
	v20 =	vld [tilespmem:s30+$0x1A160];
	[tilespmem:s8+$0x1C8D8] =	vst v3  }
0x20e: {  	s4 =	sshra.s32 s15, $0x2;
	[tilespmem:s22+$0x1C8D8] =	vst v4;
	s13 =	sadd.s32 $0xCC0, s10;
	v21 =	vld [tilespmem:s30+$0x1A1E0]  }
0x20f: {  	[tilespmem:s4+$0x1C8D8] =	vst v7;
	s14 =	sadd.s32 $0xEE0, s10;
	v22 =	vld [tilespmem:s30+$0x1A260];
	s13 =	sshra.s32 s13, $0x2  }
0x210: {  	s15 =	sadd.s32 $0x1100, s10;
	v23 =	vbroadcast v2, $0x0;
	v24 =	vld [tilespmem:s30+$0x1A2E0];
	s14 =	sshra.s32 s14, $0x2;
	[tilespmem:s13+$0x1C8D8] =	vst v8  }
0x211: {  	s15 =	sshra.s32 s15, $0x2;
	v25 =	vbroadcast v3, $0x0;
	[tilespmem:s14+$0x1C8D8] =	vst v9;
	s10 =	sadd.s32 $0x1320, s10;
	v26 =	vld [tilespmem:s30+$0x1A360]  }
0x212: {  	v27 =	vbroadcast v4, $0x0;
	v28 =	vld [tilespmem:s30+$0x1A3E0];
	[tilespmem:s15+$0x1C8D8] =	vst v10;
	v12 =	vmul.f32 v23, v20;
	s10 =	sshra.s32 s10, $0x2;
	v5 =	vpop (erf)  }
0x213: {  	v29 =	vbroadcast v7, $0x0;
	v30 =	vld [tilespmem:s30+$0x1A460];
	v6 =	vmul.f32 v25, v21;
	[tilespmem:s10+$0x1C8D8] =	vst v5  }
0x214: {  	v31 =	vbroadcast v8, $0x0;
	v11 =	vmul.f32 v27, v22;
	[tilespmem:s9+$0x1C860] =	vst v12;
	v32 =	vld [tilespmem:s30+$0x1A4E0]  }
0x215: {  	v34 =	vbroadcast v9, $0x0;
	v33 =	vld [tilespmem:s30+$0x1A170];
	v13 =	vmul.f32 v29, v24;
	[tilespmem:s8+$0x1C860] =	vst v6  }
0x216: {  	v36 =	vbroadcast v10, $0x0;
	[tilespmem:s22+$0x1C860] =	vst v11;
	v12 =	vmul.f32 v31, v26;
	v35 =	vld [tilespmem:s30+$0x1A1F0]  }
0x217: {  	v14 =	vmul.f32 v34, v28;
	v37 =	vld [tilespmem:s30+$0x1A270];
	[tilespmem:s4+$0x1C860] =	vst v13;
	v38 =	vbroadcast v5, $0x0  }
0x218: {  	v39 =	vbroadcast v2, $0x1;
	v15 =	vmul.f32 v36, v30;
	v40 =	vld [tilespmem:s30+$0x1A2F0];
	[tilespmem:s13+$0x1C860] =	vst v12  }
0x219: {  	v41 =	vbroadcast v3, $0x1;
	[tilespmem:s14+$0x1C860] =	vst v14;
	v42 =	vld [tilespmem:s30+$0x1A370];
	v16 =	vmul.f32 v38, v32  }
0x21a: {  	v43 =	vbroadcast v4, $0x1;
	v44 =	vld [tilespmem:s30+$0x1A3F0];
	[tilespmem:s15+$0x1C860] =	vst v15;
	v6 =	vmul.f32 v39, v33  }
0x21b: {  	v45 =	vbroadcast v7, $0x1;
	v46 =	vld [tilespmem:s30+$0x1A470];
	v11 =	vmul.f32 v41, v35;
	[tilespmem:s10+$0x1C860] =	vst v16  }
0x21c: {  	v48 =	vbroadcast v8, $0x1;
	v47 =	vmul.f32 v43, v37;
	[tilespmem:s9+$0x1C870] =	vst v6;
	v49 =	vld [tilespmem:s30+$0x1A4F0]  }
0x21d: {  	v51 =	vbroadcast v9, $0x1;
	v50 =	vld [tilespmem:s30+$0x1A180];
	v14 =	vmul.f32 v45, v40;
	[tilespmem:s8+$0x1C870] =	vst v11  }
0x21e: {  	v53 =	vbroadcast v10, $0x1;
	[tilespmem:s22+$0x1C870] =	vst v47;
	v12 =	vmul.f32 v48, v42;
	v52 =	vld [tilespmem:s30+$0x1A200]  }
0x21f: {  	v15 =	vmul.f32 v51, v44;
	v54 =	vld [tilespmem:s30+$0x1A280];
	[tilespmem:s4+$0x1C870] =	vst v14;
	v55 =	vbroadcast v5, $0x1  }
0x220: {  	v56 =	vbroadcast v2, $0x2;
	v57 =	vld [tilespmem:s30+$0x1A300];
	[tilespmem:s13+$0x1C870] =	vst v12;
	v16 =	vmul.f32 v53, v46  }
0x221: {  	v58 =	vbroadcast v3, $0x2;
	[tilespmem:s14+$0x1C870] =	vst v15;
	v59 =	vld [tilespmem:s30+$0x1A380];
	v13 =	vmul.f32 v55, v49  }
0x222: {  	v60 =	vbroadcast v4, $0x2;
	v61 =	vld [tilespmem:s30+$0x1A400];
	v11 =	vmul.f32 v56, v50;
	[tilespmem:s15+$0x1C870] =	vst v16  }
0x223: {  	v62 =	vbroadcast v7, $0x2;
	v6 =	vmul.f32 v58, v52;
	v63 =	vld [tilespmem:s30+$0x1A480];
	[tilespmem:s10+$0x1C870] =	vst v13  }
0x224: {  	v22 =	vbroadcast v8, $0x2;
	v21 =	vmul.f32 v60, v54;
	[tilespmem:s9+$0x1C880] =	vst v11;
	v23 =	vld [tilespmem:s30+$0x1A500]  }
0x225: {  	v25 =	vbroadcast v9, $0x2;
	v24 =	vld [tilespmem:s30+$0x1A190];
	v15 =	vmul.f32 v62, v57;
	[tilespmem:s8+$0x1C880] =	vst v6  }
0x226: {  	v27 =	vbroadcast v10, $0x2;
	[tilespmem:s22+$0x1C880] =	vst v21;
	v12 =	vmul.f32 v22, v59;
	v26 =	vld [tilespmem:s30+$0x1A210]  }
0x227: {  	v29 =	vbroadcast v5, $0x2;
	v28 =	vld [tilespmem:s30+$0x1A290];
	[tilespmem:s4+$0x1C880] =	vst v15;
	v16 =	vmul.f32 v25, v61  }
0x228: {  	v30 =	vbroadcast v2, $0x3;
	v31 =	vld [tilespmem:s30+$0x1A310];
	[tilespmem:s13+$0x1C880] =	vst v12;
	v13 =	vmul.f32 v27, v63  }
0x229: {  	v32 =	vbroadcast v3, $0x3;
	[tilespmem:s14+$0x1C880] =	vst v16;
	v33 =	vld [tilespmem:s30+$0x1A390];
	v14 =	vmul.f32 v29, v23  }
0x22a: {  	v34 =	vbroadcast v4, $0x3;
	v6 =	vmul.f32 v30, v24;
	v35 =	vld [tilespmem:s30+$0x1A410];
	[tilespmem:s15+$0x1C880] =	vst v13  }
0x22b: {  	v36 =	vbroadcast v7, $0x3;
	v11 =	vmul.f32 v32, v26;
	v37 =	vld [tilespmem:s30+$0x1A490];
	[tilespmem:s10+$0x1C880] =	vst v14  }
0x22c: {  	v39 =	vbroadcast v8, $0x3;
	v38 =	vmul.f32 v34, v28;
	[tilespmem:s9+$0x1C890] =	vst v6;
	v40 =	vld [tilespmem:s30+$0x1A510]  }
0x22d: {  	v42 =	vbroadcast v9, $0x3;
	v41 =	vld [tilespmem:s30+$0x1A1A0];
	v16 =	vmul.f32 v36, v31;
	[tilespmem:s8+$0x1C890] =	vst v11  }
0x22e: {  	v44 =	vbroadcast v10, $0x3;
	[tilespmem:s22+$0x1C890] =	vst v38;
	v12 =	vmul.f32 v39, v33;
	v43 =	vld [tilespmem:s30+$0x1A220]  }
0x22f: {  	v46 =	vbroadcast v5, $0x3;
	v45 =	vld [tilespmem:s30+$0x1A2A0];
	[tilespmem:s4+$0x1C890] =	vst v16;
	v13 =	vmul.f32 v42, v35  }
0x230: {  	v47 =	vbroadcast v2, $0x4;
	v48 =	vld [tilespmem:s30+$0x1A320];
	[tilespmem:s13+$0x1C890] =	vst v12;
	v14 =	vmul.f32 v44, v37  }
0x231: {  	v49 =	vbroadcast v3, $0x4;
	[tilespmem:s14+$0x1C890] =	vst v13;
	v50 =	vld [tilespmem:s30+$0x1A3A0];
	v15 =	vmul.f32 v46, v40  }
0x232: {  	v51 =	vbroadcast v4, $0x4;
	v11 =	vmul.f32 v47, v41;
	v52 =	vld [tilespmem:s30+$0x1A420];
	[tilespmem:s15+$0x1C890] =	vst v14  }
0x233: {  	v53 =	vbroadcast v7, $0x4;
	v6 =	vmul.f32 v49, v43;
	v54 =	vld [tilespmem:s30+$0x1A4A0];
	[tilespmem:s10+$0x1C890] =	vst v15  }
0x234: {  	v56 =	vbroadcast v8, $0x4;
	v55 =	vmul.f32 v51, v45;
	[tilespmem:s9+$0x1C8A0] =	vst v11;
	v57 =	vld [tilespmem:s30+$0x1A520]  }
0x235: {  	v59 =	vbroadcast v9, $0x4;
	v58 =	vld [tilespmem:s30+$0x1A1B0];
	v13 =	vmul.f32 v53, v48;
	[tilespmem:s8+$0x1C8A0] =	vst v6  }
0x236: {  	v61 =	vbroadcast v10, $0x4;
	[tilespmem:s22+$0x1C8A0] =	vst v55;
	v12 =	vmul.f32 v56, v50;
	v60 =	vld [tilespmem:s30+$0x1A230]  }
0x237: {  	v63 =	vbroadcast v5, $0x4;
	v62 =	vld [tilespmem:s30+$0x1A2B0];
	[tilespmem:s4+$0x1C8A0] =	vst v13;
	v14 =	vmul.f32 v59, v52  }
0x238: {  	v21 =	vbroadcast v2, $0x5;
	v22 =	vld [tilespmem:s30+$0x1A330];
	[tilespmem:s13+$0x1C8A0] =	vst v12;
	v15 =	vmul.f32 v61, v54  }
0x239: {  	v23 =	vbroadcast v3, $0x5;
	[tilespmem:s14+$0x1C8A0] =	vst v14;
	v24 =	vld [tilespmem:s30+$0x1A3B0];
	v16 =	vmul.f32 v63, v57  }
0x23a: {  	v25 =	vbroadcast v4, $0x5;
	v6 =	vmul.f32 v21, v58;
	v26 =	vld [tilespmem:s30+$0x1A430];
	[tilespmem:s15+$0x1C8A0] =	vst v15  }
0x23b: {  	v27 =	vbroadcast v7, $0x5;
	v11 =	vmul.f32 v23, v60;
	v28 =	vld [tilespmem:s30+$0x1A4B0];
	[tilespmem:s10+$0x1C8A0] =	vst v16  }
0x23c: {  	v30 =	vbroadcast v8, $0x5;
	v29 =	vmul.f32 v25, v62;
	[tilespmem:s9+$0x1C8B0] =	vst v6;
	v31 =	vld [tilespmem:s30+$0x1A530]  }
0x23d: {  	v33 =	vbroadcast v9, $0x5;
	v32 =	vld [tilespmem:s30+$0x1A1C0];
	v14 =	vmul.f32 v27, v22;
	[tilespmem:s8+$0x1C8B0] =	vst v11  }
0x23e: {  	v35 =	vbroadcast v10, $0x5;
	[tilespmem:s22+$0x1C8B0] =	vst v29;
	v12 =	vmul.f32 v30, v24;
	v34 =	vld [tilespmem:s30+$0x1A240]  }
0x23f: {  	v37 =	vbroadcast v5, $0x5;
	v36 =	vld [tilespmem:s30+$0x1A2C0];
	[tilespmem:s4+$0x1C8B0] =	vst v14;
	v15 =	vmul.f32 v33, v26  }
0x240: {  	v38 =	vbroadcast v2, $0x6;
	v39 =	vld [tilespmem:s30+$0x1A340];
	[tilespmem:s13+$0x1C8B0] =	vst v12;
	v16 =	vmul.f32 v35, v28  }
0x241: {  	v40 =	vbroadcast v3, $0x6;
	[tilespmem:s14+$0x1C8B0] =	vst v15;
	v41 =	vld [tilespmem:s30+$0x1A3C0];
	v13 =	vmul.f32 v37, v31  }
0x242: {  	v42 =	vbroadcast v4, $0x6;
	v11 =	vmul.f32 v32, v38;
	v43 =	vld [tilespmem:s30+$0x1A440];
	[tilespmem:s15+$0x1C8B0] =	vst v16  }
0x243: {  	v44 =	vbroadcast v7, $0x6;
	v6 =	vmul.f32 v34, v40;
	v45 =	vld [tilespmem:s30+$0x1A4C0];
	[tilespmem:s10+$0x1C8B0] =	vst v13  }
0x244: {  	v47 =	vbroadcast v8, $0x6;
	v46 =	vmul.f32 v36, v42;
	[tilespmem:s9+$0x1C8C0] =	vst v11;
	v48 =	vld [tilespmem:s30+$0x1A540]  }
0x245: {  	v50 =	vbroadcast v9, $0x6;
	v49 =	vld [tilespmem:s30+$0x1A1D0];
	v15 =	vmul.f32 v39, v44;
	[tilespmem:s8+$0x1C8C0] =	vst v6  }
0x246: {  	v52 =	vbroadcast v10, $0x6;
	[tilespmem:s22+$0x1C8C0] =	vst v46;
	v12 =	vmul.f32 v41, v47;
	v51 =	vld [tilespmem:s30+$0x1A250]  }
0x247: {  	v54 =	vbroadcast v5, $0x6;
	v53 =	vld [tilespmem:s30+$0x1A2D0];
	[tilespmem:s4+$0x1C8C0] =	vst v15;
	v16 =	vmul.f32 v43, v50  }
0x248: {  	v2 =	vbroadcast v2, $0x7;
	v56 =	vld [tilespmem:s30+$0x1A350];
	[tilespmem:s13+$0x1C8C0] =	vst v12;
	v55 =	vmul.f32 v45, v52  }
0x249: {  	v3 =	vbroadcast v3, $0x7;
	[tilespmem:s14+$0x1C8C0] =	vst v16;
	v57 =	vld [tilespmem:s30+$0x1A3D0];
	v14 =	vmul.f32 v48, v54  }
0x24a: {  	v4 =	vbroadcast v4, $0x7;
	v2 =	vmul.f32 v49, v2;
	v58 =	vld [tilespmem:s30+$0x1A450];
	[tilespmem:s15+$0x1C8C0] =	vst v55  }
0x24b: {  	v7 =	vbroadcast v7, $0x7;
	v3 =	vmul.f32 v51, v3;
	v59 =	vld [tilespmem:s30+$0x1A4D0];
	[tilespmem:s10+$0x1C8C0] =	vst v14  }
0x24c: {  	v8 =	vbroadcast v8, $0x7;
	v4 =	vmul.f32 v53, v4;
	[tilespmem:s9+$0x1C8D0] =	vst v2;
	v2 =	vld [tilespmem:s30+$0x1A550]  }
0x24d: {  	v60 =	vbroadcast v9, $0x7;
	[tilespmem:s8+$0x1C8D0] =	vst v3;
	v3 =	vmul.f32 v56, v7  }
0x24e: {  	p1 =	slt.u32 s29, $0x1E;
	v62 =	vbroadcast v10, $0x7;
	[tilespmem:s22+$0x1C8D0] =	vst v4;
	v61 =	vmul.f32 v57, v8  }
.Ltmp3:
0x24f: {  	v5 =	vbroadcast v5, $0x7;
	[tilespmem:s4+$0x1C8D0] =	vst v3;
	v3 =	vmul.f32 v58, v60;
	(pc) =	sbr.rel @p1 .LBB2_5-.Ltmp3, $4  }
0x250: {  	[tilespmem:s13+$0x1C8D0] =	vst v61;
	v63 =	vmul.f32 v59, v62  }
0x251: {  	[tilespmem:s14+$0x1C8D0] =	vst v3;
	v2 =	vmul.f32 v2, v5  }
0x252: {  	s30 =	sadd.s32 $0xA, s29;
	[tilespmem:s15+$0x1C8D0] =	vst v63  }
0x253: {  	s29 =	smov.u32 s30;
	[tilespmem:s10+$0x1C8D0] =	vst v2  }
0x254: {  	[spmem:s3] =	stream.indirect.scatter.add.f32 [tilespmem:s31], [sflag:$0x5], $0x88, s18, s2, $0xb8;
	[tilespmem:$0x1F330] =	vst v63  }
0x255: {  	s4 =	simm.s32 @!p0 $0x1  }
0x256: {  	_ =	swait.ge @!p0 [sflag:s4], $0x50  }
0x257: {  	s8 =	simm.s32 @!p0 $0x14FC0;
	[sflag:s4] =	ssyncset.done @!p0 $0x0  }
0x258: {  	s9 =	simm.s32 @!p0 $0x15060;
	[sflag:s4] =	ssyncadd.s32 @!p0 $0xFFFFFFB0;
	s4 =	simm.s32 @!p0 $0x28  }
0x259: {  	[tilespmem:s9], [sflag:$0x3] =	stream.indirect.gather @!p0 [hbm4b:s1+s4], $0x80, s8, s4, $0xb8;
	[tilespmem:$0x1F330] =	vst v63  }
0x25a: {  	s10 =	simm.s32 @!p0 $0x17860;
	p1 =	seq.s32 @!p0 s24, $0x0;
	s9 =	simm.s32 @!p0 $0x14FE8  }
0x25b: {  	[tilespmem:s10], [sflag:$0x3] =	stream.indirect.gather @!p0 [hbm4b:s5+s4], $0x80, s9, s4, $0xb8;
	[tilespmem:$0x1F330] =	vst v63  }
0x25c: {  	p1 =	por p0, !p1;
	s9 =	simm.s32 @!p0 $0x1A060  }
0x25d: {  	[tilespmem:s9], [sflag:$0x3] =	stream.indirect.gather @!p0 [hbm4b:s6+s4], $0x80, s8, s4, $0xb8;
	[tilespmem:$0x1F330] =	vst v63  }
0x25e: {  	_ =	swait.ge @p1 [sflag:s23], $0x1540  }
0x25f: {  	[sflag:s23] =	ssyncset.done @p1 $0x0  }
0x260: {  	[sflag:s23] =	ssyncadd.s32 @p1 $0xFFFFEAC0  }
0x261: {  	_ =	swait.ge [sflag:s19], $0x1400  }
0x262: {  	[sflag:s19] =	ssyncset.done $0x0  }
0x263: {  	[sflag:s19] =	ssyncadd.s32 $0xFFFFEC00  }
0x264: {  	_ =	swait.ge [sflag:s19], $0x1400  }
0x265: {  	[sflag:s19] =	ssyncset.done $0x0  }
0x266: {  	[sflag:s19] =	ssyncadd.s32 $0xFFFFEC00  }
0x267: {  	_ =	swait.ge [sflag:s19], $0x1400  }
0x268: {  	[sflag:s19] =	ssyncset.done $0x0  }
0x269: {  	[sflag:s19] =	ssyncadd.s32 $0xFFFFEC00  }
0x26a: {  	v2 =	vld [tilespmem:$0x15038]  }
0x26b: {  	v3 =	vld [tilespmem:$0x15048]  }
0x26c: {  	v4 =	vld [tilespmem:$0x15050];
	_ =	sdelay $0x2  }
0x26d: {  	s8 =	sadd.s32 @!p0 s25, s28;
	[tilespmem:$0x1F308] =	vst v2  }
0x26e: {  	s10 =	simm.s32 @!p0 $0x15010;
	s8 =	sshrl.u32 @!p0 s8, $0x3;
	[tilespmem:$0x1F318] =	vst v3  }
0x26f: {  	s9 =	simm.s32 @!p0 $0x4E200;
	s25 =	simm.s32 $0x0;
	s8 =	sadd.s32 @!p0 s7, s8;
	[tilespmem:$0x1F320] =	vst v4  }
0x270: {  	[tilespmem:s10], [sflag:$0x2] =	stream.strided.gather @!p0 [hbm4b:s8+s4], $0x50, s9, s4, $0x38;
	[tilespmem:$0x1F330] =	vst v63  }
.LBB2_7:
0x271: {  	s29 =	sshll.u32 s25, $0x7  }
0x272: {  	v2 =	vld [tilespmem:s29+$0x16460]  }
0x273: {  	v3 =	vld [tilespmem:s29+$0x18C60]  }
0x274: {  	v4 =	vld [tilespmem:s29+$0x16470]  }
0x275: {  	v5 =	vld [tilespmem:s29+$0x18C70]  }
0x276: {  	v6 =	vld [tilespmem:s29+$0x16480]  }
0x277: {  	v7 =	vld [tilespmem:s29+$0x18C80]  }
0x278: {  	v8 =	vld [tilespmem:s29+$0x16490]  }
0x279: {  	v9 =	vld [tilespmem:s29+$0x18C90]  }
0x27a: {  	v10 =	vld [tilespmem:s29+$0x164A0]  }
0x27b: {  	v11 =	vld [tilespmem:s29+$0x18CA0]  }
0x27c: {  	v12 =	vld [tilespmem:s29+$0x164B0]  }
0x27d: {  	v13 =	vld [tilespmem:s29+$0x18CB0]  }
0x27e: {  	v14 =	vld [tilespmem:s29+$0x164C0]  }
0x27f: {  	v15 =	vld [tilespmem:s29+$0x18CC0]  }
0x280: {  	s4 =	sor.u32 $0x1, s25;
	v16 =	vld [tilespmem:s29+$0x164D0]  }
0x281: {  	v17 =	vld [tilespmem:s29+$0x18CD0];
	s9 =	sshll.u32 s4, $0x7  }
0x282: {  	v18 =	vld [tilespmem:s9+$0x16460]  }
0x283: {  	v62 =	vld [tilespmem:s9+$0x18C60]  }
0x284: {  	v20 =	vld [tilespmem:s9+$0x16470];
	v2 =	vmul.f32 v3, v2;
	v3 =	vmul.f32 v5, v4  }
0x285: {  	v23 =	vld [tilespmem:s9+$0x18C70];
	v63 =	vmul.f32 v7, v6;
	v19 =	vmul.f32 v9, v8  }
0x286: {  	v26 =	vld [tilespmem:s9+$0x16480];
	v21 =	vmul.f32 v11, v10;
	v22 =	vmul.f32 v13, v12  }
0x287: {  	v27 =	vld [tilespmem:s9+$0x18C80];
	v24 =	vmul.f32 v15, v14;
	v25 =	vmul.f32 v17, v16  }
0x288: {  	v30 =	vld [tilespmem:s9+$0x16490];
	v2 =	vadd.f32 v3, v2;
	v3 =	vadd.f32 v19, v63  }
0x289: {  	v31 =	vld [tilespmem:s9+$0x18C90];
	v28 =	vadd.f32 v22, v21;
	v29 =	vadd.f32 v25, v24  }
0x28a: {  	v32 =	vld [tilespmem:s9+$0x164A0]  }
0x28b: {  	v33 =	vld [tilespmem:s9+$0x18CA0];
	v2 =	vadd.f32 v3, v2;
	v3 =	vadd.f32 v29, v28  }
0x28c: {  	v34 =	vld [tilespmem:s9+$0x18CB0]  }
0x28d: {  	v36 =	vld [tilespmem:s9+$0x164C0];
	v2 =	vadd.f32 v3, v2  }
0x28e: {  	v37 =	vld [tilespmem:s9+$0x18CC0]  }
0x28f: {  	v38 =	vld [tilespmem:s9+$0x164D0];
	v35 =	vperm.xlane v2, v1  }
0x290: {  	v39 =	vld [tilespmem:s9+$0x18CD0]  }
0x291: {  	v3 =	vld [tilespmem:s9+$0x164B0];
	v2 =	vadd.f32 v2, v35  }
0x292: {  	v4 =	vmul.f32 v62, v18  }
0x293: {  	v7 =	vmul.f32 v23, v20;
	v2 =	vmul.f32 $2.500000000e-01, v2  }
0x294: {  	v5 =	vmul.f32 v27, v26;
	v9 =	vmul.f32 v31, v30  }
0x295: {  	v6 =	vmul.f32 v33, v32;
	v40 =	vmul.f32 v37, v36;
	v2 =	vmax.f32 v2, $-5.000000000e+00  }
0x296: {  	v41 =	vmul.f32 v39, v38;
	v3 =	vmul.f32 v34, v3;
	v2 =	vmin.f32 v2, $5.000000000e+00  }
0x297: {  	v4 =	vadd.f32 v7, v4;
	v5 =	vadd.f32 v9, v5;
	v2 =	vmul.f32 $1.442695020e+00, v2  }
0x298: {  	v42 =	vadd.f32 v41, v40;
	v3 =	vadd.f32 v3, v6  }
0x299: {  	(erf) = vpow2.f32 v2  }
0x29a: {  	v3 =	vadd.f32 v42, v3;
	v2 =	vadd.f32 v5, v4;
	_ =	sdelay $0x1  }
0x29b: {  	v2 =	vadd.f32 v3, v2;
	_ =	sdelay $0x1  }
0x29c: {  	v3 =	vperm.xlane v2, v1;
	_ =	sdelay $0x1  }
0x29d: {  	v2 =	vadd.f32 v2, v3;
	_ =	sdelay $0x1  }
0x29e: {  	v2 =	vmul.f32 $2.500000000e-01, v2;
	v3 =	vpop (erf)  }
0x29f: {  	v3 =	vadd.f32 $-7.420658110e+01, v3  }
0x2a0: {  	v2 =	vmax.f32 v2, $-5.000000000e+00  }
0x2a1: {  	v2 =	vmin.f32 v2, $5.000000000e+00;
	v3 =	vmul.f32 $1.442695020e+00, v3  }
0x2a2: {  	v2 =	vmul.f32 $1.442695020e+00, v2  }
0x2a3: {  	v43 =	vld [tilespmem:s29+$0x16560];
	(erf) = vpow2.f32 v3  }
0x2a4: {  	v44 =	vld [tilespmem:s29+$0x18D60];
	(erf) = vpow2.f32 v2  }
0x2a5: {  	v45 =	vld [tilespmem:s29+$0x16570]  }
0x2a6: {  	v46 =	vld [tilespmem:s29+$0x18D70]  }
0x2a7: {  	v47 =	vld [tilespmem:s29+$0x16580]  }
0x2a8: {  	v48 =	vld [tilespmem:s29+$0x18D80]  }
0x2a9: {  	v49 =	vld [tilespmem:s29+$0x16590]  }
0x2aa: {  	v50 =	vld [tilespmem:s29+$0x18D90]  }
0x2ab: {  	v51 =	vld [tilespmem:s29+$0x165A0]  }
0x2ac: {  	v52 =	vld [tilespmem:s29+$0x18DA0];
	v5 =	vpop (erf)  }
0x2ad: {  	v53 =	vld [tilespmem:s29+$0x165B0];
	v2 =	vpop (erf)  }
0x2ae: {  	v54 =	vld [tilespmem:s29+$0x18DB0];
	v2 =	vadd.f32 $-7.420658110e+01, v2  }
0x2af: {  	v55 =	vld [tilespmem:s29+$0x165C0]  }
0x2b0: {  	v56 =	vmul.f32 v46, v45;
	v45 =	vld [tilespmem:s29+$0x16680];
	v2 =	vmul.f32 $1.442695020e+00, v2  }
0x2b1: {  	v46 =	vld [tilespmem:s29+$0x18E80]  }
0x2b2: {  	v58 =	vmul.f32 v50, v49;
	v49 =	vld [tilespmem:s29+$0x16690];
	(erf) = vpow2.f32 v2  }
0x2b3: {  	v50 =	vld [tilespmem:s29+$0x18E90]  }
0x2b4: {  	v59 =	vmul.f32 v54, v53;
	v53 =	vld [tilespmem:s29+$0x18EA0]  }
0x2b5: {  	v54 =	vld [tilespmem:s29+$0x166B0]  }
0x2b6: {  	v23 =	vld [tilespmem:s29+$0x18DD0]  }
0x2b7: {  	v62 =	vld [tilespmem:s29+$0x165E0]  }
0x2b8: {  	s10 =	smul.u32 $0x220, s25;
	v26 =	vld [tilespmem:s29+$0x18E00]  }
0x2b9: {  	s4 =	smul.u32 $0x220, s4;
	v30 =	vld [tilespmem:s29+$0x16620]  }
0x2ba: {  	s22 =	sshra.s32 s10, $0x2;
	v31 =	vld [tilespmem:s29+$0x18E20]  }
0x2bb: {  	s8 =	sshra.s32 s4, $0x2;
	v32 =	vld [tilespmem:s29+$0x16630];
	[tilespmem:s22+$0x1DE18] =	vst v5;
	v6 =	vpop (erf)  }
0x2bc: {  	v2 =	vld [tilespmem:s29+$0x1B460];
	[tilespmem:s8+$0x1DE18] =	vst v6  }
0x2bd: {  	v3 =	vld [tilespmem:s9+$0x1B460]  }
0x2be: {  	v22 =	vld [tilespmem:s29+$0x165D0]  }
0x2bf: {  	v19 =	vld [tilespmem:s29+$0x18DC0];
	v20 =	vbroadcast v5, $0x0  }
0x2c0: {  	v33 =	vld [tilespmem:s29+$0x18E30];
	v21 =	vbroadcast v6, $0x0  }
0x2c1: {  	v36 =	vld [tilespmem:s29+$0x16650];
	v2 =	vmul.f32 v20, v2  }
0x2c2: {  	v57 =	vmul.f32 v48, v47;
	v37 =	vld [tilespmem:s29+$0x18E50];
	v3 =	vmul.f32 v21, v3  }
0x2c3: {  	v38 =	vld [tilespmem:s29+$0x18E60];
	v60 =	vmul.f32 v23, v22;
	v4 =	vmul.f32 v44, v43;
	[tilespmem:s22+$0x1DDA0] =	vst v2  }
0x2c4: {  	v63 =	vld [tilespmem:s29+$0x18DE0];
	v2 =	vmul.f32 v52, v51;
	[tilespmem:s8+$0x1DDA0] =	vst v3;
	v3 =	vmul.f32 v19, v55  }
0x2c5: {  	v61 =	vadd.f32 v58, v57;
	v24 =	vld [tilespmem:s29+$0x18DF0];
	v4 =	vadd.f32 v56, v4  }
0x2c6: {  	v25 =	vld [tilespmem:s29+$0x16600];
	v2 =	vadd.f32 v59, v2;
	v3 =	vadd.f32 v60, v3  }
0x2c7: {  	v57 =	vld [tilespmem:s29+$0x166C0]  }
0x2c8: {  	v40 =	vld [tilespmem:s29+$0x16670];
	v4 =	vadd.f32 v61, v4;
	v2 =	vadd.f32 v3, v2  }
0x2c9: {  	v28 =	vld [tilespmem:s29+$0x16610]  }
0x2ca: {  	v29 =	vld [tilespmem:s29+$0x18E10];
	v2 =	vadd.f32 v2, v4  }
0x2cb: {  	v12 =	vmul.f32 v31, v30;
	v31 =	vld [tilespmem:s29+$0x166F0]  }
0x2cc: {  	v35 =	vld [tilespmem:s29+$0x18E40];
	v27 =	vperm.xlane v2, v1  }
0x2cd: {  	v34 =	vld [tilespmem:s29+$0x16640]  }
0x2ce: {  	v3 =	vld [tilespmem:s29+$0x165F0];
	v2 =	vadd.f32 v2, v27  }
0x2cf: {  	v41 =	vmul.f32 v33, v32;
	v32 =	vld [tilespmem:s29+$0x18EF0]  }
0x2d0: {  	v30 =	vld [tilespmem:s29+$0x166E0];
	v2 =	vmul.f32 $2.500000000e-01, v2  }
0x2d1: {  	v33 =	vld [tilespmem:s29+$0x16700];
	v8 =	vmul.f32 v63, v62;
	v47 =	vadd.f32 v41, v12;
	v39 =	vmul.f32 v29, v28  }
0x2d2: {  	v62 =	vld [tilespmem:s29+$0x18ED0];
	v43 =	vmul.f32 v35, v34;
	v44 =	vmul.f32 v37, v36;
	v2 =	vmax.f32 v2, $-5.000000000e+00  }
0x2d3: {  	v41 =	vld [tilespmem:s29+$0x16730];
	v4 =	vmul.f32 v26, v25;
	v3 =	vmul.f32 v24, v3;
	v2 =	vmin.f32 v2, $5.000000000e+00  }
0x2d4: {  	v7 =	vmul.f32 v32, v31;
	v31 =	vld [tilespmem:s29+$0x167C0];
	v48 =	vadd.f32 v44, v43;
	v2 =	vmul.f32 $1.442695020e+00, v2  }
0x2d5: {  	v42 =	vld [tilespmem:s29+$0x18E70];
	v4 =	vadd.f32 v39, v4;
	v3 =	vadd.f32 v3, v8  }
0x2d6: {  	v34 =	vld [tilespmem:s29+$0x18F00];
	(erf) = vpow2.f32 v2  }
0x2d7: {  	v36 =	vld [tilespmem:s29+$0x16710];
	v51 =	vadd.f32 v48, v47;
	v3 =	vadd.f32 v4, v3  }
0x2d8: {  	v52 =	vld [tilespmem:s29+$0x166A0]  }
0x2d9: {  	v11 =	vld [tilespmem:s29+$0x1B470];
	v3 =	vadd.f32 v51, v3  }
0x2da: {  	v61 =	vld [tilespmem:s29+$0x166D0]  }
0x2db: {  	v55 =	vld [tilespmem:s29+$0x18EB0];
	v56 =	vperm.xlane v3, v1  }
0x2dc: {  	v58 =	vbroadcast v5, $0x1;
	v24 =	vld [tilespmem:s29+$0x18EC0]  }
0x2dd: {  	v32 =	vbroadcast v5, $0x2;
	v2 =	vld [tilespmem:s29+$0x16660];
	v3 =	vadd.f32 v3, v56  }
0x2de: {  	v37 =	vld [tilespmem:s29+$0x18F10];
	v9 =	vmul.f32 v53, v52;
	v11 =	vmul.f32 v58, v11  }
0x2df: {  	v43 =	vld [tilespmem:s29+$0x16740];
	v25 =	vmul.f32 v50, v49;
	v3 =	vmul.f32 $2.500000000e-01, v3;
	v60 =	vpop (erf)  }
0x2e0: {  	v44 =	vld [tilespmem:s29+$0x18F40];
	[tilespmem:s22+$0x1DDB0] =	vst v11;
	v27 =	vmul.f32 v62, v61;
	v8 =	vmul.f32 v46, v45;
	v23 =	vadd.f32 $-7.420658110e+01, v60  }
0x2e1: {  	v11 =	vld [tilespmem:s29+$0x1B480];
	v4 =	vmul.f32 v55, v54;
	v26 =	vmul.f32 v24, v57;
	v3 =	vmax.f32 v3, $-5.000000000e+00  }
0x2e2: {  	v47 =	vld [tilespmem:s29+$0x16760];
	v2 =	vmul.f32 v38, v2;
	v3 =	vmin.f32 v3, $5.000000000e+00;
	v63 =	vmul.f32 $1.442695020e+00, v23  }
0x2e3: {  	v13 =	vld [tilespmem:s9+$0x1B470];
	v3 =	vmul.f32 $1.442695020e+00, v3;
	v23 =	vmul.f32 v42, v40  }
0x2e4: {  	v48 =	vld [tilespmem:s29+$0x18F60];
	v28 =	vadd.f32 v25, v8;
	v4 =	vadd.f32 v4, v9;
	(erf) = vpow2.f32 v63  }
0x2e5: {  	v53 =	vld [tilespmem:s29+$0x18F70];
	v29 =	vadd.f32 v27, v26;
	v2 =	vadd.f32 v23, v2;
	(erf) = vpow2.f32 v3  }
0x2e6: {  	v59 =	vbroadcast v6, $0x1;
	v11 =	vmul.f32 v32, v11;
	v32 =	vld [tilespmem:s29+$0x19070]  }
0x2e7: {  	v50 =	vld [tilespmem:s29+$0x16770];
	v4 =	vadd.f32 v29, v4;
	v2 =	vadd.f32 v28, v2  }
0x2e8: {  	v13 =	vmul.f32 v59, v13;
	v59 =	vld [tilespmem:s29+$0x16790]  }
0x2e9: {  	v39 =	vld [tilespmem:s29+$0x18F20];
	v2 =	vadd.f32 v4, v2  }
0x2ea: {  	v45 =	vld [tilespmem:s29+$0x16750]  }
0x2eb: {  	v38 =	vld [tilespmem:s29+$0x16720];
	v35 =	vperm.xlane v2, v1  }
0x2ec: {  	v42 =	vld [tilespmem:s29+$0x18F30]  }
0x2ed: {  	v3 =	vld [tilespmem:s29+$0x18EE0];
	v12 =	vadd.f32 v2, v35;
	v2 =	vpop (erf)  }
0x2ee: {  	[tilespmem:s22+$0x1DDC0] =	vst v11;
	v49 =	vmul.f32 v37, v36;
	v46 =	vld [tilespmem:s29+$0x18F50];
	v40 =	vpop (erf)  }
0x2ef: {  	v11 =	vld [tilespmem:s29+$0x1B490];
	[tilespmem:s8+$0x1DDB0] =	vst v13;
	v10 =	vmul.f32 v53, v50;
	v54 =	vmul.f32 v44, v43;
	v18 =	vadd.f32 $-7.420658110e+01, v40  }
0x2f0: {  	v14 =	vld [tilespmem:s9+$0x1B480];
	v51 =	vmul.f32 v39, v38;
	v12 =	vmul.f32 $2.500000000e-01, v12  }
0x2f1: {  	v62 =	vld [tilespmem:s29+$0x167A0];
	v52 =	vmul.f32 v42, v41;
	v18 =	vmul.f32 $1.442695020e+00, v18  }
0x2f2: {  	v50 =	vld [tilespmem:s29+$0x16810];
	v4 =	vmul.f32 v34, v33;
	v3 =	vmul.f32 v3, v30;
	v12 =	vmax.f32 v12, $-5.000000000e+00  }
0x2f3: {  	v53 =	vld [tilespmem:s29+$0x16820];
	v12 =	vmin.f32 v12, $5.000000000e+00;
	(erf) = vpow2.f32 v18;
	v18 =	vmul.f32 v46, v45  }
0x2f4: {  	v55 =	vld [tilespmem:s29+$0x16780];
	v57 =	vadd.f32 v52, v51;
	v4 =	vadd.f32 v49, v4;
	v12 =	vmul.f32 $1.442695020e+00, v12  }
0x2f5: {  	v44 =	vld [tilespmem:s29+$0x167F0];
	v3 =	vadd.f32 v7, v3;
	v58 =	vadd.f32 v18, v54  }
0x2f6: {  	v26 =	vld [tilespmem:s29+$0x18FC0];
	(erf) = vpow2.f32 v12  }
0x2f7: {  	v29 =	vld [tilespmem:s29+$0x18FB0];
	v3 =	vadd.f32 v4, v3;
	v61 =	vadd.f32 v58, v57  }
0x2f8: {  	v56 =	vld [tilespmem:s29+$0x18F80]  }
0x2f9: {  	v60 =	vld [tilespmem:s29+$0x18F90];
	v4 =	vadd.f32 v61, v3  }
0x2fa: {  	v63 =	vld [tilespmem:s29+$0x18FA0]  }
0x2fb: {  	v28 =	vld [tilespmem:s29+$0x167B0];
	v30 =	vperm.xlane v4, v1  }
0x2fc: {  	v34 =	vld [tilespmem:s29+$0x167D0]  }
0x2fd: {  	v35 =	vld [tilespmem:s29+$0x18FD0];
	v4 =	vadd.f32 v4, v30  }
0x2fe: {  	v8 =	vmul.f32 v48, v47;
	v48 =	vld [tilespmem:s29+$0x16800];
	v3 =	vpop (erf)  }
0x2ff: {  	v27 =	vld [tilespmem:s29+$0x16860];
	v39 =	vmul.f32 v26, v31;
	v25 =	vpop (erf);
	v4 =	vmul.f32 $2.500000000e-01, v4  }
0x300: {  	v37 =	vmul.f32 v60, v59;
	v59 =	vld [tilespmem:s29+$0x19040];
	v9 =	vmul.f32 v63, v62;
	v25 =	vadd.f32 $-7.420658110e+01, v25  }
0x301: {  	v60 =	vld [tilespmem:s29+$0x16850];
	v38 =	vmul.f32 v29, v28;
	v7 =	vmul.f32 v56, v55;
	v4 =	vmax.f32 v4, $-5.000000000e+00  }
0x302: {  	v41 =	vld [tilespmem:s29+$0x167E0];
	v40 =	vmul.f32 v35, v34;
	v36 =	vmul.f32 $1.442695020e+00, v25;
	v4 =	vmin.f32 v4, $5.000000000e+00  }
0x303: {  	v8 =	vadd.f32 v10, v8;
	v42 =	vld [tilespmem:s29+$0x18FE0];
	v9 =	vadd.f32 v38, v9;
	v4 =	vmul.f32 $1.442695020e+00, v4  }
0x304: {  	v51 =	vld [tilespmem:s29+$0x19010];
	v7 =	vadd.f32 v37, v7;
	v43 =	vadd.f32 v40, v39;
	(erf) = vpow2.f32 v36  }
0x305: {  	v62 =	vld [tilespmem:s29+$0x19060];
	(erf) = vpow2.f32 v4  }
0x306: {  	v49 =	vld [tilespmem:s29+$0x19000];
	v46 =	vadd.f32 v7, v8;
	v47 =	vadd.f32 v43, v9  }
0x307: {  	v55 =	vld [tilespmem:s29+$0x16830]  }
0x308: {  	v56 =	vld [tilespmem:s29+$0x19030];
	v4 =	vadd.f32 v47, v46  }
0x309: {  	v45 =	vld [tilespmem:s29+$0x18FF0]  }
0x30a: {  	v33 =	vbroadcast v6, $0x2;
	v54 =	vld [tilespmem:s29+$0x19020];
	v52 =	vperm.xlane v4, v1  }
0x30b: {  	v58 =	vld [tilespmem:s29+$0x16840]  }
0x30c: {  	v14 =	vmul.f32 v33, v14;
	v61 =	vld [tilespmem:s29+$0x19050];
	v16 =	vadd.f32 v4, v52  }
0x30d: {  	v63 =	vld [tilespmem:s29+$0x16870];
	v10 =	vmul.f32 v42, v41;
	v35 =	vmul.f32 v56, v55;
	v4 =	vpop (erf)  }
0x30e: {  	v33 =	vld [tilespmem:s29+$0x16880];
	v8 =	vmul.f32 v49, v48;
	v16 =	vmul.f32 $2.500000000e-01, v16;
	v57 =	vpop (erf)  }
0x30f: {  	v28 =	vld [tilespmem:s29+$0x190D0];
	v7 =	vmul.f32 v51, v50;
	v13 =	vmul.f32 v45, v44;
	v22 =	vadd.f32 $-7.420658110e+01, v57  }
0x310: {  	[tilespmem:s8+$0x1DDC0] =	vst v14;
	v42 =	vld [tilespmem:s29+$0x168A0];
	v34 =	vmul.f32 v54, v53;
	v37 =	vmul.f32 v59, v58;
	v16 =	vmax.f32 v16, $-5.000000000e+00  }
0x311: {  	v14 =	vld [tilespmem:s9+$0x1B490];
	v38 =	vmul.f32 v61, v60;
	v16 =	vmin.f32 v16, $5.000000000e+00;
	v22 =	vmul.f32 $1.442695020e+00, v22  }
0x312: {  	v39 =	vld [tilespmem:s29+$0x16890];
	v7 =	vadd.f32 v7, v8;
	v10 =	vadd.f32 v13, v10;
	v16 =	vmul.f32 $1.442695020e+00, v16  }
0x313: {  	v40 =	vld [tilespmem:s29+$0x19090];
	v12 =	vadd.f32 v35, v34;
	v41 =	vadd.f32 v38, v37;
	(erf) = vpow2.f32 v22  }
0x314: {  	v48 =	vld [tilespmem:s29+$0x190C0];
	(erf) = vpow2.f32 v16  }
0x315: {  	v51 =	vld [tilespmem:s29+$0x168D0];
	v7 =	vadd.f32 v7, v10;
	v44 =	vadd.f32 v41, v12  }
0x316: {  	v43 =	vld [tilespmem:s29+$0x190A0]  }
0x317: {  	v45 =	vld [tilespmem:s29+$0x168B0];
	v10 =	vadd.f32 v44, v7  }
0x318: {  	v36 =	vld [tilespmem:s29+$0x19080]  }
0x319: {  	v46 =	vld [tilespmem:s29+$0x190B0];
	v50 =	vperm.xlane v10, v1  }
0x31a: {  	v47 =	vld [tilespmem:s29+$0x168C0]  }
0x31b: {  	v15 =	vmul.f32 v32, v63;
	v63 =	vld [tilespmem:s29+$0x16920];
	v10 =	vadd.f32 v10, v50  }
0x31c: {  	v55 =	vld [tilespmem:s29+$0x190F0];
	v8 =	vmul.f32 v40, v39;
	v7 =	vpop (erf)  }
0x31d: {  	v56 =	vld [tilespmem:s29+$0x16900];
	v17 =	vmul.f32 v43, v42;
	v10 =	vmul.f32 $2.500000000e-01, v10;
	v49 =	vpop (erf)  }
0x31e: {  	v39 =	vld [tilespmem:s29+$0x19140];
	v58 =	vmul.f32 v28, v51;
	v9 =	vmul.f32 v36, v33;
	v24 =	vadd.f32 $-7.420658110e+01, v49  }
0x31f: {  	v40 =	vld [tilespmem:s29+$0x16950];
	v12 =	vmul.f32 v46, v45;
	v10 =	vmax.f32 v10, $-5.000000000e+00;
	v57 =	vmul.f32 v48, v47  }
0x320: {  	v53 =	vld [tilespmem:s29+$0x190E0];
	v10 =	vmin.f32 v10, $5.000000000e+00;
	v22 =	vmul.f32 v62, v27;
	v24 =	vmul.f32 $1.442695020e+00, v24  }
0x321: {  	v54 =	vld [tilespmem:s29+$0x168F0];
	v8 =	vadd.f32 v8, v9;
	v12 =	vadd.f32 v12, v17;
	v10 =	vmul.f32 $1.442695020e+00, v10  }
0x322: {  	v42 =	vld [tilespmem:s29+$0x19150];
	v61 =	vadd.f32 v58, v57;
	v15 =	vadd.f32 v15, v22;
	(erf) = vpow2.f32 v24  }
0x323: {  	v59 =	vld [tilespmem:s29+$0x19100];
	(erf) = vpow2.f32 v10  }
0x324: {  	v34 =	vld [tilespmem:s29+$0x19130];
	v12 =	vadd.f32 v61, v12;
	v8 =	vadd.f32 v8, v15  }
0x325: {  	v60 =	vld [tilespmem:s29+$0x16910]  }
0x326: {  	v36 =	vld [tilespmem:s29+$0x16940];
	v8 =	vadd.f32 v12, v8  }
0x327: {  	v52 =	vld [tilespmem:s29+$0x168E0]  }
0x328: {  	v35 =	vbroadcast v5, $0x3;
	v33 =	vld [tilespmem:s29+$0x16930];
	v38 =	vperm.xlane v8, v1  }
0x329: {  	v37 =	vbroadcast v6, $0x3;
	v62 =	vld [tilespmem:s29+$0x19110]  }
0x32a: {  	v32 =	vld [tilespmem:s29+$0x19120];
	v11 =	vmul.f32 v35, v11;
	v13 =	vmul.f32 v59, v56;
	v41 =	vadd.f32 v8, v38  }
0x32b: {  	v14 =	vmul.f32 v37, v14;
	v46 =	vmul.f32 v39, v36;
	v8 =	vpop (erf)  }
0x32c: {  	v43 =	vmul.f32 v53, v52;
	v20 =	vmul.f32 $2.500000000e-01, v41;
	v44 =	vpop (erf)  }
0x32d: {  	v48 =	vmul.f32 v42, v40;
	v16 =	vmul.f32 v55, v54;
	v45 =	vadd.f32 $-7.420658110e+01, v44  }
0x32e: {  	v9 =	vmul.f32 v62, v60;
	v12 =	vmul.f32 v34, v33;
	v47 =	vmax.f32 v20, $-5.000000000e+00  }
0x32f: {  	[tilespmem:s22+$0x1DDD0] =	vst v11;
	v18 =	vmin.f32 v47, $5.000000000e+00;
	v10 =	vmul.f32 v32, v63;
	v15 =	vmul.f32 $1.442695020e+00, v45  }
0x330: {  	v51 =	vld [tilespmem:s29+$0x1B4A0];
	v52 =	vadd.f32 v48, v46;
	v9 =	vadd.f32 v9, v13;
	v50 =	vmul.f32 $1.442695020e+00, v18  }
0x331: {  	v49 =	vadd.f32 v16, v43;
	v10 =	vadd.f32 v12, v10;
	(erf) = vpow2.f32 v15  }
0x332: {  	[tilespmem:s8+$0x1DDD0] =	vst v14;
	(erf) = vpow2.f32 v50  }
0x333: {  	v14 =	vld [tilespmem:s9+$0x1B4A0];
	v53 =	vbroadcast v5, $0x4;
	v9 =	vadd.f32 v9, v49;
	v10 =	vadd.f32 v52, v10;
	_ =	sdelay $0x1  }
0x334: {  	v55 =	vmul.f32 v53, v51;
	v9 =	vadd.f32 v10, v9  }
0x335: {  	v54 =	vbroadcast v6, $0x4  }
0x336: {  	[tilespmem:s22+$0x1DDE0] =	vst v55;
	v57 =	vperm.xlane v9, v1  }
0x337: {  	v56 =	vmul.f32 v54, v14;
	v10 =	vld [tilespmem:s29+$0x1B4B0]  }
0x338: {  	v58 =	vadd.f32 v9, v57  }
0x339: {  	[tilespmem:s8+$0x1DDE0] =	vst v56;
	v9 =	vpop (erf)  }
0x33a: {  	v61 =	vbroadcast v5, $0x5;
	v59 =	vld [tilespmem:s9+$0x1B4B0];
	v11 =	vmul.f32 $2.500000000e-01, v58;
	v60 =	vpop (erf)  }
0x33b: {  	v13 =	vadd.f32 $-7.420658110e+01, v60  }
0x33c: {  	v10 =	vmul.f32 v61, v10;
	v11 =	vmax.f32 v11, $-5.000000000e+00  }
0x33d: {  	v62 =	vbroadcast v6, $0x5;
	v11 =	vmin.f32 v11, $5.000000000e+00;
	v13 =	vmul.f32 $1.442695020e+00, v13  }
0x33e: {  	[tilespmem:s22+$0x1DDF0] =	vst v10;
	v11 =	vmul.f32 $1.442695020e+00, v11  }
0x33f: {  	v12 =	vmul.f32 v62, v59;
	v10 =	vld [tilespmem:s29+$0x1B4C0];
	(erf) = vpow2.f32 v13  }
0x340: {  	(erf) = vpow2.f32 v11  }
0x341: {  	[tilespmem:s8+$0x1DDF0] =	vst v12  }
0x342: {  	v16 =	vbroadcast v5, $0x6;
	v63 =	vld [tilespmem:s9+$0x1B4C0];
	_ =	sdelay $0x1  }
0x343: {  	v10 =	vmul.f32 v10, v16  }
0x344: {  	v17 =	vbroadcast v6, $0x6;
	_ =	sdelay $0x1  }
0x345: {  	[tilespmem:s22+$0x1DE00] =	vst v10;
	v11 =	vmul.f32 v63, v17  }
0x346: {  	v18 =	vld [tilespmem:s29+$0x1B4D0];
	v10 =	vpop (erf)  }
0x347: {  	[tilespmem:s8+$0x1DE00] =	vst v11;
	v19 =	vpop (erf)  }
0x348: {  	v11 =	vld [tilespmem:s9+$0x1B4D0];
	v13 =	vadd.f32 $-7.420658110e+01, v19  }
0x349: {  	v5 =	vbroadcast v5, $0x7  }
0x34a: {  	v13 =	vmul.f32 $1.442695020e+00, v13  }
0x34b: {  	v6 =	vbroadcast v6, $0x7;
	v5 =	vmul.f32 v18, v5  }
0x34c: {  	s14 =	sadd.s32 $0x440, s10;
	(erf) = vpow2.f32 v13  }
0x34d: {  	[tilespmem:s22+$0x1DE10] =	vst v5;
	s9 =	sshra.s32 s14, $0x2;
	v6 =	vmul.f32 v11, v6  }
0x34e: {  	s15 =	sadd.s32 $0x660, s10;
	[tilespmem:s9+$0x1DE18] =	vst v2  }
0x34f: {  	s22 =	sadd.s32 $0x880, s10;
	[tilespmem:s8+$0x1DE10] =	vst v6;
	s8 =	sshra.s32 s15, $0x2  }
0x350: {  	s30 =	sshra.s32 s22, $0x2;
	v20 =	vld [tilespmem:s29+$0x1B560];
	s15 =	sadd.s32 $0xAA0, s10;
	[tilespmem:s8+$0x1DE18] =	vst v3  }
0x351: {  	s13 =	sadd.s32 $0xCC0, s10;
	[tilespmem:s30+$0x1DE18] =	vst v4;
	s4 =	sshra.s32 s15, $0x2;
	v21 =	vld [tilespmem:s29+$0x1B5E0]  }
0x352: {  	s13 =	sshra.s32 s13, $0x2;
	v22 =	vld [tilespmem:s29+$0x1B660];
	s14 =	sadd.s32 $0xEE0, s10;
	[tilespmem:s4+$0x1DE18] =	vst v7  }
0x353: {  	v23 =	vbroadcast v2, $0x0;
	[tilespmem:s13+$0x1DE18] =	vst v8;
	s14 =	sshra.s32 s14, $0x2;
	s15 =	sadd.s32 $0x1100, s10;
	v24 =	vld [tilespmem:s29+$0x1B6E0]  }
0x354: {  	v25 =	vbroadcast v3, $0x0;
	v26 =	vld [tilespmem:s29+$0x1B760];
	[tilespmem:s14+$0x1DE18] =	vst v9;
	s10 =	sadd.s32 $0x1320, s10;
	s15 =	sshra.s32 s15, $0x2  }
0x355: {  	v27 =	vbroadcast v4, $0x0;
	v28 =	vld [tilespmem:s29+$0x1B7E0];
	v12 =	vmul.f32 v23, v20;
	s10 =	sshra.s32 s10, $0x2;
	[tilespmem:s15+$0x1DE18] =	vst v10;
	v5 =	vpop (erf)  }
0x356: {  	v29 =	vbroadcast v7, $0x0;
	v30 =	vld [tilespmem:s29+$0x1B860];
	v6 =	vmul.f32 v25, v21;
	[tilespmem:s10+$0x1DE18] =	vst v5  }
0x357: {  	v31 =	vbroadcast v8, $0x0;
	v11 =	vmul.f32 v27, v22;
	[tilespmem:s9+$0x1DDA0] =	vst v12;
	v32 =	vld [tilespmem:s29+$0x1B8E0]  }
0x358: {  	v34 =	vbroadcast v9, $0x0;
	v33 =	vld [tilespmem:s29+$0x1B570];
	v13 =	vmul.f32 v29, v24;
	[tilespmem:s8+$0x1DDA0] =	vst v6  }
0x359: {  	v36 =	vbroadcast v10, $0x0;
	[tilespmem:s30+$0x1DDA0] =	vst v11;
	v12 =	vmul.f32 v31, v26;
	v35 =	vld [tilespmem:s29+$0x1B5F0]  }
0x35a: {  	v37 =	vld [tilespmem:s29+$0x1B670];
	v14 =	vmul.f32 v34, v28;
	[tilespmem:s4+$0x1DDA0] =	vst v13;
	v38 =	vbroadcast v5, $0x0  }
0x35b: {  	v39 =	vbroadcast v2, $0x1;
	[tilespmem:s13+$0x1DDA0] =	vst v12;
	v15 =	vmul.f32 v36, v30;
	v40 =	vld [tilespmem:s29+$0x1B6F0]  }
0x35c: {  	v41 =	vbroadcast v3, $0x1;
	[tilespmem:s14+$0x1DDA0] =	vst v14;
	v42 =	vld [tilespmem:s29+$0x1B770];
	v16 =	vmul.f32 v38, v32  }
0x35d: {  	v43 =	vbroadcast v4, $0x1;
	v44 =	vld [tilespmem:s29+$0x1B7F0];
	v6 =	vmul.f32 v39, v33;
	[tilespmem:s15+$0x1DDA0] =	vst v15  }
0x35e: {  	v45 =	vbroadcast v7, $0x1;
	v46 =	vld [tilespmem:s29+$0x1B870];
	v11 =	vmul.f32 v41, v35;
	[tilespmem:s10+$0x1DDA0] =	vst v16  }
0x35f: {  	v48 =	vbroadcast v8, $0x1;
	v47 =	vmul.f32 v43, v37;
	[tilespmem:s9+$0x1DDB0] =	vst v6;
	v49 =	vld [tilespmem:s29+$0x1B8F0]  }
0x360: {  	v51 =	vbroadcast v9, $0x1;
	v50 =	vld [tilespmem:s29+$0x1B580];
	v14 =	vmul.f32 v45, v40;
	[tilespmem:s8+$0x1DDB0] =	vst v11  }
0x361: {  	v53 =	vbroadcast v10, $0x1;
	[tilespmem:s30+$0x1DDB0] =	vst v47;
	v12 =	vmul.f32 v48, v42;
	v52 =	vld [tilespmem:s29+$0x1B600]  }
0x362: {  	v54 =	vld [tilespmem:s29+$0x1B680];
	v15 =	vmul.f32 v51, v44;
	v55 =	vbroadcast v5, $0x1;
	[tilespmem:s4+$0x1DDB0] =	vst v14  }
0x363: {  	v56 =	vbroadcast v2, $0x2;
	[tilespmem:s13+$0x1DDB0] =	vst v12;
	v57 =	vld [tilespmem:s29+$0x1B700];
	v16 =	vmul.f32 v53, v46  }
0x364: {  	v58 =	vbroadcast v3, $0x2;
	[tilespmem:s14+$0x1DDB0] =	vst v15;
	v59 =	vld [tilespmem:s29+$0x1B780];
	v13 =	vmul.f32 v55, v49  }
0x365: {  	v60 =	vbroadcast v4, $0x2;
	v61 =	vld [tilespmem:s29+$0x1B800];
	v11 =	vmul.f32 v56, v50;
	[tilespmem:s15+$0x1DDB0] =	vst v16  }
0x366: {  	v62 =	vbroadcast v7, $0x2;
	v6 =	vmul.f32 v58, v52;
	v63 =	vld [tilespmem:s29+$0x1B880];
	[tilespmem:s10+$0x1DDB0] =	vst v13  }
0x367: {  	v22 =	vbroadcast v8, $0x2;
	v21 =	vmul.f32 v60, v54;
	[tilespmem:s9+$0x1DDC0] =	vst v11;
	v23 =	vld [tilespmem:s29+$0x1B900]  }
0x368: {  	v25 =	vbroadcast v9, $0x2;
	v24 =	vld [tilespmem:s29+$0x1B590];
	v15 =	vmul.f32 v62, v57;
	[tilespmem:s8+$0x1DDC0] =	vst v6  }
0x369: {  	v27 =	vbroadcast v10, $0x2;
	[tilespmem:s30+$0x1DDC0] =	vst v21;
	v12 =	vmul.f32 v22, v59;
	v26 =	vld [tilespmem:s29+$0x1B610]  }
0x36a: {  	v29 =	vbroadcast v5, $0x2;
	v28 =	vld [tilespmem:s29+$0x1B690];
	v16 =	vmul.f32 v25, v61;
	[tilespmem:s4+$0x1DDC0] =	vst v15  }
0x36b: {  	v30 =	vbroadcast v2, $0x3;
	[tilespmem:s13+$0x1DDC0] =	vst v12;
	v31 =	vld [tilespmem:s29+$0x1B710];
	v13 =	vmul.f32 v27, v63  }
0x36c: {  	v32 =	vbroadcast v3, $0x3;
	v33 =	vld [tilespmem:s29+$0x1B790];
	[tilespmem:s14+$0x1DDC0] =	vst v16;
	v14 =	vmul.f32 v29, v23  }
0x36d: {  	v34 =	vbroadcast v4, $0x3;
	v6 =	vmul.f32 v30, v24;
	v35 =	vld [tilespmem:s29+$0x1B810];
	[tilespmem:s15+$0x1DDC0] =	vst v13  }
0x36e: {  	v36 =	vbroadcast v7, $0x3;
	v11 =	vmul.f32 v32, v26;
	v37 =	vld [tilespmem:s29+$0x1B890];
	[tilespmem:s10+$0x1DDC0] =	vst v14  }
0x36f: {  	v39 =	vbroadcast v8, $0x3;
	v38 =	vmul.f32 v34, v28;
	[tilespmem:s9+$0x1DDD0] =	vst v6;
	v40 =	vld [tilespmem:s29+$0x1B910]  }
0x370: {  	v42 =	vbroadcast v9, $0x3;
	v41 =	vld [tilespmem:s29+$0x1B5A0];
	v16 =	vmul.f32 v36, v31;
	[tilespmem:s8+$0x1DDD0] =	vst v11  }
0x371: {  	v44 =	vbroadcast v10, $0x3;
	[tilespmem:s30+$0x1DDD0] =	vst v38;
	v12 =	vmul.f32 v39, v33;
	v43 =	vld [tilespmem:s29+$0x1B620]  }
0x372: {  	v46 =	vbroadcast v5, $0x3;
	v45 =	vld [tilespmem:s29+$0x1B6A0];
	v13 =	vmul.f32 v42, v35;
	[tilespmem:s4+$0x1DDD0] =	vst v16  }
0x373: {  	v47 =	vbroadcast v2, $0x4;
	[tilespmem:s13+$0x1DDD0] =	vst v12;
	v48 =	vld [tilespmem:s29+$0x1B720];
	v14 =	vmul.f32 v44, v37  }
0x374: {  	v49 =	vbroadcast v3, $0x4;
	v50 =	vld [tilespmem:s29+$0x1B7A0];
	[tilespmem:s14+$0x1DDD0] =	vst v13;
	v15 =	vmul.f32 v46, v40  }
0x375: {  	v51 =	vbroadcast v4, $0x4;
	v11 =	vmul.f32 v47, v41;
	v52 =	vld [tilespmem:s29+$0x1B820];
	[tilespmem:s15+$0x1DDD0] =	vst v14  }
0x376: {  	v53 =	vbroadcast v7, $0x4;
	v6 =	vmul.f32 v49, v43;
	v54 =	vld [tilespmem:s29+$0x1B8A0];
	[tilespmem:s10+$0x1DDD0] =	vst v15  }
0x377: {  	v56 =	vbroadcast v8, $0x4;
	v55 =	vmul.f32 v51, v45;
	[tilespmem:s9+$0x1DDE0] =	vst v11;
	v57 =	vld [tilespmem:s29+$0x1B920]  }
0x378: {  	v59 =	vbroadcast v9, $0x4;
	v58 =	vld [tilespmem:s29+$0x1B5B0];
	v13 =	vmul.f32 v53, v48;
	[tilespmem:s8+$0x1DDE0] =	vst v6  }
0x379: {  	v61 =	vbroadcast v10, $0x4;
	[tilespmem:s30+$0x1DDE0] =	vst v55;
	v12 =	vmul.f32 v56, v50;
	v60 =	vld [tilespmem:s29+$0x1B630]  }
0x37a: {  	v63 =	vbroadcast v5, $0x4;
	v62 =	vld [tilespmem:s29+$0x1B6B0];
	v14 =	vmul.f32 v59, v52;
	[tilespmem:s4+$0x1DDE0] =	vst v13  }
0x37b: {  	v21 =	vbroadcast v2, $0x5;
	[tilespmem:s13+$0x1DDE0] =	vst v12;
	v22 =	vld [tilespmem:s29+$0x1B730];
	v15 =	vmul.f32 v61, v54  }
0x37c: {  	v23 =	vbroadcast v3, $0x5;
	v24 =	vld [tilespmem:s29+$0x1B7B0];
	[tilespmem:s14+$0x1DDE0] =	vst v14;
	v16 =	vmul.f32 v63, v57  }
0x37d: {  	v25 =	vbroadcast v4, $0x5;
	v6 =	vmul.f32 v21, v58;
	v26 =	vld [tilespmem:s29+$0x1B830];
	[tilespmem:s15+$0x1DDE0] =	vst v15  }
0x37e: {  	v27 =	vbroadcast v7, $0x5;
	v11 =	vmul.f32 v23, v60;
	v28 =	vld [tilespmem:s29+$0x1B8B0];
	[tilespmem:s10+$0x1DDE0] =	vst v16  }
0x37f: {  	v30 =	vbroadcast v8, $0x5;
	v29 =	vmul.f32 v25, v62;
	[tilespmem:s9+$0x1DDF0] =	vst v6;
	v31 =	vld [tilespmem:s29+$0x1B930]  }
0x380: {  	v33 =	vbroadcast v9, $0x5;
	v32 =	vld [tilespmem:s29+$0x1B5C0];
	v14 =	vmul.f32 v27, v22;
	[tilespmem:s8+$0x1DDF0] =	vst v11  }
0x381: {  	v35 =	vbroadcast v10, $0x5;
	[tilespmem:s30+$0x1DDF0] =	vst v29;
	v12 =	vmul.f32 v30, v24;
	v34 =	vld [tilespmem:s29+$0x1B640]  }
0x382: {  	v37 =	vbroadcast v5, $0x5;
	v36 =	vld [tilespmem:s29+$0x1B6C0];
	v15 =	vmul.f32 v33, v26;
	[tilespmem:s4+$0x1DDF0] =	vst v14  }
0x383: {  	v38 =	vbroadcast v2, $0x6;
	[tilespmem:s13+$0x1DDF0] =	vst v12;
	v39 =	vld [tilespmem:s29+$0x1B740];
	v16 =	vmul.f32 v35, v28  }
0x384: {  	v40 =	vbroadcast v3, $0x6;
	v41 =	vld [tilespmem:s29+$0x1B7C0];
	[tilespmem:s14+$0x1DDF0] =	vst v15;
	v13 =	vmul.f32 v37, v31  }
0x385: {  	v42 =	vbroadcast v4, $0x6;
	v11 =	vmul.f32 v32, v38;
	v43 =	vld [tilespmem:s29+$0x1B840];
	[tilespmem:s15+$0x1DDF0] =	vst v16  }
0x386: {  	v44 =	vbroadcast v7, $0x6;
	v6 =	vmul.f32 v34, v40;
	v45 =	vld [tilespmem:s29+$0x1B8C0];
	[tilespmem:s10+$0x1DDF0] =	vst v13  }
0x387: {  	v47 =	vbroadcast v8, $0x6;
	v46 =	vmul.f32 v36, v42;
	[tilespmem:s9+$0x1DE00] =	vst v11;
	v48 =	vld [tilespmem:s29+$0x1B940]  }
0x388: {  	v50 =	vbroadcast v9, $0x6;
	v49 =	vld [tilespmem:s29+$0x1B5D0];
	v15 =	vmul.f32 v39, v44;
	[tilespmem:s8+$0x1DE00] =	vst v6  }
0x389: {  	v52 =	vbroadcast v10, $0x6;
	[tilespmem:s30+$0x1DE00] =	vst v46;
	v12 =	vmul.f32 v41, v47;
	v51 =	vld [tilespmem:s29+$0x1B650]  }
0x38a: {  	v54 =	vbroadcast v5, $0x6;
	v53 =	vld [tilespmem:s29+$0x1B6D0];
	v16 =	vmul.f32 v43, v50;
	[tilespmem:s4+$0x1DE00] =	vst v15  }
0x38b: {  	v2 =	vbroadcast v2, $0x7;
	[tilespmem:s13+$0x1DE00] =	vst v12;
	v56 =	vld [tilespmem:s29+$0x1B750];
	v55 =	vmul.f32 v45, v52  }
0x38c: {  	v3 =	vbroadcast v3, $0x7;
	v57 =	vld [tilespmem:s29+$0x1B7D0];
	[tilespmem:s14+$0x1DE00] =	vst v16;
	v14 =	vmul.f32 v48, v54  }
0x38d: {  	v4 =	vbroadcast v4, $0x7;
	v2 =	vmul.f32 v49, v2;
	v58 =	vld [tilespmem:s29+$0x1B850];
	[tilespmem:s15+$0x1DE00] =	vst v55  }
0x38e: {  	v7 =	vbroadcast v7, $0x7;
	v3 =	vmul.f32 v51, v3;
	v59 =	vld [tilespmem:s29+$0x1B8D0];
	[tilespmem:s10+$0x1DE00] =	vst v14  }
0x38f: {  	v8 =	vbroadcast v8, $0x7;
	v4 =	vmul.f32 v53, v4;
	[tilespmem:s9+$0x1DE10] =	vst v2;
	v2 =	vld [tilespmem:s29+$0x1B950]  }
0x390: {  	v60 =	vbroadcast v9, $0x7;
	[tilespmem:s8+$0x1DE10] =	vst v3;
	v3 =	vmul.f32 v56, v7  }
0x391: {  	p1 =	slt.u32 s25, $0x1E;
	v62 =	vbroadcast v10, $0x7;
	[tilespmem:s30+$0x1DE10] =	vst v4;
	v61 =	vmul.f32 v57, v8  }
.Ltmp4:
0x392: {  	v5 =	vbroadcast v5, $0x7;
	[tilespmem:s4+$0x1DE10] =	vst v3;
	v3 =	vmul.f32 v58, v60;
	(pc) =	sbr.rel @p1 .LBB2_7-.Ltmp4, $4  }
0x393: {  	[tilespmem:s13+$0x1DE10] =	vst v61;
	v63 =	vmul.f32 v59, v62  }
0x394: {  	[tilespmem:s14+$0x1DE10] =	vst v3;
	v2 =	vmul.f32 v2, v5  }
0x395: {  	s30 =	sadd.s32 $0xA, s25;
	[tilespmem:s15+$0x1DE10] =	vst v63  }
0x396: {  	s25 =	smov.u32 s30;
	[tilespmem:s10+$0x1DE10] =	vst v2  }
.Ltmp5:
0x397: {  	(pc) =	sbr.rel @p0 .LBB2_10-.Ltmp5, $2  }
0x398: {  	_ =	sdelay $0x2  }
0x399: {  	[spmem:s3] =	stream.indirect.scatter.add.f32 [tilespmem:s21], [sflag:$0x6], $0x88, s20, s2, $0xb8;
	[tilespmem:$0x1F330] =	vst v63  }
0x39a: {  	_ =	swait.ge [sflag:s12], $0x50  }
0x39b: {  	[sflag:s12] =	ssyncset.done $0x0  }
0x39c: {  	s4 =	simm.s32 $0x16460;
	[sflag:s12] =	ssyncadd.s32 $0xFFFFFFB0  }
0x39d: {  	[tilespmem:s4], [sflag:$0x4] =	stream.indirect.gather [hbm4b:s1+s2], $0x80, s11, s2, $0xb8;
	[tilespmem:$0x1F330] =	vst v63  }
.Ltmp6:
0x39e: {  	_ = 	snop;
	(pc) =	sbr.rel .LBB2_4-.Ltmp6, $4  }
0x39f: {  	s30 =	simm.s32 $0x15038;
	s8 =	simm.s32 $0x18C60  }
0x3a0: {  	[tilespmem:s8], [sflag:$0x4] =	stream.indirect.gather [hbm4b:s5+s2], $0x80, s30, s2, $0xb8;
	[tilespmem:$0x1F330] =	vst v63  }
0x3a1: {  	s24 =	sadd.s32 $0x1, s24  }
0x3a2: {  	[tilespmem:s16], [sflag:$0x4] =	stream.indirect.gather [hbm4b:s6+s2], $0x80, s11, s2, $0xb8;
	[tilespmem:$0x1F330] =	vst v63  }
.LBB2_11:
0x3a3: {  	_ =	sfence.sel $0x180000  }
0x3a4: {  	[bflag:$0x0] =	sbarrier.arrive $0xFFFF  }
0x3a5: {  	_ =	strace $0x90000047  }
0x3a6: {  	s0 =	stileid.u32;
	[bflag:$0x2] =	sbarrier.arrive $0xFFFF  }
0x3a7: {  	p0 =	sne.s32 s0, $0x0;
	s0 =	rddreg [dreg:$0x3]  }
0x3a8: {  	s0 =	sadd.s32 @!p0 $0x100000, s0  }
0x3a9: {  	[sflag:s0] =	ssyncadd.tile.s32 @!p0 $0x1;
	_ =	shalt  }
.Lfunc_end2:
_tile_overlayer_lowered:
.L_overlay_start_2:
0x3aa: {  	(tag) =	ssettag $0x2  }
0x3ab: {  	s0 =	rddreg [dreg:$0x0];
	s2 =	stileid.u32  }
0x3ac: {  	s1 =	rddreg [dreg:$0x1];
	p0 =	sne.s32 s2, $0x0  }
0x3ad: {  	s3 =	rddreg [dreg:$0x2];
	[bflag:$0x3] =	sbarrier.arrive $0xFFFF;
	s2 =	simm.s32 @!p0 $0x1C07  }
0x3ae: {  	[timem:s3], [sflag:s2] =	dma.local @!p0 [hbm:s0], s1  }
0x3af: {  	s0 =	simm.s32 @!p0 $0x7  }
0x3b0: {  	_ =	swait.ge @!p0 [sflag:s0], s1  }
0x3b1: {  	s1 =	ssub.s32 @!p0 $0x0, s1;
	[sflag:s0] =	ssyncset.done @!p0 $0x0  }
0x3b2: {  	[sflag:s0] =	ssyncadd.s32 @!p0 s1  }
0x3b3: {  	[bflag:$0x3] =	sbarrier.arrive $0xFFFF  }
0x3b4: {  	_ =	shalt  }

</sc_bundles>
